<compile_context>
chip_gen: v7x
topology: tpu7x:2x2x1
jax: 0.10.2.dev20260603
libtpu: 0.0.44.dev20260713+nightly
codegen_flags: <defaults>
</compile_context>

<pallas_src>
import struct

import jax
import jax.numpy as jnp
from jax import lax
from jax.experimental import pallas as pl
from jax.experimental.pallas import tpu as pltpu
from jax.experimental.pallas import tpu_sc as plsc

BATCH = 8
NUM_BOXES = 20000
UNITS = 128

_INFO = plsc.get_sparse_core_info()
_NC, _NS, _L = _INFO.num_cores, _INFO.num_subcores, _INFO.num_lanes
_ROWS = BATCH * NUM_BOXES
_ROWS_PER_CORE = BATCH // _NC
_PARTS = _NS // _ROWS_PER_CORE
_VBLK = NUM_BOXES // _L
_NBINS = 256
_HIST = _NBINS * _L
_CAP = NUM_BOXES + 2 * _L
_W = 48
_NBUF = 5

_INT_MIN = -2147483648


def _desc_key(raw_bits):
    u = jnp.where(raw_bits == _INT_MIN, 0, raw_bits)
    return jnp.where(u < 0, u, u ^ 0x7FFFFFFF)


def _skey_of(score):
    u = struct.unpack("<i", struct.pack("<f", score))[0]
    k = u if u < 0 else u ^ 0x7FFFFFFF
    s = (k ^ 0x80000000) & 0xFFFFFFFF
    return s - (1 << 32) if s >= (1 << 31) else s


_PIVOTS = [0.6744897501960817, 0.0, -0.6744897501960817]
_BOUNDS = [_skey_of(p) for p in _PIVOTS]


def _sc_kernel(scores_hbm, enc_hbm, out_hbm,
               keys_a, keys_c, vals_a, stage_v, hist,
               cnt_stage, cnt_all, rows_v, row1, oidx_v,
               counts_sp, gsems, ssems, tsem):
    c = lax.axis_index("c")
    s = lax.axis_index("s")
    row_local = s // _PARTS
    q = s % _PARTS
    row = c * _ROWS_PER_CORE + row_local
    lane = jnp.arange(_L, dtype=jnp.int32)
    ones = jnp.ones((_L,), jnp.int32)
    zeros = jnp.zeros((_L,), jnp.int32)

    pltpu.sync_copy(scores_hbm.at[row], stage_v)

    lo = jnp.where(q == 0, _INT_MIN, 0)
    for i, b in enumerate(_BOUNDS):
        lo = jnp.where(q == i + 1, b, lo)
    hi = jnp.where(q == _PARTS - 1, 0x7FFFFFFF, 0)
    for i, b in enumerate(_BOUNDS):
        hi = jnp.where(q == i, b, hi)

    def _filter(t, n):
        k = _desc_key(stage_v[pl.ds(t * _L, _L)])
        sk = k ^ _INT_MIN
        m = (sk >= lo) & (sk < hi)
        plsc.store_compressed(keys_a.at[pl.ds(n, _L)], k, mask=m)
        plsc.store_compressed(vals_a.at[pl.ds(n, _L)], t * _L + lane, mask=m)
        return n + plsc.all_reduce_population_count(m)[0]
    n = lax.fori_loop(0, _VBLK, _filter, jnp.int32(0))

    nblk = ((n + _L - 1) // _L) | 1

    cnt_stage[pl.ds(0, _L)] = jnp.full((_L,), n, jnp.int32)
    pltpu.sync_copy(cnt_stage.at[pl.ds(0, 8)], counts_sp.at[pl.ds(s * 8, 8)])
    plsc.subcore_barrier()
    pltpu.sync_copy(counts_sp, cnt_all)
    counts16 = plsc.load_gather(cnt_all, [lane * 8])
    sel = (lane >= row_local * _PARTS) & (lane < row_local * _PARTS + q)
    base = jnp.sum(jnp.where(sel, counts16, 0))

    passes = [
        (keys_a, vals_a, keys_c, stage_v, 0, False, False),
        (keys_c, stage_v, keys_a, None, 8, True, False),
        (keys_a, None, keys_c, None, 16, False, True),
        (keys_c, None, None, vals_a, 24, False, True),
    ]
    for src_k, src_v, dst_k, dst_v, sh, pack_dst, packed in passes:
        shift = jnp.int32(sh)

        def _zero(i, _):
            hist[pl.ds(i * _L, _L)] = zeros
            return 0
        lax.fori_loop(0, _NBINS, _zero, 0)

        def _hist(t, _):
            lidx = lane * nblk + t
            m = lidx < n
            k = plsc.load_gather(src_k, [lidx], mask=m)
            d = lax.shift_right_logical(k, shift) & (_NBINS - 1)
            plsc.addupdate_scatter(hist, [d * _L + lane], ones, mask=m)
            return 0
        lax.fori_loop(0, nblk, _hist, 0)

        def _scan(i, carry):
            v = hist[pl.ds(i * _L, _L)]
            incl = plsc.cumsum(v)
            hist[pl.ds(i * _L, _L)] = incl - v + carry
            return carry + incl[_L - 1]
        lax.fori_loop(0, _NBINS, _scan, jnp.int32(0))

        def _place(t, _):
            lidx = lane * nblk + t
            m = lidx < n
            k = plsc.load_gather(src_k, [lidx], mask=m)
            d = lax.shift_right_logical(k, shift) & (_NBINS - 1)
            oidx = d * _L + lane
            off = plsc.load_gather(hist, [oidx])
            if src_v is not None:
                v = plsc.load_gather(src_v, [lidx], mask=m)
            if pack_dst:
                pk = (k & -65536) | v
                plsc.store_scatter(dst_k, [off], pk, mask=m)
            elif dst_v is vals_a and packed:
                plsc.store_scatter(dst_v, [off], k & 0xFFFF, mask=m)
            else:
                plsc.store_scatter(dst_k, [off], k, mask=m)
                if dst_v is not None:
                    plsc.store_scatter(dst_v, [off], v, mask=m)
            plsc.addupdate_scatter(hist, [oidx], ones, mask=m)
            return 0
        lax.fori_loop(0, nblk, _place, 0)

    out_base = row * NUM_BOXES + base
    nwin = n // _W

    def _start_g(w, b):
        pltpu.async_copy(
            enc_hbm.at[vals_a.at[pl.ds(w * _W, _W)]], rows_v[b], gsems[b])

    for b in range(_NBUF):
        @pl.when(b < nwin)
        def _():
            _start_g(b, b)

    def _outer(g, _):
        for b in range(_NBUF):
            w = g * _NBUF + b

            @pl.when(w < nwin)
            def _():
                pltpu.make_async_copy(
                    enc_hbm.at[vals_a.at[pl.ds(w * _W, _W)]], rows_v[b],
                    gsems[b]).wait()
                for i in range(_W // _L):
                    oidx_v[pl.ds(i * _L, _L)] = out_base + w * _W + i * _L + lane
                pltpu.async_copy(
                    rows_v[b], out_hbm.at[oidx_v], ssems[b]).wait()

                @pl.when(w + _NBUF < nwin)
                def _():
                    _start_g(w + _NBUF, b)
        return 0
    lax.fori_loop(0, (nwin + _NBUF - 1) // _NBUF, _outer, 0)

    def _tail(t, _):
        gidx = plsc.load_gather(vals_a, [jnp.full((_L,), t, jnp.int32)])
        oidx_v[pl.ds(0, _L)] = gidx
        oidx_v[pl.ds(_L, _L)] = jnp.full((_L,), out_base + t, jnp.int32)
        pltpu.async_copy(
            enc_hbm.at[oidx_v.at[pl.ds(0, 1)]], row1, tsem).wait()
        pltpu.async_copy(
            row1, out_hbm.at[oidx_v.at[pl.ds(_L, 1)]], tsem).wait()
        return 0
    lax.fori_loop(nwin * _W, n, _tail, 0)


@jax.jit
def kernel(scores, encodings):
    scores_bits = lax.bitcast_convert_type(scores, jnp.int32)
    mesh = plsc.VectorSubcoreMesh(core_axis_name="c", subcore_axis_name="s")
    out = pl.kernel(
        _sc_kernel,
        mesh=mesh,
        compiler_params=pltpu.CompilerParams(needs_layout_passes=False),
        out_type=jax.ShapeDtypeStruct((_ROWS, UNITS), jnp.float32),
        scratch_types=[
            pltpu.VMEM((_CAP,), jnp.int32),
            pltpu.VMEM((_CAP,), jnp.int32),
            pltpu.VMEM((_CAP,), jnp.int32),
            pltpu.VMEM((NUM_BOXES,), jnp.int32),
            pltpu.VMEM((_HIST,), jnp.int32),
            pltpu.VMEM((_L,), jnp.int32),
            pltpu.VMEM((8 * _NS,), jnp.int32),
            [pltpu.VMEM((_W, UNITS), jnp.float32) for _ in range(_NBUF)],
            pltpu.VMEM((1, UNITS), jnp.float32),
            pltpu.VMEM((_W,), jnp.int32),
            pltpu.VMEM_SHARED((8 * _NS,), jnp.int32),
            [pltpu.SemaphoreType.DMA for _ in range(_NBUF)],
            [pltpu.SemaphoreType.DMA for _ in range(_NBUF)],
            pltpu.SemaphoreType.DMA,
        ],
    )(scores_bits, encodings)
    return lax.stop_gradient(out.reshape(BATCH, NUM_BOXES, UNITS))

# --- scband reference (transcript-rebuilt; emitter-appended) ---
"""Pipeline reference for scband-positional-encoding-70325794505463 (READ-ONLY COPY).

The authoritative reference and input builder live on the scoring server;
editing this copy changes nothing except your own understanding.
"""

import jax, jax.numpy as jnp
import numpy as np

BATCH = 8
NUM_BOXES = 20000
UNITS = 128


def _positional_encoding(position, d_model_size):
    pos = np.arange(position)[:, np.newaxis]
    i = np.arange(d_model_size)[np.newaxis, :]
    angle_rates = 1.0 / np.power(10000, 2 * (i // 2) / np.float32(d_model_size))
    angle_rads = pos * angle_rates
    sines = np.sin(angle_rads[:, 0::2])
    cosines = np.cos(angle_rads[:, 1::2])
    return jnp.asarray(np.concatenate([sines, cosines], axis=-1), dtype=jnp.float32)


def setup_inputs(seed: int = 0):
    key = jax.random.key(seed)
    scores = jax.random.normal(key, (BATCH, NUM_BOXES), dtype=jnp.float32)
    # Deterministic positional-encoding table built in Layer.build():
    # row i is the sin/cos encoding of rank position i (shape [NUM_BOXES, UNITS]).
    encodings = _positional_encoding(NUM_BOXES, UNITS)
    return {"scores": scores, "encodings": encodings}


def reference(scores, encodings):
    # tf.argsort(scores, direction='DESCENDING')
    arg_ordered_scores = jnp.argsort(-scores, axis=-1)
    # tf.gather(encodings, arg_ordered_scores) -> [batch, num_boxes, units]
    encoding = jnp.take(encodings, arg_ordered_scores, axis=0)
    return jax.lax.stop_gradient(encoding)

if __name__ == "__main__":
    import jax
    _d = setup_inputs()
    print(jax.jit(kernel)(*tuple(_d.values())))

</pallas_src>

<mosaic_0001>
#map = affine_map<(d0, d1) -> (0, 0)>
module attributes {stable_mosaic.version = 14 : i64} {
  func.func @_sc_kernel(%arg0: i32, %arg1: i32, %arg2: memref<8x20000xi32, #tpu.memory_space<hbm>>, %arg3: memref<20000x128xf32, #tpu.memory_space<hbm>>, %arg4: memref<160000x128xf32, #tpu.memory_space<hbm>>, %arg5: memref<20032xi32, #tpu.memory_space<vmem>>, %arg6: memref<20032xi32, #tpu.memory_space<vmem>>, %arg7: memref<20032xi32, #tpu.memory_space<vmem>>, %arg8: memref<20000xi32, #tpu.memory_space<vmem>>, %arg9: memref<4096xi32, #tpu.memory_space<vmem>>, %arg10: memref<16xi32, #tpu.memory_space<vmem>>, %arg11: memref<128xi32, #tpu.memory_space<vmem>>, %arg12: memref<48x128xf32, #tpu.memory_space<vmem>>, %arg13: memref<48x128xf32, #tpu.memory_space<vmem>>, %arg14: memref<48x128xf32, #tpu.memory_space<vmem>>, %arg15: memref<48x128xf32, #tpu.memory_space<vmem>>, %arg16: memref<48x128xf32, #tpu.memory_space<vmem>>, %arg17: memref<1x128xf32, #tpu.memory_space<vmem>>, %arg18: memref<48xi32, #tpu.memory_space<vmem>>, %arg19: memref<128xi32, #tpu.memory_space<vmem_shared>>, %arg20: memref<!tpu.dma_semaphore, #tpu.memory_space<semaphore_mem>>, %arg21: memref<!tpu.dma_semaphore, #tpu.memory_space<semaphore_mem>>, %arg22: memref<!tpu.dma_semaphore, #tpu.memory_space<semaphore_mem>>, %arg23: memref<!tpu.dma_semaphore, #tpu.memory_space<semaphore_mem>>, %arg24: memref<!tpu.dma_semaphore, #tpu.memory_space<semaphore_mem>>, %arg25: memref<!tpu.dma_semaphore, #tpu.memory_space<semaphore_mem>>, %arg26: memref<!tpu.dma_semaphore, #tpu.memory_space<semaphore_mem>>, %arg27: memref<!tpu.dma_semaphore, #tpu.memory_space<semaphore_mem>>, %arg28: memref<!tpu.dma_semaphore, #tpu.memory_space<semaphore_mem>>, %arg29: memref<!tpu.dma_semaphore, #tpu.memory_space<semaphore_mem>>, %arg30: memref<!tpu.dma_semaphore, #tpu.memory_space<semaphore_mem>>) attributes {dimension_semantics = [#tpu.dimension_semantics<core_parallel>, #tpu.dimension_semantics<subcore_parallel>], iteration_bounds = array<i64: 2, 16>, scalar_prefetch = 0 : i64, scratch_operands = 26 : i64, tpu.core_type = #tpu.core_type<sc_vector_subcore>, window_params = [{transform_indices = #map}, {transform_indices = #map}, {transform_indices = #map}]} {
    %jit3A = arith.constant 4 : i32
    %div3A = arith.divsi %arg1, %jit3A : i32
    %sign3A = arith.constant 0 : i32
    %sign3A_0 = arith.cmpi sgt, %arg1, %sign3A : i32
    %sign3A_1 = arith.extui %sign3A_0 : i1 to i32
    %sign3A_2 = arith.constant 0 : i32
    %sign3A_3 = arith.cmpi slt, %arg1, %sign3A_2 : i32
    %sign3A_4 = arith.extui %sign3A_3 : i1 to i32
    %sign3A_5 = arith.subi %sign3A_1, %sign3A_4 : i32
    %sign3A_6 = arith.constant 0 : i32
    %sign3A_7 = arith.cmpi sgt, %jit3A, %sign3A_6 : i32
    %sign3A_8 = arith.extui %sign3A_7 : i1 to i32
    %sign3A_9 = arith.constant 0 : i32
    %sign3A_10 = arith.cmpi slt, %jit3A, %sign3A_9 : i32
    %sign3A_11 = arith.extui %sign3A_10 : i1 to i32
    %sign3A_12 = arith.subi %sign3A_8, %sign3A_11 : i32
    %ne3A = arith.cmpi ne, %sign3A_5, %sign3A_12 : i32
    %rem3A = arith.remsi %arg1, %jit3A : i32
    %ne3A_13 = arith.constant 0 : i32
    %ne3A_14 = arith.cmpi ne, %rem3A, %ne3A_13 : i32
    %and3A = arith.andi %ne3A, %ne3A_14 : i1
    %sub3A = arith.constant 1 : i32
    %sub3A_15 = arith.subi %div3A, %sub3A : i32
    %select_n3A = arith.select %and3A, %sub3A_15, %div3A : i32
    %jit3A_16 = arith.constant 4 : i32
    %eq3A = arith.constant 0 : i32
    %eq3A_17 = arith.cmpi eq, %jit3A_16, %eq3A : i32
    %jit3A_18 = arith.constant 1 : i32
    %select_n3A_19 = arith.select %eq3A_17, %jit3A_18, %jit3A_16 : i32
    %rem3A_20 = arith.remsi %arg1, %select_n3A_19 : i32
    %ne3A_21 = arith.constant 0 : i32
    %ne3A_22 = arith.cmpi ne, %rem3A_20, %ne3A_21 : i32
    %lt3A = arith.constant 0 : i32
    %lt3A_23 = arith.cmpi slt, %rem3A_20, %lt3A : i32
    %lt3A_24 = arith.constant 0 : i32
    %lt3A_25 = arith.cmpi slt, %select_n3A_19, %lt3A_24 : i32
    %ne3A_26 = arith.xori %lt3A_23, %lt3A_25 : i1
    %and3A_27 = arith.andi %ne3A_26, %ne3A_22 : i1
    %add3A = arith.addi %rem3A_20, %select_n3A_19 : i32
    %select_n3A_28 = arith.select %and3A_27, %add3A, %rem3A_20 : i32
    %mul3A = arith.constant 4 : i32
    %mul3A_29 = arith.muli %arg0, %mul3A : i32
    %add3A_30 = arith.addi %mul3A_29, %select_n3A : i32
    %iota3A = tpu.iota {dimensions = array<i32: 0>} : vector<16xi32>
    %broadcast_in_dim3A = arith.constant 1 : i32
    %broadcast_in_dim3A_31 = vector.broadcast %broadcast_in_dim3A : i32 to vector<16xi32>
    %broadcast_in_dim3A_32 = arith.constant 0 : i32
    %broadcast_in_dim3A_33 = vector.broadcast %broadcast_in_dim3A_32 : i32 to vector<16xi32>
    "tpu.region"() ({
      %run_scoped3A = tpu.sem_alloc : memref<!tpu.dma_semaphore, #tpu.memory_space<semaphore_mem>>
      %dma_start3A = arith.constant 0 : i32
      %dma_start3A_386 = tpu.memref_slice %arg2[%add3A_30, %dma_start3A] : memref<8x20000xi32, #tpu.memory_space<hbm>> -> memref<1x20000xi32, #tpu.memory_space<hbm>>
      %dma_start3A_387 = tpu.memref_squeeze %dma_start3A_386 : memref<1x20000xi32, #tpu.memory_space<hbm>> -> memref<20000xi32, #tpu.memory_space<hbm>>
      %dma_start3A_388 = arith.constant 0 : i32
      %dma_start3A_389 = tpu.memref_slice %arg2[%add3A_30, %dma_start3A_388] : memref<8x20000xi32, #tpu.memory_space<hbm>> -> memref<1x20000xi32, #tpu.memory_space<hbm>>
      %dma_start3A_390 = tpu.memref_squeeze %dma_start3A_389 : memref<1x20000xi32, #tpu.memory_space<hbm>> -> memref<20000xi32, #tpu.memory_space<hbm>>
      tpu.enqueue_dma source(%dma_start3A_390 : memref<20000xi32, #tpu.memory_space<hbm>>) target(%arg8 : memref<20000xi32, #tpu.memory_space<vmem>>) target_semaphore(%run_scoped3A : memref<!tpu.dma_semaphore, #tpu.memory_space<semaphore_mem>>)
      %dma_wait3A = arith.constant 0 : i32
      %dma_wait3A_391 = tpu.memref_slice %arg2[%add3A_30, %dma_wait3A] : memref<8x20000xi32, #tpu.memory_space<hbm>> -> memref<1x20000xi32, #tpu.memory_space<hbm>>
      %dma_wait3A_392 = tpu.memref_squeeze %dma_wait3A_391 : memref<1x20000xi32, #tpu.memory_space<hbm>> -> memref<20000xi32, #tpu.memory_space<hbm>>
      %dma_wait3A_393 = arith.constant 0 : i32
      %dma_wait3A_394 = tpu.memref_slice %arg2[%add3A_30, %dma_wait3A_393] : memref<8x20000xi32, #tpu.memory_space<hbm>> -> memref<1x20000xi32, #tpu.memory_space<hbm>>
      %dma_wait3A_395 = tpu.memref_squeeze %dma_wait3A_394 : memref<1x20000xi32, #tpu.memory_space<hbm>> -> memref<20000xi32, #tpu.memory_space<hbm>>
      tpu.wait_dma2 semaphore(%run_scoped3A : memref<!tpu.dma_semaphore, #tpu.memory_space<semaphore_mem>>) src(%dma_wait3A_395 : memref<20000xi32, #tpu.memory_space<hbm>>) dst(%arg8 : memref<20000xi32, #tpu.memory_space<vmem>>)
      tpu.yield
    }) : () -> ()
    %eq3A_34 = arith.constant 0 : i32
    %eq3A_35 = arith.cmpi eq, %select_n3A_28, %eq3A_34 : i32
    %jit3A_36 = arith.constant -2147483648 : i32
    %jit3A_37 = arith.constant 0 : i32
    %select_n3A_38 = arith.select %eq3A_35, %jit3A_36, %jit3A_37 : i32
    %eq3A_39 = arith.constant 1 : i32
    %eq3A_40 = arith.cmpi eq, %select_n3A_28, %eq3A_39 : i32
    %jit3A_41 = arith.constant -1059892061 : i32
    %select_n3A_42 = arith.select %eq3A_40, %jit3A_41, %select_n3A_38 : i32
    %eq3A_43 = arith.constant 2 : i32
    %eq3A_44 = arith.cmpi eq, %select_n3A_28, %eq3A_43 : i32
    %jit3A_45 = arith.constant -1 : i32
    %select_n3A_46 = arith.select %eq3A_44, %jit3A_45, %select_n3A_42 : i32
    %eq3A_47 = arith.constant 3 : i32
    %eq3A_48 = arith.cmpi eq, %select_n3A_28, %eq3A_47 : i32
    %jit3A_49 = arith.constant 1059892060 : i32
    %select_n3A_50 = arith.select %eq3A_48, %jit3A_49, %select_n3A_46 : i32
    %eq3A_51 = arith.constant 3 : i32
    %eq3A_52 = arith.cmpi eq, %select_n3A_28, %eq3A_51 : i32
    %jit3A_53 = arith.constant 2147483647 : i32
    %jit3A_54 = arith.constant 0 : i32
    %select_n3A_55 = arith.select %eq3A_52, %jit3A_53, %jit3A_54 : i32
    %eq3A_56 = arith.constant 0 : i32
    %eq3A_57 = arith.cmpi eq, %select_n3A_28, %eq3A_56 : i32
    %jit3A_58 = arith.constant -1059892061 : i32
    %select_n3A_59 = arith.select %eq3A_57, %jit3A_58, %select_n3A_55 : i32
    %eq3A_60 = arith.constant 1 : i32
    %eq3A_61 = arith.cmpi eq, %select_n3A_28, %eq3A_60 : i32
    %jit3A_62 = arith.constant -1 : i32
    %select_n3A_63 = arith.select %eq3A_61, %jit3A_62, %select_n3A_59 : i32
    %eq3A_64 = arith.constant 2 : i32
    %eq3A_65 = arith.cmpi eq, %select_n3A_28, %eq3A_64 : i32
    %jit3A_66 = arith.constant 1059892060 : i32
    %select_n3A_67 = arith.select %eq3A_65, %jit3A_66, %select_n3A_63 : i32
    %scan3A = arith.constant 0 : i32
    %scan3A_68 = arith.constant 0 : i32
    %scan3A_69 = arith.constant 1250 : i32
    %scan3A_70 = arith.addi %scan3A_68, %scan3A_69 : i32
    %scan3A_71 = arith.constant 1 : i32
    %scan3A_72 = scf.for %scan3A_386 = %scan3A_68 to %scan3A_70 step %scan3A_71 iter_args(%scan3A_387 = %scan3A) -> (i32)  : i32 {
      %mul3A_388 = arith.constant 16 : i32
      %mul3A_389 = arith.muli %scan3A_386, %mul3A_388 : i32
      %get3A = arith.index_cast %mul3A_389 : i32 to index
      %get3A_390 = tpu.vector_load %arg8[%get3A] {strides = array<i32>} : memref<20000xi32, #tpu.memory_space<vmem>>, vector<16xi32>,
      %eq3A_391 = arith.constant -2147483648 : i32
      %eq3A_392 = vector.broadcast %eq3A_391 : i32 to vector<16xi32>
      %eq3A_393 = arith.cmpi eq, %get3A_390, %eq3A_392 : vector<16xi32>
      %jit3A_394 = arith.constant 0 : i32
      %broadcast_in_dim3A_395 = vector.broadcast %jit3A_394 : i32 to vector<16xi32>
      %select_n3A_396 = arith.select %eq3A_393, %broadcast_in_dim3A_395, %get3A_390 : vector<16xi1>, vector<16xi32>
      %lt3A_397 = arith.constant 0 : i32
      %lt3A_398 = vector.broadcast %lt3A_397 : i32 to vector<16xi32>
      %lt3A_399 = arith.cmpi slt, %select_n3A_396, %lt3A_398 : vector<16xi32>
      %xor3A = arith.constant 2147483647 : i32
      %xor3A_400 = vector.broadcast %xor3A : i32 to vector<16xi32>
      %xor3A_401 = arith.xori %select_n3A_396, %xor3A_400 : vector<16xi32>
      %select_n3A_402 = arith.select %lt3A_399, %select_n3A_396, %xor3A_401 : vector<16xi1>, vector<16xi32>
      %xor3A_403 = arith.constant -2147483648 : i32
      %xor3A_404 = vector.broadcast %xor3A_403 : i32 to vector<16xi32>
      %xor3A_405 = arith.xori %select_n3A_402, %xor3A_404 : vector<16xi32>
      %ge3A_406 = vector.broadcast %select_n3A_50 : i32 to vector<16xi32>
      %ge3A_407 = arith.cmpi sge, %xor3A_405, %ge3A_406 : vector<16xi32>
      %lt3A_408 = vector.broadcast %select_n3A_67 : i32 to vector<16xi32>
      %lt3A_409 = arith.cmpi slt, %xor3A_405, %lt3A_408 : vector<16xi32>
      %and3A_410 = arith.andi %ge3A_407, %lt3A_409 : vector<16xi1>
      %swap3A_411 = arith.index_cast %scan3A_387 : i32 to index
      %swap3A_412 = tpu.vector_load %arg5[%swap3A_411] masked %and3A_410 {strides = array<i32>} : memref<20032xi32, #tpu.memory_space<vmem>>, vector<16xi32>, vector<16xi1>
      tpu.vector_store %arg5[%swap3A_411], %select_n3A_402 masked %and3A_410 {strides = array<i32>} : memref<20032xi32, #tpu.memory_space<vmem>>, vector<16xi32>, vector<16xi1>
      %mul3A_413 = arith.constant 16 : i32
      %mul3A_414 = arith.muli %scan3A_386, %mul3A_413 : i32
      %add3A_415 = vector.broadcast %mul3A_414 : i32 to vector<16xi32>
      %add3A_416 = arith.addi %add3A_415, %iota3A : vector<16xi32>
      %swap3A_417 = arith.index_cast %scan3A_387 : i32 to index
      %swap3A_418 = tpu.vector_load %arg7[%swap3A_417] masked %and3A_410 {strides = array<i32>} : memref<20032xi32, #tpu.memory_space<vmem>>, vector<16xi32>, vector<16xi1>
      tpu.vector_store %arg7[%swap3A_417], %add3A_416 masked %and3A_410 {strides = array<i32>} : memref<20032xi32, #tpu.memory_space<vmem>>, vector<16xi32>, vector<16xi1>
      %all_reduce_population_count3A = tpu.all_reduce %and3A_410 {dim = 0 : i64, kind = #tpu.reduction_kind<sum>} : vector<16xi1> -> vector<16xi32>
      %slice3A = vector.extract_strided_slice %all_reduce_population_count3A {offsets = [0], sizes = [1], strides = [1]} : vector<16xi32> to vector<1xi32>
      %squeeze3A = vector.extract %slice3A[0] : i32 from vector<1xi32>
      %add3A_419 = arith.addi %scan3A_387, %squeeze3A : i32
      scf.yield %add3A_419 : i32
    }
    %scan3A_73 = arith.constant 1250 : i32
    %add3A_74 = arith.constant 16 : i32
    %add3A_75 = arith.addi %scan3A_72, %add3A_74 : i32
    %sub3A_76 = arith.constant 1 : i32
    %sub3A_77 = arith.subi %add3A_75, %sub3A_76 : i32
    %jit3A_78 = arith.constant 16 : i32
    %div3A_79 = arith.divsi %sub3A_77, %jit3A_78 : i32
    %sign3A_80 = arith.constant 0 : i32
    %sign3A_81 = arith.cmpi sgt, %sub3A_77, %sign3A_80 : i32
    %sign3A_82 = arith.extui %sign3A_81 : i1 to i32
    %sign3A_83 = arith.constant 0 : i32
    %sign3A_84 = arith.cmpi slt, %sub3A_77, %sign3A_83 : i32
    %sign3A_85 = arith.extui %sign3A_84 : i1 to i32
    %sign3A_86 = arith.subi %sign3A_82, %sign3A_85 : i32
    %sign3A_87 = arith.constant 0 : i32
    %sign3A_88 = arith.cmpi sgt, %jit3A_78, %sign3A_87 : i32
    %sign3A_89 = arith.extui %sign3A_88 : i1 to i32
    %sign3A_90 = arith.constant 0 : i32
    %sign3A_91 = arith.cmpi slt, %jit3A_78, %sign3A_90 : i32
    %sign3A_92 = arith.extui %sign3A_91 : i1 to i32
    %sign3A_93 = arith.subi %sign3A_89, %sign3A_92 : i32
    %ne3A_94 = arith.cmpi ne, %sign3A_86, %sign3A_93 : i32
    %rem3A_95 = arith.remsi %sub3A_77, %jit3A_78 : i32
    %ne3A_96 = arith.constant 0 : i32
    %ne3A_97 = arith.cmpi ne, %rem3A_95, %ne3A_96 : i32
    %and3A_98 = arith.andi %ne3A_94, %ne3A_97 : i1
    %sub3A_99 = arith.constant 1 : i32
    %sub3A_100 = arith.subi %div3A_79, %sub3A_99 : i32
    %select_n3A_101 = arith.select %and3A_98, %sub3A_100, %div3A_79 : i32
    %or3A = arith.constant 1 : i32
    %or3A_102 = arith.ori %select_n3A_101, %or3A : i32
    %broadcast_in_dim3A_103 = vector.broadcast %scan3A_72 : i32 to vector<16xi32>
    %swap3A = arith.constant 0 : index
    %swap3A_104 = tpu.vector_load %arg10[%swap3A] {strides = array<i32>} : memref<16xi32, #tpu.memory_space<vmem>>, vector<16xi32>,
    tpu.vector_store %arg10[%swap3A], %broadcast_in_dim3A_103 {strides = array<i32>} : memref<16xi32, #tpu.memory_space<vmem>>, vector<16xi32>,
    %mul3A_105 = arith.constant 8 : i32
    %mul3A_106 = arith.muli %arg1, %mul3A_105 : i32
    "tpu.region"() ({
      %run_scoped3A = tpu.sem_alloc : memref<!tpu.dma_semaphore, #tpu.memory_space<semaphore_mem>>
      %dma_start3A = arith.constant 0 : i32
      %dma_start3A_386 = tpu.memref_slice %arg10[%dma_start3A] : memref<16xi32, #tpu.memory_space<vmem>> -> memref<8xi32, #tpu.memory_space<vmem>>
      %dma_start3A_387 = tpu.memref_slice %arg19[%mul3A_106] : memref<128xi32, #tpu.memory_space<vmem_shared>> -> memref<8xi32, #tpu.memory_space<vmem_shared>>
      %dma_start3A_388 = tpu.memref_slice %arg19[%mul3A_106] : memref<128xi32, #tpu.memory_space<vmem_shared>> -> memref<8xi32, #tpu.memory_space<vmem_shared>>
      %dma_start3A_389 = arith.constant 0 : i32
      %dma_start3A_390 = tpu.memref_slice %arg10[%dma_start3A_389] : memref<16xi32, #tpu.memory_space<vmem>> -> memref<8xi32, #tpu.memory_space<vmem>>
      tpu.enqueue_dma source(%dma_start3A_390 : memref<8xi32, #tpu.memory_space<vmem>>) target(%dma_start3A_388 : memref<8xi32, #tpu.memory_space<vmem_shared>>) target_semaphore(%run_scoped3A : memref<!tpu.dma_semaphore, #tpu.memory_space<semaphore_mem>>)
      %dma_wait3A = arith.constant 0 : i32
      %dma_wait3A_391 = tpu.memref_slice %arg10[%dma_wait3A] : memref<16xi32, #tpu.memory_space<vmem>> -> memref<8xi32, #tpu.memory_space<vmem>>
      %dma_wait3A_392 = tpu.memref_slice %arg19[%mul3A_106] : memref<128xi32, #tpu.memory_space<vmem_shared>> -> memref<8xi32, #tpu.memory_space<vmem_shared>>
      %dma_wait3A_393 = tpu.memref_slice %arg19[%mul3A_106] : memref<128xi32, #tpu.memory_space<vmem_shared>> -> memref<8xi32, #tpu.memory_space<vmem_shared>>
      %dma_wait3A_394 = arith.constant 0 : i32
      %dma_wait3A_395 = tpu.memref_slice %arg10[%dma_wait3A_394] : memref<16xi32, #tpu.memory_space<vmem>> -> memref<8xi32, #tpu.memory_space<vmem>>
      tpu.wait_dma2 semaphore(%run_scoped3A : memref<!tpu.dma_semaphore, #tpu.memory_space<semaphore_mem>>) src(%dma_wait3A_395 : memref<8xi32, #tpu.memory_space<vmem>>) dst(%dma_wait3A_393 : memref<8xi32, #tpu.memory_space<vmem_shared>>)
      tpu.yield
    }) : () -> ()
    %barrier3A = arith.constant 0 : index
    tpu.barrier barrier_id(%barrier3A)
    "tpu.region"() ({
      %run_scoped3A = tpu.sem_alloc : memref<!tpu.dma_semaphore, #tpu.memory_space<semaphore_mem>>
      tpu.enqueue_dma source(%arg19 : memref<128xi32, #tpu.memory_space<vmem_shared>>) target(%arg11 : memref<128xi32, #tpu.memory_space<vmem>>) target_semaphore(%run_scoped3A : memref<!tpu.dma_semaphore, #tpu.memory_space<semaphore_mem>>)
      tpu.wait_dma2 semaphore(%run_scoped3A : memref<!tpu.dma_semaphore, #tpu.memory_space<semaphore_mem>>) src(%arg19 : memref<128xi32, #tpu.memory_space<vmem_shared>>) dst(%arg11 : memref<128xi32, #tpu.memory_space<vmem>>)
      tpu.yield
    }) : () -> ()
    %mul3A_107 = arith.constant 8 : i32
    %mul3A_108 = vector.broadcast %mul3A_107 : i32 to vector<16xi32>
    %mul3A_109 = arith.muli %iota3A, %mul3A_108 : vector<16xi32>
    %gather3A = tpu.vector_load_idx %arg11[%mul3A_109] : memref<128xi32, #tpu.memory_space<vmem>>[vector<16xi32>], vector<16xi32>,
    %mul3A_110 = arith.constant 4 : i32
    %mul3A_111 = arith.muli %select_n3A, %mul3A_110 : i32
    %ge3A = vector.broadcast %mul3A_111 : i32 to vector<16xi32>
    %ge3A_112 = arith.cmpi sge, %iota3A, %ge3A : vector<16xi32>
    %mul3A_113 = arith.constant 4 : i32
    %mul3A_114 = arith.muli %select_n3A, %mul3A_113 : i32
    %add3A_115 = arith.addi %mul3A_114, %select_n3A_28 : i32
    %lt3A_116 = vector.broadcast %add3A_115 : i32 to vector<16xi32>
    %lt3A_117 = arith.cmpi slt, %iota3A, %lt3A_116 : vector<16xi32>
    %and3A_118 = arith.andi %ge3A_112, %lt3A_117 : vector<16xi1>
    %jit3A_119 = arith.constant 0 : i32
    %broadcast_in_dim3A_120 = vector.broadcast %jit3A_119 : i32 to vector<16xi32>
    %select_n3A_121 = arith.select %and3A_118, %gather3A, %broadcast_in_dim3A_120 : vector<16xi1>, vector<16xi32>
    %reduce_sum3A = arith.constant true
    %reduce_sum3A_122 = vector.broadcast %reduce_sum3A : i1 to vector<16xi1>
    %reduce_sum3A_123 = tpu.scan <sum>, %select_n3A_121 masked %reduce_sum3A_122 : vector<16xi32>, vector<16xi1> -> vector<16xi32>
    %reduce_sum3A_124 = vector.extract %reduce_sum3A_123[15] : i32 from vector<16xi32>
    %scan3A_125 = arith.constant 0 : i32
    %scan3A_126 = arith.constant 0 : i32
    %scan3A_127 = arith.constant 256 : i32
    %scan3A_128 = arith.addi %scan3A_126, %scan3A_127 : i32
    %scan3A_129 = arith.constant 1 : i32
    %scan3A_130 = scf.for %scan3A_386 = %scan3A_126 to %scan3A_128 step %scan3A_129 iter_args(%scan3A_387 = %scan3A_125) -> (i32)  : i32 {
      %mul3A_388 = arith.constant 16 : i32
      %mul3A_389 = arith.muli %scan3A_386, %mul3A_388 : i32
      %swap3A_390 = arith.index_cast %mul3A_389 : i32 to index
      %swap3A_391 = tpu.vector_load %arg9[%swap3A_390] {strides = array<i32>} : memref<4096xi32, #tpu.memory_space<vmem>>, vector<16xi32>,
      tpu.vector_store %arg9[%swap3A_390], %broadcast_in_dim3A_33 {strides = array<i32>} : memref<4096xi32, #tpu.memory_space<vmem>>, vector<16xi32>,
      %scan3A_392 = arith.constant 0 : i32
      scf.yield %scan3A_392 : i32
    }
    %scan3A_131 = arith.constant 256 : i32
    %while3A = arith.constant 0 : i32
    %while3A_132 = arith.constant 0 : i32
    %while3A_133 = arith.constant 0 : i32
    %while3A_134 = arith.subi %or3A_102, %while3A_132 : i32
    %while3A_135 = arith.addi %while3A_132, %while3A_134 : i32
    %while3A_136 = arith.constant 1 : i32
    %while3A_137 = arith.divsi %while3A_134, %while3A_136 : i32
    %while3A_138 = arith.muli %while3A_137, %while3A_136 : i32
    %while3A_139 = arith.addi %while3A_132, %while3A_138 : i32
    %while3A_140 = arith.constant 1 : i32
    %while3A_141 = scf.for %while3A_386 = %while3A_132 to %while3A_139 step %while3A_140 iter_args(%while3A_387 = %while3A_133) -> (i32)  : i32 {
      %mul3A_388 = vector.broadcast %or3A_102 : i32 to vector<16xi32>
      %mul3A_389 = arith.muli %iota3A, %mul3A_388 : vector<16xi32>
      %add3A_390 = vector.broadcast %while3A_386 : i32 to vector<16xi32>
      %add3A_391 = arith.addi %mul3A_389, %add3A_390 : vector<16xi32>
      %lt3A_392 = vector.broadcast %scan3A_72 : i32 to vector<16xi32>
      %lt3A_393 = arith.cmpi slt, %add3A_391, %lt3A_392 : vector<16xi32>
      %gather3A_394 = tpu.vector_load_idx %arg5[%add3A_391] masked %lt3A_393 : memref<20032xi32, #tpu.memory_space<vmem>>[vector<16xi32>], vector<16xi32>, vector<16xi1>
      %shift_right_logical3A = vector.broadcast %while3A : i32 to vector<16xi32>
      %shift_right_logical3A_395 = arith.shrui %gather3A_394, %shift_right_logical3A : vector<16xi32>
      %and3A_396 = arith.constant 255 : i32
      %and3A_397 = vector.broadcast %and3A_396 : i32 to vector<16xi32>
      %and3A_398 = arith.andi %shift_right_logical3A_395, %and3A_397 : vector<16xi32>
      %mul3A_399 = arith.constant 16 : i32
      %mul3A_400 = vector.broadcast %mul3A_399 : i32 to vector<16xi32>
      %mul3A_401 = arith.muli %and3A_398, %mul3A_400 : vector<16xi32>
      %add3A_402 = arith.addi %mul3A_401, %iota3A : vector<16xi32>
      tpu.vector_store_idx %arg9[%add3A_402], %broadcast_in_dim3A_31 masked %lt3A_393 {add = true} : memref<4096xi32, #tpu.memory_space<vmem>>[vector<16xi32>], vector<16xi32>, vector<16xi1>
      %while3A_403 = arith.constant 0 : i32
      scf.yield %while3A_403 : i32
    }
    %while3A_142 = arith.constant 1 : i32
    %while3A_143 = scf.for %while3A_386 = %while3A_139 to %while3A_135 step %while3A_142 iter_args(%while3A_387 = %while3A_141) -> (i32)  : i32 {
      %mul3A_388 = vector.broadcast %or3A_102 : i32 to vector<16xi32>
      %mul3A_389 = arith.muli %iota3A, %mul3A_388 : vector<16xi32>
      %add3A_390 = vector.broadcast %while3A_386 : i32 to vector<16xi32>
      %add3A_391 = arith.addi %mul3A_389, %add3A_390 : vector<16xi32>
      %lt3A_392 = vector.broadcast %scan3A_72 : i32 to vector<16xi32>
      %lt3A_393 = arith.cmpi slt, %add3A_391, %lt3A_392 : vector<16xi32>
      %gather3A_394 = tpu.vector_load_idx %arg5[%add3A_391] masked %lt3A_393 : memref<20032xi32, #tpu.memory_space<vmem>>[vector<16xi32>], vector<16xi32>, vector<16xi1>
      %shift_right_logical3A = vector.broadcast %while3A : i32 to vector<16xi32>
      %shift_right_logical3A_395 = arith.shrui %gather3A_394, %shift_right_logical3A : vector<16xi32>
      %and3A_396 = arith.constant 255 : i32
      %and3A_397 = vector.broadcast %and3A_396 : i32 to vector<16xi32>
      %and3A_398 = arith.andi %shift_right_logical3A_395, %and3A_397 : vector<16xi32>
      %mul3A_399 = arith.constant 16 : i32
      %mul3A_400 = vector.broadcast %mul3A_399 : i32 to vector<16xi32>
      %mul3A_401 = arith.muli %and3A_398, %mul3A_400 : vector<16xi32>
      %add3A_402 = arith.addi %mul3A_401, %iota3A : vector<16xi32>
      tpu.vector_store_idx %arg9[%add3A_402], %broadcast_in_dim3A_31 masked %lt3A_393 {add = true} : memref<4096xi32, #tpu.memory_space<vmem>>[vector<16xi32>], vector<16xi32>, vector<16xi1>
      %while3A_403 = arith.constant 0 : i32
      scf.yield %while3A_403 : i32
    }
    %scan3A_144 = arith.constant 0 : i32
    %scan3A_145 = arith.constant 0 : i32
    %scan3A_146 = arith.constant 256 : i32
    %scan3A_147 = arith.addi %scan3A_145, %scan3A_146 : i32
    %scan3A_148 = arith.constant 1 : i32
    %scan3A_149 = scf.for %scan3A_386 = %scan3A_145 to %scan3A_147 step %scan3A_148 iter_args(%scan3A_387 = %scan3A_144) -> (i32)  : i32 {
      %mul3A_388 = arith.constant 16 : i32
      %mul3A_389 = arith.muli %scan3A_386, %mul3A_388 : i32
      %get3A = arith.index_cast %mul3A_389 : i32 to index
      %get3A_390 = tpu.vector_load %arg9[%get3A] {strides = array<i32>} : memref<4096xi32, #tpu.memory_space<vmem>>, vector<16xi32>,
      %broadcast_in_dim3A_391 = arith.constant true
      %broadcast_in_dim3A_392 = vector.broadcast %broadcast_in_dim3A_391 : i1 to vector<16xi1>
      %masked_cumsum3A = tpu.scan <sum>, %get3A_390 masked %broadcast_in_dim3A_392 : vector<16xi32>, vector<16xi1> -> vector<16xi32>
      %sub3A_393 = arith.subi %masked_cumsum3A, %get3A_390 : vector<16xi32>
      %add3A_394 = vector.broadcast %scan3A_387 : i32 to vector<16xi32>
      %add3A_395 = arith.addi %sub3A_393, %add3A_394 : vector<16xi32>
      %mul3A_396 = arith.constant 16 : i32
      %mul3A_397 = arith.muli %scan3A_386, %mul3A_396 : i32
      %swap3A_398 = arith.index_cast %mul3A_397 : i32 to index
      %swap3A_399 = tpu.vector_load %arg9[%swap3A_398] {strides = array<i32>} : memref<4096xi32, #tpu.memory_space<vmem>>, vector<16xi32>,
      tpu.vector_store %arg9[%swap3A_398], %add3A_395 {strides = array<i32>} : memref<4096xi32, #tpu.memory_space<vmem>>, vector<16xi32>,
      %slice3A = vector.extract_strided_slice %masked_cumsum3A {offsets = [15], sizes = [1], strides = [1]} : vector<16xi32> to vector<1xi32>
      %squeeze3A = vector.extract %slice3A[0] : i32 from vector<1xi32>
      %add3A_400 = arith.addi %scan3A_387, %squeeze3A : i32
      scf.yield %add3A_400 : i32
    }
    %scan3A_150 = arith.constant 256 : i32
    %while3A_151 = arith.constant 0 : i32
    %while3A_152 = arith.constant 0 : i32
    %while3A_153 = arith.constant 0 : i32
    %while3A_154 = arith.subi %or3A_102, %while3A_152 : i32
    %while3A_155 = arith.addi %while3A_152, %while3A_154 : i32
    %while3A_156 = arith.constant 1 : i32
    %while3A_157 = arith.divsi %while3A_154, %while3A_156 : i32
    %while3A_158 = arith.muli %while3A_157, %while3A_156 : i32
    %while3A_159 = arith.addi %while3A_152, %while3A_158 : i32
    %while3A_160 = arith.constant 1 : i32
    %while3A_161 = scf.for %while3A_386 = %while3A_152 to %while3A_159 step %while3A_160 iter_args(%while3A_387 = %while3A_153) -> (i32)  : i32 {
      %mul3A_388 = vector.broadcast %or3A_102 : i32 to vector<16xi32>
      %mul3A_389 = arith.muli %iota3A, %mul3A_388 : vector<16xi32>
      %add3A_390 = vector.broadcast %while3A_386 : i32 to vector<16xi32>
      %add3A_391 = arith.addi %mul3A_389, %add3A_390 : vector<16xi32>
      %lt3A_392 = vector.broadcast %scan3A_72 : i32 to vector<16xi32>
      %lt3A_393 = arith.cmpi slt, %add3A_391, %lt3A_392 : vector<16xi32>
      %gather3A_394 = tpu.vector_load_idx %arg5[%add3A_391] masked %lt3A_393 : memref<20032xi32, #tpu.memory_space<vmem>>[vector<16xi32>], vector<16xi32>, vector<16xi1>
      %shift_right_logical3A = vector.broadcast %while3A_151 : i32 to vector<16xi32>
      %shift_right_logical3A_395 = arith.shrui %gather3A_394, %shift_right_logical3A : vector<16xi32>
      %and3A_396 = arith.constant 255 : i32
      %and3A_397 = vector.broadcast %and3A_396 : i32 to vector<16xi32>
      %and3A_398 = arith.andi %shift_right_logical3A_395, %and3A_397 : vector<16xi32>
      %mul3A_399 = arith.constant 16 : i32
      %mul3A_400 = vector.broadcast %mul3A_399 : i32 to vector<16xi32>
      %mul3A_401 = arith.muli %and3A_398, %mul3A_400 : vector<16xi32>
      %add3A_402 = arith.addi %mul3A_401, %iota3A : vector<16xi32>
      %gather3A_403 = tpu.vector_load_idx %arg9[%add3A_402] : memref<4096xi32, #tpu.memory_space<vmem>>[vector<16xi32>], vector<16xi32>,
      %gather3A_404 = tpu.vector_load_idx %arg7[%add3A_391] masked %lt3A_393 : memref<20032xi32, #tpu.memory_space<vmem>>[vector<16xi32>], vector<16xi32>, vector<16xi1>
      tpu.vector_store_idx %arg6[%gather3A_403], %gather3A_394 masked %lt3A_393 : memref<20032xi32, #tpu.memory_space<vmem>>[vector<16xi32>], vector<16xi32>, vector<16xi1>
      tpu.vector_store_idx %arg8[%gather3A_403], %gather3A_404 masked %lt3A_393 : memref<20000xi32, #tpu.memory_space<vmem>>[vector<16xi32>], vector<16xi32>, vector<16xi1>
      tpu.vector_store_idx %arg9[%add3A_402], %broadcast_in_dim3A_31 masked %lt3A_393 {add = true} : memref<4096xi32, #tpu.memory_space<vmem>>[vector<16xi32>], vector<16xi32>, vector<16xi1>
      %while3A_405 = arith.constant 0 : i32
      scf.yield %while3A_405 : i32
    }
    %while3A_162 = arith.constant 1 : i32
    %while3A_163 = scf.for %while3A_386 = %while3A_159 to %while3A_155 step %while3A_162 iter_args(%while3A_387 = %while3A_161) -> (i32)  : i32 {
      %mul3A_388 = vector.broadcast %or3A_102 : i32 to vector<16xi32>
      %mul3A_389 = arith.muli %iota3A, %mul3A_388 : vector<16xi32>
      %add3A_390 = vector.broadcast %while3A_386 : i32 to vector<16xi32>
      %add3A_391 = arith.addi %mul3A_389, %add3A_390 : vector<16xi32>
      %lt3A_392 = vector.broadcast %scan3A_72 : i32 to vector<16xi32>
      %lt3A_393 = arith.cmpi slt, %add3A_391, %lt3A_392 : vector<16xi32>
      %gather3A_394 = tpu.vector_load_idx %arg5[%add3A_391] masked %lt3A_393 : memref<20032xi32, #tpu.memory_space<vmem>>[vector<16xi32>], vector<16xi32>, vector<16xi1>
      %shift_right_logical3A = vector.broadcast %while3A_151 : i32 to vector<16xi32>
      %shift_right_logical3A_395 = arith.shrui %gather3A_394, %shift_right_logical3A : vector<16xi32>
      %and3A_396 = arith.constant 255 : i32
      %and3A_397 = vector.broadcast %and3A_396 : i32 to vector<16xi32>
      %and3A_398 = arith.andi %shift_right_logical3A_395, %and3A_397 : vector<16xi32>
      %mul3A_399 = arith.constant 16 : i32
      %mul3A_400 = vector.broadcast %mul3A_399 : i32 to vector<16xi32>
      %mul3A_401 = arith.muli %and3A_398, %mul3A_400 : vector<16xi32>
      %add3A_402 = arith.addi %mul3A_401, %iota3A : vector<16xi32>
      %gather3A_403 = tpu.vector_load_idx %arg9[%add3A_402] : memref<4096xi32, #tpu.memory_space<vmem>>[vector<16xi32>], vector<16xi32>,
      %gather3A_404 = tpu.vector_load_idx %arg7[%add3A_391] masked %lt3A_393 : memref<20032xi32, #tpu.memory_space<vmem>>[vector<16xi32>], vector<16xi32>, vector<16xi1>
      tpu.vector_store_idx %arg6[%gather3A_403], %gather3A_394 masked %lt3A_393 : memref<20032xi32, #tpu.memory_space<vmem>>[vector<16xi32>], vector<16xi32>, vector<16xi1>
      tpu.vector_store_idx %arg8[%gather3A_403], %gather3A_404 masked %lt3A_393 : memref<20000xi32, #tpu.memory_space<vmem>>[vector<16xi32>], vector<16xi32>, vector<16xi1>
      tpu.vector_store_idx %arg9[%add3A_402], %broadcast_in_dim3A_31 masked %lt3A_393 {add = true} : memref<4096xi32, #tpu.memory_space<vmem>>[vector<16xi32>], vector<16xi32>, vector<16xi1>
      %while3A_405 = arith.constant 0 : i32
      scf.yield %while3A_405 : i32
    }
    %scan3A_164 = arith.constant 0 : i32
    %scan3A_165 = arith.constant 0 : i32
    %scan3A_166 = arith.constant 256 : i32
    %scan3A_167 = arith.addi %scan3A_165, %scan3A_166 : i32
    %scan3A_168 = arith.constant 1 : i32
    %scan3A_169 = scf.for %scan3A_386 = %scan3A_165 to %scan3A_167 step %scan3A_168 iter_args(%scan3A_387 = %scan3A_164) -> (i32)  : i32 {
      %mul3A_388 = arith.constant 16 : i32
      %mul3A_389 = arith.muli %scan3A_386, %mul3A_388 : i32
      %swap3A_390 = arith.index_cast %mul3A_389 : i32 to index
      %swap3A_391 = tpu.vector_load %arg9[%swap3A_390] {strides = array<i32>} : memref<4096xi32, #tpu.memory_space<vmem>>, vector<16xi32>,
      tpu.vector_store %arg9[%swap3A_390], %broadcast_in_dim3A_33 {strides = array<i32>} : memref<4096xi32, #tpu.memory_space<vmem>>, vector<16xi32>,
      %scan3A_392 = arith.constant 0 : i32
      scf.yield %scan3A_392 : i32
    }
    %scan3A_170 = arith.constant 256 : i32
    %while3A_171 = arith.constant 8 : i32
    %while3A_172 = arith.constant 0 : i32
    %while3A_173 = arith.constant 0 : i32
    %while3A_174 = arith.subi %or3A_102, %while3A_172 : i32
    %while3A_175 = arith.addi %while3A_172, %while3A_174 : i32
    %while3A_176 = arith.constant 1 : i32
    %while3A_177 = arith.divsi %while3A_174, %while3A_176 : i32
    %while3A_178 = arith.muli %while3A_177, %while3A_176 : i32
    %while3A_179 = arith.addi %while3A_172, %while3A_178 : i32
    %while3A_180 = arith.constant 1 : i32
    %while3A_181 = scf.for %while3A_386 = %while3A_172 to %while3A_179 step %while3A_180 iter_args(%while3A_387 = %while3A_173) -> (i32)  : i32 {
      %mul3A_388 = vector.broadcast %or3A_102 : i32 to vector<16xi32>
      %mul3A_389 = arith.muli %iota3A, %mul3A_388 : vector<16xi32>
      %add3A_390 = vector.broadcast %while3A_386 : i32 to vector<16xi32>
      %add3A_391 = arith.addi %mul3A_389, %add3A_390 : vector<16xi32>
      %lt3A_392 = vector.broadcast %scan3A_72 : i32 to vector<16xi32>
      %lt3A_393 = arith.cmpi slt, %add3A_391, %lt3A_392 : vector<16xi32>
      %gather3A_394 = tpu.vector_load_idx %arg6[%add3A_391] masked %lt3A_393 : memref<20032xi32, #tpu.memory_space<vmem>>[vector<16xi32>], vector<16xi32>, vector<16xi1>
      %shift_right_logical3A = vector.broadcast %while3A_171 : i32 to vector<16xi32>
      %shift_right_logical3A_395 = arith.shrui %gather3A_394, %shift_right_logical3A : vector<16xi32>
      %and3A_396 = arith.constant 255 : i32
      %and3A_397 = vector.broadcast %and3A_396 : i32 to vector<16xi32>
      %and3A_398 = arith.andi %shift_right_logical3A_395, %and3A_397 : vector<16xi32>
      %mul3A_399 = arith.constant 16 : i32
      %mul3A_400 = vector.broadcast %mul3A_399 : i32 to vector<16xi32>
      %mul3A_401 = arith.muli %and3A_398, %mul3A_400 : vector<16xi32>
      %add3A_402 = arith.addi %mul3A_401, %iota3A : vector<16xi32>
      tpu.vector_store_idx %arg9[%add3A_402], %broadcast_in_dim3A_31 masked %lt3A_393 {add = true} : memref<4096xi32, #tpu.memory_space<vmem>>[vector<16xi32>], vector<16xi32>, vector<16xi1>
      %while3A_403 = arith.constant 0 : i32
      scf.yield %while3A_403 : i32
    }
    %while3A_182 = arith.constant 1 : i32
    %while3A_183 = scf.for %while3A_386 = %while3A_179 to %while3A_175 step %while3A_182 iter_args(%while3A_387 = %while3A_181) -> (i32)  : i32 {
      %mul3A_388 = vector.broadcast %or3A_102 : i32 to vector<16xi32>
      %mul3A_389 = arith.muli %iota3A, %mul3A_388 : vector<16xi32>
      %add3A_390 = vector.broadcast %while3A_386 : i32 to vector<16xi32>
      %add3A_391 = arith.addi %mul3A_389, %add3A_390 : vector<16xi32>
      %lt3A_392 = vector.broadcast %scan3A_72 : i32 to vector<16xi32>
      %lt3A_393 = arith.cmpi slt, %add3A_391, %lt3A_392 : vector<16xi32>
      %gather3A_394 = tpu.vector_load_idx %arg6[%add3A_391] masked %lt3A_393 : memref<20032xi32, #tpu.memory_space<vmem>>[vector<16xi32>], vector<16xi32>, vector<16xi1>
      %shift_right_logical3A = vector.broadcast %while3A_171 : i32 to vector<16xi32>
      %shift_right_logical3A_395 = arith.shrui %gather3A_394, %shift_right_logical3A : vector<16xi32>
      %and3A_396 = arith.constant 255 : i32
      %and3A_397 = vector.broadcast %and3A_396 : i32 to vector<16xi32>
      %and3A_398 = arith.andi %shift_right_logical3A_395, %and3A_397 : vector<16xi32>
      %mul3A_399 = arith.constant 16 : i32
      %mul3A_400 = vector.broadcast %mul3A_399 : i32 to vector<16xi32>
      %mul3A_401 = arith.muli %and3A_398, %mul3A_400 : vector<16xi32>
      %add3A_402 = arith.addi %mul3A_401, %iota3A : vector<16xi32>
      tpu.vector_store_idx %arg9[%add3A_402], %broadcast_in_dim3A_31 masked %lt3A_393 {add = true} : memref<4096xi32, #tpu.memory_space<vmem>>[vector<16xi32>], vector<16xi32>, vector<16xi1>
      %while3A_403 = arith.constant 0 : i32
      scf.yield %while3A_403 : i32
    }
    %scan3A_184 = arith.constant 0 : i32
    %scan3A_185 = arith.constant 0 : i32
    %scan3A_186 = arith.constant 256 : i32
    %scan3A_187 = arith.addi %scan3A_185, %scan3A_186 : i32
    %scan3A_188 = arith.constant 1 : i32
    %scan3A_189 = scf.for %scan3A_386 = %scan3A_185 to %scan3A_187 step %scan3A_188 iter_args(%scan3A_387 = %scan3A_184) -> (i32)  : i32 {
      %mul3A_388 = arith.constant 16 : i32
      %mul3A_389 = arith.muli %scan3A_386, %mul3A_388 : i32
      %get3A = arith.index_cast %mul3A_389 : i32 to index
      %get3A_390 = tpu.vector_load %arg9[%get3A] {strides = array<i32>} : memref<4096xi32, #tpu.memory_space<vmem>>, vector<16xi32>,
      %broadcast_in_dim3A_391 = arith.constant true
      %broadcast_in_dim3A_392 = vector.broadcast %broadcast_in_dim3A_391 : i1 to vector<16xi1>
      %masked_cumsum3A = tpu.scan <sum>, %get3A_390 masked %broadcast_in_dim3A_392 : vector<16xi32>, vector<16xi1> -> vector<16xi32>
      %sub3A_393 = arith.subi %masked_cumsum3A, %get3A_390 : vector<16xi32>
      %add3A_394 = vector.broadcast %scan3A_387 : i32 to vector<16xi32>
      %add3A_395 = arith.addi %sub3A_393, %add3A_394 : vector<16xi32>
      %mul3A_396 = arith.constant 16 : i32
      %mul3A_397 = arith.muli %scan3A_386, %mul3A_396 : i32
      %swap3A_398 = arith.index_cast %mul3A_397 : i32 to index
      %swap3A_399 = tpu.vector_load %arg9[%swap3A_398] {strides = array<i32>} : memref<4096xi32, #tpu.memory_space<vmem>>, vector<16xi32>,
      tpu.vector_store %arg9[%swap3A_398], %add3A_395 {strides = array<i32>} : memref<4096xi32, #tpu.memory_space<vmem>>, vector<16xi32>,
      %slice3A = vector.extract_strided_slice %masked_cumsum3A {offsets = [15], sizes = [1], strides = [1]} : vector<16xi32> to vector<1xi32>
      %squeeze3A = vector.extract %slice3A[0] : i32 from vector<1xi32>
      %add3A_400 = arith.addi %scan3A_387, %squeeze3A : i32
      scf.yield %add3A_400 : i32
    }
    %scan3A_190 = arith.constant 256 : i32
    %while3A_191 = arith.constant 8 : i32
    %while3A_192 = arith.constant 0 : i32
    %while3A_193 = arith.constant 0 : i32
    %while3A_194 = arith.subi %or3A_102, %while3A_192 : i32
    %while3A_195 = arith.addi %while3A_192, %while3A_194 : i32
    %while3A_196 = arith.constant 1 : i32
    %while3A_197 = arith.divsi %while3A_194, %while3A_196 : i32
    %while3A_198 = arith.muli %while3A_197, %while3A_196 : i32
    %while3A_199 = arith.addi %while3A_192, %while3A_198 : i32
    %while3A_200 = arith.constant 1 : i32
    %while3A_201 = scf.for %while3A_386 = %while3A_192 to %while3A_199 step %while3A_200 iter_args(%while3A_387 = %while3A_193) -> (i32)  : i32 {
      %mul3A_388 = vector.broadcast %or3A_102 : i32 to vector<16xi32>
      %mul3A_389 = arith.muli %iota3A, %mul3A_388 : vector<16xi32>
      %add3A_390 = vector.broadcast %while3A_386 : i32 to vector<16xi32>
      %add3A_391 = arith.addi %mul3A_389, %add3A_390 : vector<16xi32>
      %lt3A_392 = vector.broadcast %scan3A_72 : i32 to vector<16xi32>
      %lt3A_393 = arith.cmpi slt, %add3A_391, %lt3A_392 : vector<16xi32>
      %gather3A_394 = tpu.vector_load_idx %arg6[%add3A_391] masked %lt3A_393 : memref<20032xi32, #tpu.memory_space<vmem>>[vector<16xi32>], vector<16xi32>, vector<16xi1>
      %shift_right_logical3A = vector.broadcast %while3A_191 : i32 to vector<16xi32>
      %shift_right_logical3A_395 = arith.shrui %gather3A_394, %shift_right_logical3A : vector<16xi32>
      %and3A_396 = arith.constant 255 : i32
      %and3A_397 = vector.broadcast %and3A_396 : i32 to vector<16xi32>
      %and3A_398 = arith.andi %shift_right_logical3A_395, %and3A_397 : vector<16xi32>
      %mul3A_399 = arith.constant 16 : i32
      %mul3A_400 = vector.broadcast %mul3A_399 : i32 to vector<16xi32>
      %mul3A_401 = arith.muli %and3A_398, %mul3A_400 : vector<16xi32>
      %add3A_402 = arith.addi %mul3A_401, %iota3A : vector<16xi32>
      %gather3A_403 = tpu.vector_load_idx %arg9[%add3A_402] : memref<4096xi32, #tpu.memory_space<vmem>>[vector<16xi32>], vector<16xi32>,
      %gather3A_404 = tpu.vector_load_idx %arg8[%add3A_391] masked %lt3A_393 : memref<20000xi32, #tpu.memory_space<vmem>>[vector<16xi32>], vector<16xi32>, vector<16xi1>
      %and3A_405 = arith.constant -65536 : i32
      %and3A_406 = vector.broadcast %and3A_405 : i32 to vector<16xi32>
      %and3A_407 = arith.andi %gather3A_394, %and3A_406 : vector<16xi32>
      %or3A_408 = arith.ori %and3A_407, %gather3A_404 : vector<16xi32>
      tpu.vector_store_idx %arg5[%gather3A_403], %or3A_408 masked %lt3A_393 : memref<20032xi32, #tpu.memory_space<vmem>>[vector<16xi32>], vector<16xi32>, vector<16xi1>
      tpu.vector_store_idx %arg9[%add3A_402], %broadcast_in_dim3A_31 masked %lt3A_393 {add = true} : memref<4096xi32, #tpu.memory_space<vmem>>[vector<16xi32>], vector<16xi32>, vector<16xi1>
      %while3A_409 = arith.constant 0 : i32
      scf.yield %while3A_409 : i32
    }
    %while3A_202 = arith.constant 1 : i32
    %while3A_203 = scf.for %while3A_386 = %while3A_199 to %while3A_195 step %while3A_202 iter_args(%while3A_387 = %while3A_201) -> (i32)  : i32 {
      %mul3A_388 = vector.broadcast %or3A_102 : i32 to vector<16xi32>
      %mul3A_389 = arith.muli %iota3A, %mul3A_388 : vector<16xi32>
      %add3A_390 = vector.broadcast %while3A_386 : i32 to vector<16xi32>
      %add3A_391 = arith.addi %mul3A_389, %add3A_390 : vector<16xi32>
      %lt3A_392 = vector.broadcast %scan3A_72 : i32 to vector<16xi32>
      %lt3A_393 = arith.cmpi slt, %add3A_391, %lt3A_392 : vector<16xi32>
      %gather3A_394 = tpu.vector_load_idx %arg6[%add3A_391] masked %lt3A_393 : memref<20032xi32, #tpu.memory_space<vmem>>[vector<16xi32>], vector<16xi32>, vector<16xi1>
      %shift_right_logical3A = vector.broadcast %while3A_191 : i32 to vector<16xi32>
      %shift_right_logical3A_395 = arith.shrui %gather3A_394, %shift_right_logical3A : vector<16xi32>
      %and3A_396 = arith.constant 255 : i32
      %and3A_397 = vector.broadcast %and3A_396 : i32 to vector<16xi32>
      %and3A_398 = arith.andi %shift_right_logical3A_395, %and3A_397 : vector<16xi32>
      %mul3A_399 = arith.constant 16 : i32
      %mul3A_400 = vector.broadcast %mul3A_399 : i32 to vector<16xi32>
      %mul3A_401 = arith.muli %and3A_398, %mul3A_400 : vector<16xi32>
      %add3A_402 = arith.addi %mul3A_401, %iota3A : vector<16xi32>
      %gather3A_403 = tpu.vector_load_idx %arg9[%add3A_402] : memref<4096xi32, #tpu.memory_space<vmem>>[vector<16xi32>], vector<16xi32>,
      %gather3A_404 = tpu.vector_load_idx %arg8[%add3A_391] masked %lt3A_393 : memref<20000xi32, #tpu.memory_space<vmem>>[vector<16xi32>], vector<16xi32>, vector<16xi1>
      %and3A_405 = arith.constant -65536 : i32
      %and3A_406 = vector.broadcast %and3A_405 : i32 to vector<16xi32>
      %and3A_407 = arith.andi %gather3A_394, %and3A_406 : vector<16xi32>
      %or3A_408 = arith.ori %and3A_407, %gather3A_404 : vector<16xi32>
      tpu.vector_store_idx %arg5[%gather3A_403], %or3A_408 masked %lt3A_393 : memref<20032xi32, #tpu.memory_space<vmem>>[vector<16xi32>], vector<16xi32>, vector<16xi1>
      tpu.vector_store_idx %arg9[%add3A_402], %broadcast_in_dim3A_31 masked %lt3A_393 {add = true} : memref<4096xi32, #tpu.memory_space<vmem>>[vector<16xi32>], vector<16xi32>, vector<16xi1>
      %while3A_409 = arith.constant 0 : i32
      scf.yield %while3A_409 : i32
    }
    %scan3A_204 = arith.constant 0 : i32
    %scan3A_205 = arith.constant 0 : i32
    %scan3A_206 = arith.constant 256 : i32
    %scan3A_207 = arith.addi %scan3A_205, %scan3A_206 : i32
    %scan3A_208 = arith.constant 1 : i32
    %scan3A_209 = scf.for %scan3A_386 = %scan3A_205 to %scan3A_207 step %scan3A_208 iter_args(%scan3A_387 = %scan3A_204) -> (i32)  : i32 {
      %mul3A_388 = arith.constant 16 : i32
      %mul3A_389 = arith.muli %scan3A_386, %mul3A_388 : i32
      %swap3A_390 = arith.index_cast %mul3A_389 : i32 to index
      %swap3A_391 = tpu.vector_load %arg9[%swap3A_390] {strides = array<i32>} : memref<4096xi32, #tpu.memory_space<vmem>>, vector<16xi32>,
      tpu.vector_store %arg9[%swap3A_390], %broadcast_in_dim3A_33 {strides = array<i32>} : memref<4096xi32, #tpu.memory_space<vmem>>, vector<16xi32>,
      %scan3A_392 = arith.constant 0 : i32
      scf.yield %scan3A_392 : i32
    }
    %scan3A_210 = arith.constant 256 : i32
    %while3A_211 = arith.constant 16 : i32
    %while3A_212 = arith.constant 0 : i32
    %while3A_213 = arith.constant 0 : i32
    %while3A_214 = arith.subi %or3A_102, %while3A_212 : i32
    %while3A_215 = arith.addi %while3A_212, %while3A_214 : i32
    %while3A_216 = arith.constant 1 : i32
    %while3A_217 = arith.divsi %while3A_214, %while3A_216 : i32
    %while3A_218 = arith.muli %while3A_217, %while3A_216 : i32
    %while3A_219 = arith.addi %while3A_212, %while3A_218 : i32
    %while3A_220 = arith.constant 1 : i32
    %while3A_221 = scf.for %while3A_386 = %while3A_212 to %while3A_219 step %while3A_220 iter_args(%while3A_387 = %while3A_213) -> (i32)  : i32 {
      %mul3A_388 = vector.broadcast %or3A_102 : i32 to vector<16xi32>
      %mul3A_389 = arith.muli %iota3A, %mul3A_388 : vector<16xi32>
      %add3A_390 = vector.broadcast %while3A_386 : i32 to vector<16xi32>
      %add3A_391 = arith.addi %mul3A_389, %add3A_390 : vector<16xi32>
      %lt3A_392 = vector.broadcast %scan3A_72 : i32 to vector<16xi32>
      %lt3A_393 = arith.cmpi slt, %add3A_391, %lt3A_392 : vector<16xi32>
      %gather3A_394 = tpu.vector_load_idx %arg5[%add3A_391] masked %lt3A_393 : memref<20032xi32, #tpu.memory_space<vmem>>[vector<16xi32>], vector<16xi32>, vector<16xi1>
      %shift_right_logical3A = vector.broadcast %while3A_211 : i32 to vector<16xi32>
      %shift_right_logical3A_395 = arith.shrui %gather3A_394, %shift_right_logical3A : vector<16xi32>
      %and3A_396 = arith.constant 255 : i32
      %and3A_397 = vector.broadcast %and3A_396 : i32 to vector<16xi32>
      %and3A_398 = arith.andi %shift_right_logical3A_395, %and3A_397 : vector<16xi32>
      %mul3A_399 = arith.constant 16 : i32
      %mul3A_400 = vector.broadcast %mul3A_399 : i32 to vector<16xi32>
      %mul3A_401 = arith.muli %and3A_398, %mul3A_400 : vector<16xi32>
      %add3A_402 = arith.addi %mul3A_401, %iota3A : vector<16xi32>
      tpu.vector_store_idx %arg9[%add3A_402], %broadcast_in_dim3A_31 masked %lt3A_393 {add = true} : memref<4096xi32, #tpu.memory_space<vmem>>[vector<16xi32>], vector<16xi32>, vector<16xi1>
      %while3A_403 = arith.constant 0 : i32
      scf.yield %while3A_403 : i32
    }
    %while3A_222 = arith.constant 1 : i32
    %while3A_223 = scf.for %while3A_386 = %while3A_219 to %while3A_215 step %while3A_222 iter_args(%while3A_387 = %while3A_221) -> (i32)  : i32 {
      %mul3A_388 = vector.broadcast %or3A_102 : i32 to vector<16xi32>
      %mul3A_389 = arith.muli %iota3A, %mul3A_388 : vector<16xi32>
      %add3A_390 = vector.broadcast %while3A_386 : i32 to vector<16xi32>
      %add3A_391 = arith.addi %mul3A_389, %add3A_390 : vector<16xi32>
      %lt3A_392 = vector.broadcast %scan3A_72 : i32 to vector<16xi32>
      %lt3A_393 = arith.cmpi slt, %add3A_391, %lt3A_392 : vector<16xi32>
      %gather3A_394 = tpu.vector_load_idx %arg5[%add3A_391] masked %lt3A_393 : memref<20032xi32, #tpu.memory_space<vmem>>[vector<16xi32>], vector<16xi32>, vector<16xi1>
      %shift_right_logical3A = vector.broadcast %while3A_211 : i32 to vector<16xi32>
      %shift_right_logical3A_395 = arith.shrui %gather3A_394, %shift_right_logical3A : vector<16xi32>
      %and3A_396 = arith.constant 255 : i32
      %and3A_397 = vector.broadcast %and3A_396 : i32 to vector<16xi32>
      %and3A_398 = arith.andi %shift_right_logical3A_395, %and3A_397 : vector<16xi32>
      %mul3A_399 = arith.constant 16 : i32
      %mul3A_400 = vector.broadcast %mul3A_399 : i32 to vector<16xi32>
      %mul3A_401 = arith.muli %and3A_398, %mul3A_400 : vector<16xi32>
      %add3A_402 = arith.addi %mul3A_401, %iota3A : vector<16xi32>
      tpu.vector_store_idx %arg9[%add3A_402], %broadcast_in_dim3A_31 masked %lt3A_393 {add = true} : memref<4096xi32, #tpu.memory_space<vmem>>[vector<16xi32>], vector<16xi32>, vector<16xi1>
      %while3A_403 = arith.constant 0 : i32
      scf.yield %while3A_403 : i32
    }
    %scan3A_224 = arith.constant 0 : i32
    %scan3A_225 = arith.constant 0 : i32
    %scan3A_226 = arith.constant 256 : i32
    %scan3A_227 = arith.addi %scan3A_225, %scan3A_226 : i32
    %scan3A_228 = arith.constant 1 : i32
    %scan3A_229 = scf.for %scan3A_386 = %scan3A_225 to %scan3A_227 step %scan3A_228 iter_args(%scan3A_387 = %scan3A_224) -> (i32)  : i32 {
      %mul3A_388 = arith.constant 16 : i32
      %mul3A_389 = arith.muli %scan3A_386, %mul3A_388 : i32
      %get3A = arith.index_cast %mul3A_389 : i32 to index
      %get3A_390 = tpu.vector_load %arg9[%get3A] {strides = array<i32>} : memref<4096xi32, #tpu.memory_space<vmem>>, vector<16xi32>,
      %broadcast_in_dim3A_391 = arith.constant true
      %broadcast_in_dim3A_392 = vector.broadcast %broadcast_in_dim3A_391 : i1 to vector<16xi1>
      %masked_cumsum3A = tpu.scan <sum>, %get3A_390 masked %broadcast_in_dim3A_392 : vector<16xi32>, vector<16xi1> -> vector<16xi32>
      %sub3A_393 = arith.subi %masked_cumsum3A, %get3A_390 : vector<16xi32>
      %add3A_394 = vector.broadcast %scan3A_387 : i32 to vector<16xi32>
      %add3A_395 = arith.addi %sub3A_393, %add3A_394 : vector<16xi32>
      %mul3A_396 = arith.constant 16 : i32
      %mul3A_397 = arith.muli %scan3A_386, %mul3A_396 : i32
      %swap3A_398 = arith.index_cast %mul3A_397 : i32 to index
      %swap3A_399 = tpu.vector_load %arg9[%swap3A_398] {strides = array<i32>} : memref<4096xi32, #tpu.memory_space<vmem>>, vector<16xi32>,
      tpu.vector_store %arg9[%swap3A_398], %add3A_395 {strides = array<i32>} : memref<4096xi32, #tpu.memory_space<vmem>>, vector<16xi32>,
      %slice3A = vector.extract_strided_slice %masked_cumsum3A {offsets = [15], sizes = [1], strides = [1]} : vector<16xi32> to vector<1xi32>
      %squeeze3A = vector.extract %slice3A[0] : i32 from vector<1xi32>
      %add3A_400 = arith.addi %scan3A_387, %squeeze3A : i32
      scf.yield %add3A_400 : i32
    }
    %scan3A_230 = arith.constant 256 : i32
    %while3A_231 = arith.constant 16 : i32
    %while3A_232 = arith.constant 0 : i32
    %while3A_233 = arith.constant 0 : i32
    %while3A_234 = arith.subi %or3A_102, %while3A_232 : i32
    %while3A_235 = arith.addi %while3A_232, %while3A_234 : i32
    %while3A_236 = arith.constant 1 : i32
    %while3A_237 = arith.divsi %while3A_234, %while3A_236 : i32
    %while3A_238 = arith.muli %while3A_237, %while3A_236 : i32
    %while3A_239 = arith.addi %while3A_232, %while3A_238 : i32
    %while3A_240 = arith.constant 1 : i32
    %while3A_241 = scf.for %while3A_386 = %while3A_232 to %while3A_239 step %while3A_240 iter_args(%while3A_387 = %while3A_233) -> (i32)  : i32 {
      %mul3A_388 = vector.broadcast %or3A_102 : i32 to vector<16xi32>
      %mul3A_389 = arith.muli %iota3A, %mul3A_388 : vector<16xi32>
      %add3A_390 = vector.broadcast %while3A_386 : i32 to vector<16xi32>
      %add3A_391 = arith.addi %mul3A_389, %add3A_390 : vector<16xi32>
      %lt3A_392 = vector.broadcast %scan3A_72 : i32 to vector<16xi32>
      %lt3A_393 = arith.cmpi slt, %add3A_391, %lt3A_392 : vector<16xi32>
      %gather3A_394 = tpu.vector_load_idx %arg5[%add3A_391] masked %lt3A_393 : memref<20032xi32, #tpu.memory_space<vmem>>[vector<16xi32>], vector<16xi32>, vector<16xi1>
      %shift_right_logical3A = vector.broadcast %while3A_231 : i32 to vector<16xi32>
      %shift_right_logical3A_395 = arith.shrui %gather3A_394, %shift_right_logical3A : vector<16xi32>
      %and3A_396 = arith.constant 255 : i32
      %and3A_397 = vector.broadcast %and3A_396 : i32 to vector<16xi32>
      %and3A_398 = arith.andi %shift_right_logical3A_395, %and3A_397 : vector<16xi32>
      %mul3A_399 = arith.constant 16 : i32
      %mul3A_400 = vector.broadcast %mul3A_399 : i32 to vector<16xi32>
      %mul3A_401 = arith.muli %and3A_398, %mul3A_400 : vector<16xi32>
      %add3A_402 = arith.addi %mul3A_401, %iota3A : vector<16xi32>
      %gather3A_403 = tpu.vector_load_idx %arg9[%add3A_402] : memref<4096xi32, #tpu.memory_space<vmem>>[vector<16xi32>], vector<16xi32>,
      tpu.vector_store_idx %arg6[%gather3A_403], %gather3A_394 masked %lt3A_393 : memref<20032xi32, #tpu.memory_space<vmem>>[vector<16xi32>], vector<16xi32>, vector<16xi1>
      tpu.vector_store_idx %arg9[%add3A_402], %broadcast_in_dim3A_31 masked %lt3A_393 {add = true} : memref<4096xi32, #tpu.memory_space<vmem>>[vector<16xi32>], vector<16xi32>, vector<16xi1>
      %while3A_404 = arith.constant 0 : i32
      scf.yield %while3A_404 : i32
    }
    %while3A_242 = arith.constant 1 : i32
    %while3A_243 = scf.for %while3A_386 = %while3A_239 to %while3A_235 step %while3A_242 iter_args(%while3A_387 = %while3A_241) -> (i32)  : i32 {
      %mul3A_388 = vector.broadcast %or3A_102 : i32 to vector<16xi32>
      %mul3A_389 = arith.muli %iota3A, %mul3A_388 : vector<16xi32>
      %add3A_390 = vector.broadcast %while3A_386 : i32 to vector<16xi32>
      %add3A_391 = arith.addi %mul3A_389, %add3A_390 : vector<16xi32>
      %lt3A_392 = vector.broadcast %scan3A_72 : i32 to vector<16xi32>
      %lt3A_393 = arith.cmpi slt, %add3A_391, %lt3A_392 : vector<16xi32>
      %gather3A_394 = tpu.vector_load_idx %arg5[%add3A_391] masked %lt3A_393 : memref<20032xi32, #tpu.memory_space<vmem>>[vector<16xi32>], vector<16xi32>, vector<16xi1>
      %shift_right_logical3A = vector.broadcast %while3A_231 : i32 to vector<16xi32>
      %shift_right_logical3A_395 = arith.shrui %gather3A_394, %shift_right_logical3A : vector<16xi32>
      %and3A_396 = arith.constant 255 : i32
      %and3A_397 = vector.broadcast %and3A_396 : i32 to vector<16xi32>
      %and3A_398 = arith.andi %shift_right_logical3A_395, %and3A_397 : vector<16xi32>
      %mul3A_399 = arith.constant 16 : i32
      %mul3A_400 = vector.broadcast %mul3A_399 : i32 to vector<16xi32>
      %mul3A_401 = arith.muli %and3A_398, %mul3A_400 : vector<16xi32>
      %add3A_402 = arith.addi %mul3A_401, %iota3A : vector<16xi32>
      %gather3A_403 = tpu.vector_load_idx %arg9[%add3A_402] : memref<4096xi32, #tpu.memory_space<vmem>>[vector<16xi32>], vector<16xi32>,
      tpu.vector_store_idx %arg6[%gather3A_403], %gather3A_394 masked %lt3A_393 : memref<20032xi32, #tpu.memory_space<vmem>>[vector<16xi32>], vector<16xi32>, vector<16xi1>
      tpu.vector_store_idx %arg9[%add3A_402], %broadcast_in_dim3A_31 masked %lt3A_393 {add = true} : memref<4096xi32, #tpu.memory_space<vmem>>[vector<16xi32>], vector<16xi32>, vector<16xi1>
      %while3A_404 = arith.constant 0 : i32
      scf.yield %while3A_404 : i32
    }
    %scan3A_244 = arith.constant 0 : i32
    %scan3A_245 = arith.constant 0 : i32
    %scan3A_246 = arith.constant 256 : i32
    %scan3A_247 = arith.addi %scan3A_245, %scan3A_246 : i32
    %scan3A_248 = arith.constant 1 : i32
    %scan3A_249 = scf.for %scan3A_386 = %scan3A_245 to %scan3A_247 step %scan3A_248 iter_args(%scan3A_387 = %scan3A_244) -> (i32)  : i32 {
      %mul3A_388 = arith.constant 16 : i32
      %mul3A_389 = arith.muli %scan3A_386, %mul3A_388 : i32
      %swap3A_390 = arith.index_cast %mul3A_389 : i32 to index
      %swap3A_391 = tpu.vector_load %arg9[%swap3A_390] {strides = array<i32>} : memref<4096xi32, #tpu.memory_space<vmem>>, vector<16xi32>,
      tpu.vector_store %arg9[%swap3A_390], %broadcast_in_dim3A_33 {strides = array<i32>} : memref<4096xi32, #tpu.memory_space<vmem>>, vector<16xi32>,
      %scan3A_392 = arith.constant 0 : i32
      scf.yield %scan3A_392 : i32
    }
    %scan3A_250 = arith.constant 256 : i32
    %while3A_251 = arith.constant 24 : i32
    %while3A_252 = arith.constant 0 : i32
    %while3A_253 = arith.constant 0 : i32
    %while3A_254 = arith.subi %or3A_102, %while3A_252 : i32
    %while3A_255 = arith.addi %while3A_252, %while3A_254 : i32
    %while3A_256 = arith.constant 1 : i32
    %while3A_257 = arith.divsi %while3A_254, %while3A_256 : i32
    %while3A_258 = arith.muli %while3A_257, %while3A_256 : i32
    %while3A_259 = arith.addi %while3A_252, %while3A_258 : i32
    %while3A_260 = arith.constant 1 : i32
    %while3A_261 = scf.for %while3A_386 = %while3A_252 to %while3A_259 step %while3A_260 iter_args(%while3A_387 = %while3A_253) -> (i32)  : i32 {
      %mul3A_388 = vector.broadcast %or3A_102 : i32 to vector<16xi32>
      %mul3A_389 = arith.muli %iota3A, %mul3A_388 : vector<16xi32>
      %add3A_390 = vector.broadcast %while3A_386 : i32 to vector<16xi32>
      %add3A_391 = arith.addi %mul3A_389, %add3A_390 : vector<16xi32>
      %lt3A_392 = vector.broadcast %scan3A_72 : i32 to vector<16xi32>
      %lt3A_393 = arith.cmpi slt, %add3A_391, %lt3A_392 : vector<16xi32>
      %gather3A_394 = tpu.vector_load_idx %arg6[%add3A_391] masked %lt3A_393 : memref<20032xi32, #tpu.memory_space<vmem>>[vector<16xi32>], vector<16xi32>, vector<16xi1>
      %shift_right_logical3A = vector.broadcast %while3A_251 : i32 to vector<16xi32>
      %shift_right_logical3A_395 = arith.shrui %gather3A_394, %shift_right_logical3A : vector<16xi32>
      %and3A_396 = arith.constant 255 : i32
      %and3A_397 = vector.broadcast %and3A_396 : i32 to vector<16xi32>
      %and3A_398 = arith.andi %shift_right_logical3A_395, %and3A_397 : vector<16xi32>
      %mul3A_399 = arith.constant 16 : i32
      %mul3A_400 = vector.broadcast %mul3A_399 : i32 to vector<16xi32>
      %mul3A_401 = arith.muli %and3A_398, %mul3A_400 : vector<16xi32>
      %add3A_402 = arith.addi %mul3A_401, %iota3A : vector<16xi32>
      tpu.vector_store_idx %arg9[%add3A_402], %broadcast_in_dim3A_31 masked %lt3A_393 {add = true} : memref<4096xi32, #tpu.memory_space<vmem>>[vector<16xi32>], vector<16xi32>, vector<16xi1>
      %while3A_403 = arith.constant 0 : i32
      scf.yield %while3A_403 : i32
    }
    %while3A_262 = arith.constant 1 : i32
    %while3A_263 = scf.for %while3A_386 = %while3A_259 to %while3A_255 step %while3A_262 iter_args(%while3A_387 = %while3A_261) -> (i32)  : i32 {
      %mul3A_388 = vector.broadcast %or3A_102 : i32 to vector<16xi32>
      %mul3A_389 = arith.muli %iota3A, %mul3A_388 : vector<16xi32>
      %add3A_390 = vector.broadcast %while3A_386 : i32 to vector<16xi32>
      %add3A_391 = arith.addi %mul3A_389, %add3A_390 : vector<16xi32>
      %lt3A_392 = vector.broadcast %scan3A_72 : i32 to vector<16xi32>
      %lt3A_393 = arith.cmpi slt, %add3A_391, %lt3A_392 : vector<16xi32>
      %gather3A_394 = tpu.vector_load_idx %arg6[%add3A_391] masked %lt3A_393 : memref<20032xi32, #tpu.memory_space<vmem>>[vector<16xi32>], vector<16xi32>, vector<16xi1>
      %shift_right_logical3A = vector.broadcast %while3A_251 : i32 to vector<16xi32>
      %shift_right_logical3A_395 = arith.shrui %gather3A_394, %shift_right_logical3A : vector<16xi32>
      %and3A_396 = arith.constant 255 : i32
      %and3A_397 = vector.broadcast %and3A_396 : i32 to vector<16xi32>
      %and3A_398 = arith.andi %shift_right_logical3A_395, %and3A_397 : vector<16xi32>
      %mul3A_399 = arith.constant 16 : i32
      %mul3A_400 = vector.broadcast %mul3A_399 : i32 to vector<16xi32>
      %mul3A_401 = arith.muli %and3A_398, %mul3A_400 : vector<16xi32>
      %add3A_402 = arith.addi %mul3A_401, %iota3A : vector<16xi32>
      tpu.vector_store_idx %arg9[%add3A_402], %broadcast_in_dim3A_31 masked %lt3A_393 {add = true} : memref<4096xi32, #tpu.memory_space<vmem>>[vector<16xi32>], vector<16xi32>, vector<16xi1>
      %while3A_403 = arith.constant 0 : i32
      scf.yield %while3A_403 : i32
    }
    %scan3A_264 = arith.constant 0 : i32
    %scan3A_265 = arith.constant 0 : i32
    %scan3A_266 = arith.constant 256 : i32
    %scan3A_267 = arith.addi %scan3A_265, %scan3A_266 : i32
    %scan3A_268 = arith.constant 1 : i32
    %scan3A_269 = scf.for %scan3A_386 = %scan3A_265 to %scan3A_267 step %scan3A_268 iter_args(%scan3A_387 = %scan3A_264) -> (i32)  : i32 {
      %mul3A_388 = arith.constant 16 : i32
      %mul3A_389 = arith.muli %scan3A_386, %mul3A_388 : i32
      %get3A = arith.index_cast %mul3A_389 : i32 to index
      %get3A_390 = tpu.vector_load %arg9[%get3A] {strides = array<i32>} : memref<4096xi32, #tpu.memory_space<vmem>>, vector<16xi32>,
      %broadcast_in_dim3A_391 = arith.constant true
      %broadcast_in_dim3A_392 = vector.broadcast %broadcast_in_dim3A_391 : i1 to vector<16xi1>
      %masked_cumsum3A = tpu.scan <sum>, %get3A_390 masked %broadcast_in_dim3A_392 : vector<16xi32>, vector<16xi1> -> vector<16xi32>
      %sub3A_393 = arith.subi %masked_cumsum3A, %get3A_390 : vector<16xi32>
      %add3A_394 = vector.broadcast %scan3A_387 : i32 to vector<16xi32>
      %add3A_395 = arith.addi %sub3A_393, %add3A_394 : vector<16xi32>
      %mul3A_396 = arith.constant 16 : i32
      %mul3A_397 = arith.muli %scan3A_386, %mul3A_396 : i32
      %swap3A_398 = arith.index_cast %mul3A_397 : i32 to index
      %swap3A_399 = tpu.vector_load %arg9[%swap3A_398] {strides = array<i32>} : memref<4096xi32, #tpu.memory_space<vmem>>, vector<16xi32>,
      tpu.vector_store %arg9[%swap3A_398], %add3A_395 {strides = array<i32>} : memref<4096xi32, #tpu.memory_space<vmem>>, vector<16xi32>,
      %slice3A = vector.extract_strided_slice %masked_cumsum3A {offsets = [15], sizes = [1], strides = [1]} : vector<16xi32> to vector<1xi32>
      %squeeze3A = vector.extract %slice3A[0] : i32 from vector<1xi32>
      %add3A_400 = arith.addi %scan3A_387, %squeeze3A : i32
      scf.yield %add3A_400 : i32
    }
    %scan3A_270 = arith.constant 256 : i32
    %while3A_271 = arith.constant 24 : i32
    %while3A_272 = arith.constant 0 : i32
    %while3A_273 = arith.constant 0 : i32
    %while3A_274 = arith.subi %or3A_102, %while3A_272 : i32
    %while3A_275 = arith.addi %while3A_272, %while3A_274 : i32
    %while3A_276 = arith.constant 1 : i32
    %while3A_277 = arith.divsi %while3A_274, %while3A_276 : i32
    %while3A_278 = arith.muli %while3A_277, %while3A_276 : i32
    %while3A_279 = arith.addi %while3A_272, %while3A_278 : i32
    %while3A_280 = arith.constant 1 : i32
    %while3A_281 = scf.for %while3A_386 = %while3A_272 to %while3A_279 step %while3A_280 iter_args(%while3A_387 = %while3A_273) -> (i32)  : i32 {
      %mul3A_388 = vector.broadcast %or3A_102 : i32 to vector<16xi32>
      %mul3A_389 = arith.muli %iota3A, %mul3A_388 : vector<16xi32>
      %add3A_390 = vector.broadcast %while3A_386 : i32 to vector<16xi32>
      %add3A_391 = arith.addi %mul3A_389, %add3A_390 : vector<16xi32>
      %lt3A_392 = vector.broadcast %scan3A_72 : i32 to vector<16xi32>
      %lt3A_393 = arith.cmpi slt, %add3A_391, %lt3A_392 : vector<16xi32>
      %gather3A_394 = tpu.vector_load_idx %arg6[%add3A_391] masked %lt3A_393 : memref<20032xi32, #tpu.memory_space<vmem>>[vector<16xi32>], vector<16xi32>, vector<16xi1>
      %shift_right_logical3A = vector.broadcast %while3A_271 : i32 to vector<16xi32>
      %shift_right_logical3A_395 = arith.shrui %gather3A_394, %shift_right_logical3A : vector<16xi32>
      %and3A_396 = arith.constant 255 : i32
      %and3A_397 = vector.broadcast %and3A_396 : i32 to vector<16xi32>
      %and3A_398 = arith.andi %shift_right_logical3A_395, %and3A_397 : vector<16xi32>
      %mul3A_399 = arith.constant 16 : i32
      %mul3A_400 = vector.broadcast %mul3A_399 : i32 to vector<16xi32>
      %mul3A_401 = arith.muli %and3A_398, %mul3A_400 : vector<16xi32>
      %add3A_402 = arith.addi %mul3A_401, %iota3A : vector<16xi32>
      %gather3A_403 = tpu.vector_load_idx %arg9[%add3A_402] : memref<4096xi32, #tpu.memory_space<vmem>>[vector<16xi32>], vector<16xi32>,
      %and3A_404 = arith.constant 65535 : i32
      %and3A_405 = vector.broadcast %and3A_404 : i32 to vector<16xi32>
      %and3A_406 = arith.andi %gather3A_394, %and3A_405 : vector<16xi32>
      tpu.vector_store_idx %arg7[%gather3A_403], %and3A_406 masked %lt3A_393 : memref<20032xi32, #tpu.memory_space<vmem>>[vector<16xi32>], vector<16xi32>, vector<16xi1>
      tpu.vector_store_idx %arg9[%add3A_402], %broadcast_in_dim3A_31 masked %lt3A_393 {add = true} : memref<4096xi32, #tpu.memory_space<vmem>>[vector<16xi32>], vector<16xi32>, vector<16xi1>
      %while3A_407 = arith.constant 0 : i32
      scf.yield %while3A_407 : i32
    }
    %while3A_282 = arith.constant 1 : i32
    %while3A_283 = scf.for %while3A_386 = %while3A_279 to %while3A_275 step %while3A_282 iter_args(%while3A_387 = %while3A_281) -> (i32)  : i32 {
      %mul3A_388 = vector.broadcast %or3A_102 : i32 to vector<16xi32>
      %mul3A_389 = arith.muli %iota3A, %mul3A_388 : vector<16xi32>
      %add3A_390 = vector.broadcast %while3A_386 : i32 to vector<16xi32>
      %add3A_391 = arith.addi %mul3A_389, %add3A_390 : vector<16xi32>
      %lt3A_392 = vector.broadcast %scan3A_72 : i32 to vector<16xi32>
      %lt3A_393 = arith.cmpi slt, %add3A_391, %lt3A_392 : vector<16xi32>
      %gather3A_394 = tpu.vector_load_idx %arg6[%add3A_391] masked %lt3A_393 : memref<20032xi32, #tpu.memory_space<vmem>>[vector<16xi32>], vector<16xi32>, vector<16xi1>
      %shift_right_logical3A = vector.broadcast %while3A_271 : i32 to vector<16xi32>
      %shift_right_logical3A_395 = arith.shrui %gather3A_394, %shift_right_logical3A : vector<16xi32>
      %and3A_396 = arith.constant 255 : i32
      %and3A_397 = vector.broadcast %and3A_396 : i32 to vector<16xi32>
      %and3A_398 = arith.andi %shift_right_logical3A_395, %and3A_397 : vector<16xi32>
      %mul3A_399 = arith.constant 16 : i32
      %mul3A_400 = vector.broadcast %mul3A_399 : i32 to vector<16xi32>
      %mul3A_401 = arith.muli %and3A_398, %mul3A_400 : vector<16xi32>
      %add3A_402 = arith.addi %mul3A_401, %iota3A : vector<16xi32>
      %gather3A_403 = tpu.vector_load_idx %arg9[%add3A_402] : memref<4096xi32, #tpu.memory_space<vmem>>[vector<16xi32>], vector<16xi32>,
      %and3A_404 = arith.constant 65535 : i32
      %and3A_405 = vector.broadcast %and3A_404 : i32 to vector<16xi32>
      %and3A_406 = arith.andi %gather3A_394, %and3A_405 : vector<16xi32>
      tpu.vector_store_idx %arg7[%gather3A_403], %and3A_406 masked %lt3A_393 : memref<20032xi32, #tpu.memory_space<vmem>>[vector<16xi32>], vector<16xi32>, vector<16xi1>
      tpu.vector_store_idx %arg9[%add3A_402], %broadcast_in_dim3A_31 masked %lt3A_393 {add = true} : memref<4096xi32, #tpu.memory_space<vmem>>[vector<16xi32>], vector<16xi32>, vector<16xi1>
      %while3A_407 = arith.constant 0 : i32
      scf.yield %while3A_407 : i32
    }
    %mul3A_284 = arith.constant 20000 : i32
    %mul3A_285 = arith.muli %add3A_30, %mul3A_284 : i32
    %add3A_286 = arith.addi %mul3A_285, %reduce_sum3A_124 : i32
    %jit3A_287 = arith.constant 48 : i32
    %div3A_288 = arith.divsi %scan3A_72, %jit3A_287 : i32
    %sign3A_289 = arith.constant 0 : i32
    %sign3A_290 = arith.cmpi sgt, %scan3A_72, %sign3A_289 : i32
    %sign3A_291 = arith.extui %sign3A_290 : i1 to i32
    %sign3A_292 = arith.constant 0 : i32
    %sign3A_293 = arith.cmpi slt, %scan3A_72, %sign3A_292 : i32
    %sign3A_294 = arith.extui %sign3A_293 : i1 to i32
    %sign3A_295 = arith.subi %sign3A_291, %sign3A_294 : i32
    %sign3A_296 = arith.constant 0 : i32
    %sign3A_297 = arith.cmpi sgt, %jit3A_287, %sign3A_296 : i32
    %sign3A_298 = arith.extui %sign3A_297 : i1 to i32
    %sign3A_299 = arith.constant 0 : i32
    %sign3A_300 = arith.cmpi slt, %jit3A_287, %sign3A_299 : i32
    %sign3A_301 = arith.extui %sign3A_300 : i1 to i32
    %sign3A_302 = arith.subi %sign3A_298, %sign3A_301 : i32
    %ne3A_303 = arith.cmpi ne, %sign3A_295, %sign3A_302 : i32
    %rem3A_304 = arith.remsi %scan3A_72, %jit3A_287 : i32
    %ne3A_305 = arith.constant 0 : i32
    %ne3A_306 = arith.cmpi ne, %rem3A_304, %ne3A_305 : i32
    %and3A_307 = arith.andi %ne3A_303, %ne3A_306 : i1
    %sub3A_308 = arith.constant 1 : i32
    %sub3A_309 = arith.subi %div3A_288, %sub3A_308 : i32
    %select_n3A_310 = arith.select %and3A_307, %sub3A_309, %div3A_288 : i32
    %gt3A = arith.constant 0 : i32
    %gt3A_311 = arith.cmpi sgt, %select_n3A_310, %gt3A : i32
    %convert_element_type3A = arith.extui %gt3A_311 : i1 to i32
    %cond3A = arith.constant 0 : i32
    %cond3A_312 = arith.cmpi ne, %convert_element_type3A, %cond3A : i32
    scf.if %cond3A_312 {
      %dma_start3A = arith.constant 0 : i32
      %dma_start3A_386 = tpu.memref_slice %arg7[%dma_start3A] : memref<20032xi32, #tpu.memory_space<vmem>> -> memref<48xi32, #tpu.memory_space<vmem>>
      %dma_start3A_387 = arith.constant 0 : i32
      %dma_start3A_388 = arith.constant 0 : i32
      %dma_start3A_389 = tpu.memref_slice %arg3[%dma_start3A_387, %dma_start3A_388] : memref<20000x128xf32, #tpu.memory_space<hbm>> -> memref<20000x128xf32, #tpu.memory_space<hbm>>
      tpu.enqueue_indirect_dma source(%dma_start3A_389 : memref<20000x128xf32, #tpu.memory_space<hbm>>) target(%arg12 : memref<48x128xf32, #tpu.memory_space<vmem>>) offsets(%dma_start3A_386 : memref<48xi32, #tpu.memory_space<vmem>>) semaphore(%arg20 : memref<!tpu.dma_semaphore, #tpu.memory_space<semaphore_mem>>)
    } else {
    }
    %gt3A_313 = arith.constant 1 : i32
    %gt3A_314 = arith.cmpi sgt, %select_n3A_310, %gt3A_313 : i32
    %convert_element_type3A_315 = arith.extui %gt3A_314 : i1 to i32
    %cond3A_316 = arith.constant 0 : i32
    %cond3A_317 = arith.cmpi ne, %convert_element_type3A_315, %cond3A_316 : i32
    scf.if %cond3A_317 {
      %dma_start3A = arith.constant 48 : i32
      %dma_start3A_386 = tpu.memref_slice %arg7[%dma_start3A] : memref<20032xi32, #tpu.memory_space<vmem>> -> memref<48xi32, #tpu.memory_space<vmem>>
      %dma_start3A_387 = arith.constant 0 : i32
      %dma_start3A_388 = arith.constant 0 : i32
      %dma_start3A_389 = tpu.memref_slice %arg3[%dma_start3A_387, %dma_start3A_388] : memref<20000x128xf32, #tpu.memory_space<hbm>> -> memref<20000x128xf32, #tpu.memory_space<hbm>>
      tpu.enqueue_indirect_dma source(%dma_start3A_389 : memref<20000x128xf32, #tpu.memory_space<hbm>>) target(%arg13 : memref<48x128xf32, #tpu.memory_space<vmem>>) offsets(%dma_start3A_386 : memref<48xi32, #tpu.memory_space<vmem>>) semaphore(%arg21 : memref<!tpu.dma_semaphore, #tpu.memory_space<semaphore_mem>>)
    } else {
    }
    %gt3A_318 = arith.constant 2 : i32
    %gt3A_319 = arith.cmpi sgt, %select_n3A_310, %gt3A_318 : i32
    %convert_element_type3A_320 = arith.extui %gt3A_319 : i1 to i32
    %cond3A_321 = arith.constant 0 : i32
    %cond3A_322 = arith.cmpi ne, %convert_element_type3A_320, %cond3A_321 : i32
    scf.if %cond3A_322 {
      %dma_start3A = arith.constant 96 : i32
      %dma_start3A_386 = tpu.memref_slice %arg7[%dma_start3A] : memref<20032xi32, #tpu.memory_space<vmem>> -> memref<48xi32, #tpu.memory_space<vmem>>
      %dma_start3A_387 = arith.constant 0 : i32
      %dma_start3A_388 = arith.constant 0 : i32
      %dma_start3A_389 = tpu.memref_slice %arg3[%dma_start3A_387, %dma_start3A_388] : memref<20000x128xf32, #tpu.memory_space<hbm>> -> memref<20000x128xf32, #tpu.memory_space<hbm>>
      tpu.enqueue_indirect_dma source(%dma_start3A_389 : memref<20000x128xf32, #tpu.memory_space<hbm>>) target(%arg14 : memref<48x128xf32, #tpu.memory_space<vmem>>) offsets(%dma_start3A_386 : memref<48xi32, #tpu.memory_space<vmem>>) semaphore(%arg22 : memref<!tpu.dma_semaphore, #tpu.memory_space<semaphore_mem>>)
    } else {
    }
    %gt3A_323 = arith.constant 3 : i32
    %gt3A_324 = arith.cmpi sgt, %select_n3A_310, %gt3A_323 : i32
    %convert_element_type3A_325 = arith.extui %gt3A_324 : i1 to i32
    %cond3A_326 = arith.constant 0 : i32
    %cond3A_327 = arith.cmpi ne, %convert_element_type3A_325, %cond3A_326 : i32
    scf.if %cond3A_327 {
      %dma_start3A = arith.constant 144 : i32
      %dma_start3A_386 = tpu.memref_slice %arg7[%dma_start3A] : memref<20032xi32, #tpu.memory_space<vmem>> -> memref<48xi32, #tpu.memory_space<vmem>>
      %dma_start3A_387 = arith.constant 0 : i32
      %dma_start3A_388 = arith.constant 0 : i32
      %dma_start3A_389 = tpu.memref_slice %arg3[%dma_start3A_387, %dma_start3A_388] : memref<20000x128xf32, #tpu.memory_space<hbm>> -> memref<20000x128xf32, #tpu.memory_space<hbm>>
      tpu.enqueue_indirect_dma source(%dma_start3A_389 : memref<20000x128xf32, #tpu.memory_space<hbm>>) target(%arg15 : memref<48x128xf32, #tpu.memory_space<vmem>>) offsets(%dma_start3A_386 : memref<48xi32, #tpu.memory_space<vmem>>) semaphore(%arg23 : memref<!tpu.dma_semaphore, #tpu.memory_space<semaphore_mem>>)
    } else {
    }
    %gt3A_328 = arith.constant 4 : i32
    %gt3A_329 = arith.cmpi sgt, %select_n3A_310, %gt3A_328 : i32
    %convert_element_type3A_330 = arith.extui %gt3A_329 : i1 to i32
    %cond3A_331 = arith.constant 0 : i32
    %cond3A_332 = arith.cmpi ne, %convert_element_type3A_330, %cond3A_331 : i32
    scf.if %cond3A_332 {
      %dma_start3A = arith.constant 192 : i32
      %dma_start3A_386 = tpu.memref_slice %arg7[%dma_start3A] : memref<20032xi32, #tpu.memory_space<vmem>> -> memref<48xi32, #tpu.memory_space<vmem>>
      %dma_start3A_387 = arith.constant 0 : i32
      %dma_start3A_388 = arith.constant 0 : i32
      %dma_start3A_389 = tpu.memref_slice %arg3[%dma_start3A_387, %dma_start3A_388] : memref<20000x128xf32, #tpu.memory_space<hbm>> -> memref<20000x128xf32, #tpu.memory_space<hbm>>
      tpu.enqueue_indirect_dma source(%dma_start3A_389 : memref<20000x128xf32, #tpu.memory_space<hbm>>) target(%arg16 : memref<48x128xf32, #tpu.memory_space<vmem>>) offsets(%dma_start3A_386 : memref<48xi32, #tpu.memory_space<vmem>>) semaphore(%arg24 : memref<!tpu.dma_semaphore, #tpu.memory_space<semaphore_mem>>)
    } else {
    }
    %add3A_333 = arith.constant 5 : i32
    %add3A_334 = arith.addi %select_n3A_310, %add3A_333 : i32
    %sub3A_335 = arith.constant 1 : i32
    %sub3A_336 = arith.subi %add3A_334, %sub3A_335 : i32
    %jit3A_337 = arith.constant 5 : i32
    %div3A_338 = arith.divsi %sub3A_336, %jit3A_337 : i32
    %sign3A_339 = arith.constant 0 : i32
    %sign3A_340 = arith.cmpi sgt, %sub3A_336, %sign3A_339 : i32
    %sign3A_341 = arith.extui %sign3A_340 : i1 to i32
    %sign3A_342 = arith.constant 0 : i32
    %sign3A_343 = arith.cmpi slt, %sub3A_336, %sign3A_342 : i32
    %sign3A_344 = arith.extui %sign3A_343 : i1 to i32
    %sign3A_345 = arith.subi %sign3A_341, %sign3A_344 : i32
    %sign3A_346 = arith.constant 0 : i32
    %sign3A_347 = arith.cmpi sgt, %jit3A_337, %sign3A_346 : i32
    %sign3A_348 = arith.extui %sign3A_347 : i1 to i32
    %sign3A_349 = arith.constant 0 : i32
    %sign3A_350 = arith.cmpi slt, %jit3A_337, %sign3A_349 : i32
    %sign3A_351 = arith.extui %sign3A_350 : i1 to i32
    %sign3A_352 = arith.subi %sign3A_348, %sign3A_351 : i32
    %ne3A_353 = arith.cmpi ne, %sign3A_345, %sign3A_352 : i32
    %rem3A_354 = arith.remsi %sub3A_336, %jit3A_337 : i32
    %ne3A_355 = arith.constant 0 : i32
    %ne3A_356 = arith.cmpi ne, %rem3A_354, %ne3A_355 : i32
    %and3A_357 = arith.andi %ne3A_353, %ne3A_356 : i1
    %sub3A_358 = arith.constant 1 : i32
    %sub3A_359 = arith.subi %div3A_338, %sub3A_358 : i32
    %select_n3A_360 = arith.select %and3A_357, %sub3A_359, %div3A_338 : i32
    %while3A_361 = arith.constant 0 : i32
    %while3A_362 = arith.constant 0 : i32
    %while3A_363 = arith.subi %select_n3A_360, %while3A_361 : i32
    %while3A_364 = arith.addi %while3A_361, %while3A_363 : i32
    %while3A_365 = arith.constant 1 : i32
    %while3A_366 = arith.divsi %while3A_363, %while3A_365 : i32
    %while3A_367 = arith.muli %while3A_366, %while3A_365 : i32
    %while3A_368 = arith.addi %while3A_361, %while3A_367 : i32
    %while3A_369 = arith.constant 1 : i32
    %while3A_370 = scf.for %while3A_386 = %while3A_361 to %while3A_368 step %while3A_369 iter_args(%while3A_387 = %while3A_362) -> (i32)  : i32 {
      %mul3A_388 = arith.constant 5 : i32
      %mul3A_389 = arith.muli %while3A_386, %mul3A_388 : i32
      %add3A_390 = arith.constant 0 : i32
      %add3A_391 = arith.addi %mul3A_389, %add3A_390 : i32
      %lt3A_392 = arith.cmpi slt, %add3A_391, %select_n3A_310 : i32
      %convert_element_type3A_393 = arith.extui %lt3A_392 : i1 to i32
      %cond3A_394 = arith.constant 0 : i32
      %cond3A_395 = arith.cmpi ne, %convert_element_type3A_393, %cond3A_394 : i32
      scf.if %cond3A_395 {
        %mul3A_429 = arith.constant 48 : i32
        %mul3A_430 = arith.muli %add3A_391, %mul3A_429 : i32
        %dma_wait3A = tpu.memref_slice %arg7[%mul3A_430] : memref<20032xi32, #tpu.memory_space<vmem>> -> memref<48xi32, #tpu.memory_space<vmem>>
        %dma_wait3A_431 = arith.constant 0 : i32
        %dma_wait3A_432 = arith.constant 0 : i32
        %dma_wait3A_433 = tpu.memref_slice %arg3[%dma_wait3A_431, %dma_wait3A_432] : memref<20000x128xf32, #tpu.memory_space<hbm>> -> memref<20000x128xf32, #tpu.memory_space<hbm>>
        tpu.wait_indirect_dma semaphore(%arg20 : memref<!tpu.dma_semaphore, #tpu.memory_space<semaphore_mem>>) src(%dma_wait3A_433 : memref<20000x128xf32, #tpu.memory_space<hbm>>) dst(%arg12 : memref<48x128xf32, #tpu.memory_space<vmem>>)
        %mul3A_434 = arith.constant 48 : i32
        %mul3A_435 = arith.muli %add3A_391, %mul3A_434 : i32
        %add3A_436 = arith.addi %add3A_286, %mul3A_435 : i32
        %add3A_437 = arith.constant 0 : i32
        %add3A_438 = arith.addi %add3A_436, %add3A_437 : i32
        %add3A_439 = vector.broadcast %add3A_438 : i32 to vector<16xi32>
        %add3A_440 = arith.addi %add3A_439, %iota3A : vector<16xi32>
        %swap3A_441 = arith.constant 0 : index
        %swap3A_442 = tpu.vector_load %arg18[%swap3A_441] {strides = array<i32>} : memref<48xi32, #tpu.memory_space<vmem>>, vector<16xi32>,
        tpu.vector_store %arg18[%swap3A_441], %add3A_440 {strides = array<i32>} : memref<48xi32, #tpu.memory_space<vmem>>, vector<16xi32>,
        %mul3A_443 = arith.constant 48 : i32
        %mul3A_444 = arith.muli %add3A_391, %mul3A_443 : i32
        %add3A_445 = arith.addi %add3A_286, %mul3A_444 : i32
        %add3A_446 = arith.constant 16 : i32
        %add3A_447 = arith.addi %add3A_445, %add3A_446 : i32
        %add3A_448 = vector.broadcast %add3A_447 : i32 to vector<16xi32>
        %add3A_449 = arith.addi %add3A_448, %iota3A : vector<16xi32>
        %swap3A_450 = arith.constant 16 : index
        %swap3A_451 = tpu.vector_load %arg18[%swap3A_450] {strides = array<i32>} : memref<48xi32, #tpu.memory_space<vmem>>, vector<16xi32>,
        tpu.vector_store %arg18[%swap3A_450], %add3A_449 {strides = array<i32>} : memref<48xi32, #tpu.memory_space<vmem>>, vector<16xi32>,
        %mul3A_452 = arith.constant 48 : i32
        %mul3A_453 = arith.muli %add3A_391, %mul3A_452 : i32
        %add3A_454 = arith.addi %add3A_286, %mul3A_453 : i32
        %add3A_455 = arith.constant 32 : i32
        %add3A_456 = arith.addi %add3A_454, %add3A_455 : i32
        %add3A_457 = vector.broadcast %add3A_456 : i32 to vector<16xi32>
        %add3A_458 = arith.addi %add3A_457, %iota3A : vector<16xi32>
        %swap3A_459 = arith.constant 32 : index
        %swap3A_460 = tpu.vector_load %arg18[%swap3A_459] {strides = array<i32>} : memref<48xi32, #tpu.memory_space<vmem>>, vector<16xi32>,
        tpu.vector_store %arg18[%swap3A_459], %add3A_458 {strides = array<i32>} : memref<48xi32, #tpu.memory_space<vmem>>, vector<16xi32>,
        %dma_start3A = arith.constant 0 : i32
        %dma_start3A_461 = arith.constant 0 : i32
        %dma_start3A_462 = tpu.memref_slice %arg4[%dma_start3A, %dma_start3A_461] : memref<160000x128xf32, #tpu.memory_space<hbm>> -> memref<160000x128xf32, #tpu.memory_space<hbm>>
        tpu.enqueue_indirect_dma source(%arg12 : memref<48x128xf32, #tpu.memory_space<vmem>>) target(%dma_start3A_462 : memref<160000x128xf32, #tpu.memory_space<hbm>>) offsets(%arg18 : memref<48xi32, #tpu.memory_space<vmem>>) semaphore(%arg25 : memref<!tpu.dma_semaphore, #tpu.memory_space<semaphore_mem>>)
        %dma_wait3A_463 = arith.constant 0 : i32
        %dma_wait3A_464 = arith.constant 0 : i32
        %dma_wait3A_465 = tpu.memref_slice %arg4[%dma_wait3A_463, %dma_wait3A_464] : memref<160000x128xf32, #tpu.memory_space<hbm>> -> memref<160000x128xf32, #tpu.memory_space<hbm>>
        tpu.wait_indirect_dma semaphore(%arg25 : memref<!tpu.dma_semaphore, #tpu.memory_space<semaphore_mem>>) src(%arg12 : memref<48x128xf32, #tpu.memory_space<vmem>>) dst(%dma_wait3A_465 : memref<160000x128xf32, #tpu.memory_space<hbm>>)
        %add3A_466 = arith.constant 5 : i32
        %add3A_467 = arith.addi %add3A_391, %add3A_466 : i32
        %lt3A_468 = arith.cmpi slt, %add3A_467, %select_n3A_310 : i32
        %convert_element_type3A_469 = arith.extui %lt3A_468 : i1 to i32
        %cond3A_470 = arith.constant 0 : i32
        %cond3A_471 = arith.cmpi ne, %convert_element_type3A_469, %cond3A_470 : i32
        scf.if %cond3A_471 {
          %add3A_472 = arith.constant 5 : i32
          %add3A_473 = arith.addi %add3A_391, %add3A_472 : i32
          %mul3A_474 = arith.constant 48 : i32
          %mul3A_475 = arith.muli %add3A_473, %mul3A_474 : i32
          %dma_start3A_476 = tpu.memref_slice %arg7[%mul3A_475] : memref<20032xi32, #tpu.memory_space<vmem>> -> memref<48xi32, #tpu.memory_space<vmem>>
          %dma_start3A_477 = arith.constant 0 : i32
          %dma_start3A_478 = arith.constant 0 : i32
          %dma_start3A_479 = tpu.memref_slice %arg3[%dma_start3A_477, %dma_start3A_478] : memref<20000x128xf32, #tpu.memory_space<hbm>> -> memref<20000x128xf32, #tpu.memory_space<hbm>>
          tpu.enqueue_indirect_dma source(%dma_start3A_479 : memref<20000x128xf32, #tpu.memory_space<hbm>>) target(%arg12 : memref<48x128xf32, #tpu.memory_space<vmem>>) offsets(%dma_start3A_476 : memref<48xi32, #tpu.memory_space<vmem>>) semaphore(%arg20 : memref<!tpu.dma_semaphore, #tpu.memory_space<semaphore_mem>>)
        } else {
        }
      } else {
      }
      %mul3A_396 = arith.constant 5 : i32
      %mul3A_397 = arith.muli %while3A_386, %mul3A_396 : i32
      %add3A_398 = arith.constant 1 : i32
      %add3A_399 = arith.addi %mul3A_397, %add3A_398 : i32
      %lt3A_400 = arith.cmpi slt, %add3A_399, %select_n3A_310 : i32
      %convert_element_type3A_401 = arith.extui %lt3A_400 : i1 to i32
      %cond3A_402 = arith.constant 0 : i32
      %cond3A_403 = arith.cmpi ne, %convert_element_type3A_401, %cond3A_402 : i32
      scf.if %cond3A_403 {
        %mul3A_429 = arith.constant 48 : i32
        %mul3A_430 = arith.muli %add3A_399, %mul3A_429 : i32
        %dma_wait3A = tpu.memref_slice %arg7[%mul3A_430] : memref<20032xi32, #tpu.memory_space<vmem>> -> memref<48xi32, #tpu.memory_space<vmem>>
        %dma_wait3A_431 = arith.constant 0 : i32
        %dma_wait3A_432 = arith.constant 0 : i32
        %dma_wait3A_433 = tpu.memref_slice %arg3[%dma_wait3A_431, %dma_wait3A_432] : memref<20000x128xf32, #tpu.memory_space<hbm>> -> memref<20000x128xf32, #tpu.memory_space<hbm>>
        tpu.wait_indirect_dma semaphore(%arg21 : memref<!tpu.dma_semaphore, #tpu.memory_space<semaphore_mem>>) src(%dma_wait3A_433 : memref<20000x128xf32, #tpu.memory_space<hbm>>) dst(%arg13 : memref<48x128xf32, #tpu.memory_space<vmem>>)
        %mul3A_434 = arith.constant 48 : i32
        %mul3A_435 = arith.muli %add3A_399, %mul3A_434 : i32
        %add3A_436 = arith.addi %add3A_286, %mul3A_435 : i32
        %add3A_437 = arith.constant 0 : i32
        %add3A_438 = arith.addi %add3A_436, %add3A_437 : i32
        %add3A_439 = vector.broadcast %add3A_438 : i32 to vector<16xi32>
        %add3A_440 = arith.addi %add3A_439, %iota3A : vector<16xi32>
        %swap3A_441 = arith.constant 0 : index
        %swap3A_442 = tpu.vector_load %arg18[%swap3A_441] {strides = array<i32>} : memref<48xi32, #tpu.memory_space<vmem>>, vector<16xi32>,
        tpu.vector_store %arg18[%swap3A_441], %add3A_440 {strides = array<i32>} : memref<48xi32, #tpu.memory_space<vmem>>, vector<16xi32>,
        %mul3A_443 = arith.constant 48 : i32
        %mul3A_444 = arith.muli %add3A_399, %mul3A_443 : i32
        %add3A_445 = arith.addi %add3A_286, %mul3A_444 : i32
        %add3A_446 = arith.constant 16 : i32
        %add3A_447 = arith.addi %add3A_445, %add3A_446 : i32
        %add3A_448 = vector.broadcast %add3A_447 : i32 to vector<16xi32>
        %add3A_449 = arith.addi %add3A_448, %iota3A : vector<16xi32>
        %swap3A_450 = arith.constant 16 : index
        %swap3A_451 = tpu.vector_load %arg18[%swap3A_450] {strides = array<i32>} : memref<48xi32, #tpu.memory_space<vmem>>, vector<16xi32>,
        tpu.vector_store %arg18[%swap3A_450], %add3A_449 {strides = array<i32>} : memref<48xi32, #tpu.memory_space<vmem>>, vector<16xi32>,
        %mul3A_452 = arith.constant 48 : i32
        %mul3A_453 = arith.muli %add3A_399, %mul3A_452 : i32
        %add3A_454 = arith.addi %add3A_286, %mul3A_453 : i32
        %add3A_455 = arith.constant 32 : i32
        %add3A_456 = arith.addi %add3A_454, %add3A_455 : i32
        %add3A_457 = vector.broadcast %add3A_456 : i32 to vector<16xi32>
        %add3A_458 = arith.addi %add3A_457, %iota3A : vector<16xi32>
        %swap3A_459 = arith.constant 32 : index
        %swap3A_460 = tpu.vector_load %arg18[%swap3A_459] {strides = array<i32>} : memref<48xi32, #tpu.memory_space<vmem>>, vector<16xi32>,
        tpu.vector_store %arg18[%swap3A_459], %add3A_458 {strides = array<i32>} : memref<48xi32, #tpu.memory_space<vmem>>, vector<16xi32>,
        %dma_start3A = arith.constant 0 : i32
        %dma_start3A_461 = arith.constant 0 : i32
        %dma_start3A_462 = tpu.memref_slice %arg4[%dma_start3A, %dma_start3A_461] : memref<160000x128xf32, #tpu.memory_space<hbm>> -> memref<160000x128xf32, #tpu.memory_space<hbm>>
        tpu.enqueue_indirect_dma source(%arg13 : memref<48x128xf32, #tpu.memory_space<vmem>>) target(%dma_start3A_462 : memref<160000x128xf32, #tpu.memory_space<hbm>>) offsets(%arg18 : memref<48xi32, #tpu.memory_space<vmem>>) semaphore(%arg26 : memref<!tpu.dma_semaphore, #tpu.memory_space<semaphore_mem>>)
        %dma_wait3A_463 = arith.constant 0 : i32
        %dma_wait3A_464 = arith.constant 0 : i32
        %dma_wait3A_465 = tpu.memref_slice %arg4[%dma_wait3A_463, %dma_wait3A_464] : memref<160000x128xf32, #tpu.memory_space<hbm>> -> memref<160000x128xf32, #tpu.memory_space<hbm>>
        tpu.wait_indirect_dma semaphore(%arg26 : memref<!tpu.dma_semaphore, #tpu.memory_space<semaphore_mem>>) src(%arg13 : memref<48x128xf32, #tpu.memory_space<vmem>>) dst(%dma_wait3A_465 : memref<160000x128xf32, #tpu.memory_space<hbm>>)
        %add3A_466 = arith.constant 5 : i32
        %add3A_467 = arith.addi %add3A_399, %add3A_466 : i32
        %lt3A_468 = arith.cmpi slt, %add3A_467, %select_n3A_310 : i32
        %convert_element_type3A_469 = arith.extui %lt3A_468 : i1 to i32
        %cond3A_470 = arith.constant 0 : i32
        %cond3A_471 = arith.cmpi ne, %convert_element_type3A_469, %cond3A_470 : i32
        scf.if %cond3A_471 {
          %add3A_472 = arith.constant 5 : i32
          %add3A_473 = arith.addi %add3A_399, %add3A_472 : i32
          %mul3A_474 = arith.constant 48 : i32
          %mul3A_475 = arith.muli %add3A_473, %mul3A_474 : i32
          %dma_start3A_476 = tpu.memref_slice %arg7[%mul3A_475] : memref<20032xi32, #tpu.memory_space<vmem>> -> memref<48xi32, #tpu.memory_space<vmem>>
          %dma_start3A_477 = arith.constant 0 : i32
          %dma_start3A_478 = arith.constant 0 : i32
          %dma_start3A_479 = tpu.memref_slice %arg3[%dma_start3A_477, %dma_start3A_478] : memref<20000x128xf32, #tpu.memory_space<hbm>> -> memref<20000x128xf32, #tpu.memory_space<hbm>>
          tpu.enqueue_indirect_dma source(%dma_start3A_479 : memref<20000x128xf32, #tpu.memory_space<hbm>>) target(%arg13 : memref<48x128xf32, #tpu.memory_space<vmem>>) offsets(%dma_start3A_476 : memref<48xi32, #tpu.memory_space<vmem>>) semaphore(%arg21 : memref<!tpu.dma_semaphore, #tpu.memory_space<semaphore_mem>>)
        } else {
        }
      } else {
      }
      %mul3A_404 = arith.constant 5 : i32
      %mul3A_405 = arith.muli %while3A_386, %mul3A_404 : i32
      %add3A_406 = arith.constant 2 : i32
      %add3A_407 = arith.addi %mul3A_405, %add3A_406 : i32
      %lt3A_408 = arith.cmpi slt, %add3A_407, %select_n3A_310 : i32
      %convert_element_type3A_409 = arith.extui %lt3A_408 : i1 to i32
      %cond3A_410 = arith.constant 0 : i32
      %cond3A_411 = arith.cmpi ne, %convert_element_type3A_409, %cond3A_410 : i32
      scf.if %cond3A_411 {
        %mul3A_429 = arith.constant 48 : i32
        %mul3A_430 = arith.muli %add3A_407, %mul3A_429 : i32
        %dma_wait3A = tpu.memref_slice %arg7[%mul3A_430] : memref<20032xi32, #tpu.memory_space<vmem>> -> memref<48xi32, #tpu.memory_space<vmem>>
        %dma_wait3A_431 = arith.constant 0 : i32
        %dma_wait3A_432 = arith.constant 0 : i32
        %dma_wait3A_433 = tpu.memref_slice %arg3[%dma_wait3A_431, %dma_wait3A_432] : memref<20000x128xf32, #tpu.memory_space<hbm>> -> memref<20000x128xf32, #tpu.memory_space<hbm>>
        tpu.wait_indirect_dma semaphore(%arg22 : memref<!tpu.dma_semaphore, #tpu.memory_space<semaphore_mem>>) src(%dma_wait3A_433 : memref<20000x128xf32, #tpu.memory_space<hbm>>) dst(%arg14 : memref<48x128xf32, #tpu.memory_space<vmem>>)
        %mul3A_434 = arith.constant 48 : i32
        %mul3A_435 = arith.muli %add3A_407, %mul3A_434 : i32
        %add3A_436 = arith.addi %add3A_286, %mul3A_435 : i32
        %add3A_437 = arith.constant 0 : i32
        %add3A_438 = arith.addi %add3A_436, %add3A_437 : i32
        %add3A_439 = vector.broadcast %add3A_438 : i32 to vector<16xi32>
        %add3A_440 = arith.addi %add3A_439, %iota3A : vector<16xi32>
        %swap3A_441 = arith.constant 0 : index
        %swap3A_442 = tpu.vector_load %arg18[%swap3A_441] {strides = array<i32>} : memref<48xi32, #tpu.memory_space<vmem>>, vector<16xi32>,
        tpu.vector_store %arg18[%swap3A_441], %add3A_440 {strides = array<i32>} : memref<48xi32, #tpu.memory_space<vmem>>, vector<16xi32>,
        %mul3A_443 = arith.constant 48 : i32
        %mul3A_444 = arith.muli %add3A_407, %mul3A_443 : i32
        %add3A_445 = arith.addi %add3A_286, %mul3A_444 : i32
        %add3A_446 = arith.constant 16 : i32
        %add3A_447 = arith.addi %add3A_445, %add3A_446 : i32
        %add3A_448 = vector.broadcast %add3A_447 : i32 to vector<16xi32>
        %add3A_449 = arith.addi %add3A_448, %iota3A : vector<16xi32>
        %swap3A_450 = arith.constant 16 : index
        %swap3A_451 = tpu.vector_load %arg18[%swap3A_450] {strides = array<i32>} : memref<48xi32, #tpu.memory_space<vmem>>, vector<16xi32>,
        tpu.vector_store %arg18[%swap3A_450], %add3A_449 {strides = array<i32>} : memref<48xi32, #tpu.memory_space<vmem>>, vector<16xi32>,
        %mul3A_452 = arith.constant 48 : i32
        %mul3A_453 = arith.muli %add3A_407, %mul3A_452 : i32
        %add3A_454 = arith.addi %add3A_286, %mul3A_453 : i32
        %add3A_455 = arith.constant 32 : i32
        %add3A_456 = arith.addi %add3A_454, %add3A_455 : i32
        %add3A_457 = vector.broadcast %add3A_456 : i32 to vector<16xi32>
        %add3A_458 = arith.addi %add3A_457, %iota3A : vector<16xi32>
        %swap3A_459 = arith.constant 32 : index
        %swap3A_460 = tpu.vector_load %arg18[%swap3A_459] {strides = array<i32>} : memref<48xi32, #tpu.memory_space<vmem>>, vector<16xi32>,
        tpu.vector_store %arg18[%swap3A_459], %add3A_458 {strides = array<i32>} : memref<48xi32, #tpu.memory_space<vmem>>, vector<16xi32>,
        %dma_start3A = arith.constant 0 : i32
        %dma_start3A_461 = arith.constant 0 : i32
        %dma_start3A_462 = tpu.memref_slice %arg4[%dma_start3A, %dma_start3A_461] : memref<160000x128xf32, #tpu.memory_space<hbm>> -> memref<160000x128xf32, #tpu.memory_space<hbm>>
        tpu.enqueue_indirect_dma source(%arg14 : memref<48x128xf32, #tpu.memory_space<vmem>>) target(%dma_start3A_462 : memref<160000x128xf32, #tpu.memory_space<hbm>>) offsets(%arg18 : memref<48xi32, #tpu.memory_space<vmem>>) semaphore(%arg27 : memref<!tpu.dma_semaphore, #tpu.memory_space<semaphore_mem>>)
        %dma_wait3A_463 = arith.constant 0 : i32
        %dma_wait3A_464 = arith.constant 0 : i32
        %dma_wait3A_465 = tpu.memref_slice %arg4[%dma_wait3A_463, %dma_wait3A_464] : memref<160000x128xf32, #tpu.memory_space<hbm>> -> memref<160000x128xf32, #tpu.memory_space<hbm>>
        tpu.wait_indirect_dma semaphore(%arg27 : memref<!tpu.dma_semaphore, #tpu.memory_space<semaphore_mem>>) src(%arg14 : memref<48x128xf32, #tpu.memory_space<vmem>>) dst(%dma_wait3A_465 : memref<160000x128xf32, #tpu.memory_space<hbm>>)
        %add3A_466 = arith.constant 5 : i32
        %add3A_467 = arith.addi %add3A_407, %add3A_466 : i32
        %lt3A_468 = arith.cmpi slt, %add3A_467, %select_n3A_310 : i32
        %convert_element_type3A_469 = arith.extui %lt3A_468 : i1 to i32
        %cond3A_470 = arith.constant 0 : i32
        %cond3A_471 = arith.cmpi ne, %convert_element_type3A_469, %cond3A_470 : i32
        scf.if %cond3A_471 {
          %add3A_472 = arith.constant 5 : i32
          %add3A_473 = arith.addi %add3A_407, %add3A_472 : i32
          %mul3A_474 = arith.constant 48 : i32
          %mul3A_475 = arith.muli %add3A_473, %mul3A_474 : i32
          %dma_start3A_476 = tpu.memref_slice %arg7[%mul3A_475] : memref<20032xi32, #tpu.memory_space<vmem>> -> memref<48xi32, #tpu.memory_space<vmem>>
          %dma_start3A_477 = arith.constant 0 : i32
          %dma_start3A_478 = arith.constant 0 : i32
          %dma_start3A_479 = tpu.memref_slice %arg3[%dma_start3A_477, %dma_start3A_478] : memref<20000x128xf32, #tpu.memory_space<hbm>> -> memref<20000x128xf32, #tpu.memory_space<hbm>>
          tpu.enqueue_indirect_dma source(%dma_start3A_479 : memref<20000x128xf32, #tpu.memory_space<hbm>>) target(%arg14 : memref<48x128xf32, #tpu.memory_space<vmem>>) offsets(%dma_start3A_476 : memref<48xi32, #tpu.memory_space<vmem>>) semaphore(%arg22 : memref<!tpu.dma_semaphore, #tpu.memory_space<semaphore_mem>>)
        } else {
        }
      } else {
      }
      %mul3A_412 = arith.constant 5 : i32
      %mul3A_413 = arith.muli %while3A_386, %mul3A_412 : i32
      %add3A_414 = arith.constant 3 : i32
      %add3A_415 = arith.addi %mul3A_413, %add3A_414 : i32
      %lt3A_416 = arith.cmpi slt, %add3A_415, %select_n3A_310 : i32
      %convert_element_type3A_417 = arith.extui %lt3A_416 : i1 to i32
      %cond3A_418 = arith.constant 0 : i32
      %cond3A_419 = arith.cmpi ne, %convert_element_type3A_417, %cond3A_418 : i32
      scf.if %cond3A_419 {
        %mul3A_429 = arith.constant 48 : i32
        %mul3A_430 = arith.muli %add3A_415, %mul3A_429 : i32
        %dma_wait3A = tpu.memref_slice %arg7[%mul3A_430] : memref<20032xi32, #tpu.memory_space<vmem>> -> memref<48xi32, #tpu.memory_space<vmem>>
        %dma_wait3A_431 = arith.constant 0 : i32
        %dma_wait3A_432 = arith.constant 0 : i32
        %dma_wait3A_433 = tpu.memref_slice %arg3[%dma_wait3A_431, %dma_wait3A_432] : memref<20000x128xf32, #tpu.memory_space<hbm>> -> memref<20000x128xf32, #tpu.memory_space<hbm>>
        tpu.wait_indirect_dma semaphore(%arg23 : memref<!tpu.dma_semaphore, #tpu.memory_space<semaphore_mem>>) src(%dma_wait3A_433 : memref<20000x128xf32, #tpu.memory_space<hbm>>) dst(%arg15 : memref<48x128xf32, #tpu.memory_space<vmem>>)
        %mul3A_434 = arith.constant 48 : i32
        %mul3A_435 = arith.muli %add3A_415, %mul3A_434 : i32
        %add3A_436 = arith.addi %add3A_286, %mul3A_435 : i32
        %add3A_437 = arith.constant 0 : i32
        %add3A_438 = arith.addi %add3A_436, %add3A_437 : i32
        %add3A_439 = vector.broadcast %add3A_438 : i32 to vector<16xi32>
        %add3A_440 = arith.addi %add3A_439, %iota3A : vector<16xi32>
        %swap3A_441 = arith.constant 0 : index
        %swap3A_442 = tpu.vector_load %arg18[%swap3A_441] {strides = array<i32>} : memref<48xi32, #tpu.memory_space<vmem>>, vector<16xi32>,
        tpu.vector_store %arg18[%swap3A_441], %add3A_440 {strides = array<i32>} : memref<48xi32, #tpu.memory_space<vmem>>, vector<16xi32>,
        %mul3A_443 = arith.constant 48 : i32
        %mul3A_444 = arith.muli %add3A_415, %mul3A_443 : i32
        %add3A_445 = arith.addi %add3A_286, %mul3A_444 : i32
        %add3A_446 = arith.constant 16 : i32
        %add3A_447 = arith.addi %add3A_445, %add3A_446 : i32
        %add3A_448 = vector.broadcast %add3A_447 : i32 to vector<16xi32>
        %add3A_449 = arith.addi %add3A_448, %iota3A : vector<16xi32>
        %swap3A_450 = arith.constant 16 : index
        %swap3A_451 = tpu.vector_load %arg18[%swap3A_450] {strides = array<i32>} : memref<48xi32, #tpu.memory_space<vmem>>, vector<16xi32>,
        tpu.vector_store %arg18[%swap3A_450], %add3A_449 {strides = array<i32>} : memref<48xi32, #tpu.memory_space<vmem>>, vector<16xi32>,
        %mul3A_452 = arith.constant 48 : i32
        %mul3A_453 = arith.muli %add3A_415, %mul3A_452 : i32
        %add3A_454 = arith.addi %add3A_286, %mul3A_453 : i32
        %add3A_455 = arith.constant 32 : i32
        %add3A_456 = arith.addi %add3A_454, %add3A_455 : i32
        %add3A_457 = vector.broadcast %add3A_456 : i32 to vector<16xi32>
        %add3A_458 = arith.addi %add3A_457, %iota3A : vector<16xi32>
        %swap3A_459 = arith.constant 32 : index
        %swap3A_460 = tpu.vector_load %arg18[%swap3A_459] {strides = array<i32>} : memref<48xi32, #tpu.memory_space<vmem>>, vector<16xi32>,
        tpu.vector_store %arg18[%swap3A_459], %add3A_458 {strides = array<i32>} : memref<48xi32, #tpu.memory_space<vmem>>, vector<16xi32>,
        %dma_start3A = arith.constant 0 : i32
        %dma_start3A_461 = arith.constant 0 : i32
        %dma_start3A_462 = tpu.memref_slice %arg4[%dma_start3A, %dma_start3A_461] : memref<160000x128xf32, #tpu.memory_space<hbm>> -> memref<160000x128xf32, #tpu.memory_space<hbm>>
        tpu.enqueue_indirect_dma source(%arg15 : memref<48x128xf32, #tpu.memory_space<vmem>>) target(%dma_start3A_462 : memref<160000x128xf32, #tpu.memory_space<hbm>>) offsets(%arg18 : memref<48xi32, #tpu.memory_space<vmem>>) semaphore(%arg28 : memref<!tpu.dma_semaphore, #tpu.memory_space<semaphore_mem>>)
        %dma_wait3A_463 = arith.constant 0 : i32
        %dma_wait3A_464 = arith.constant 0 : i32
        %dma_wait3A_465 = tpu.memref_slice %arg4[%dma_wait3A_463, %dma_wait3A_464] : memref<160000x128xf32, #tpu.memory_space<hbm>> -> memref<160000x128xf32, #tpu.memory_space<hbm>>
        tpu.wait_indirect_dma semaphore(%arg28 : memref<!tpu.dma_semaphore, #tpu.memory_space<semaphore_mem>>) src(%arg15 : memref<48x128xf32, #tpu.memory_space<vmem>>) dst(%dma_wait3A_465 : memref<160000x128xf32, #tpu.memory_space<hbm>>)
        %add3A_466 = arith.constant 5 : i32
        %add3A_467 = arith.addi %add3A_415, %add3A_466 : i32
        %lt3A_468 = arith.cmpi slt, %add3A_467, %select_n3A_310 : i32
        %convert_element_type3A_469 = arith.extui %lt3A_468 : i1 to i32
        %cond3A_470 = arith.constant 0 : i32
        %cond3A_471 = arith.cmpi ne, %convert_element_type3A_469, %cond3A_470 : i32
        scf.if %cond3A_471 {
          %add3A_472 = arith.constant 5 : i32
          %add3A_473 = arith.addi %add3A_415, %add3A_472 : i32
          %mul3A_474 = arith.constant 48 : i32
          %mul3A_475 = arith.muli %add3A_473, %mul3A_474 : i32
          %dma_start3A_476 = tpu.memref_slice %arg7[%mul3A_475] : memref<20032xi32, #tpu.memory_space<vmem>> -> memref<48xi32, #tpu.memory_space<vmem>>
          %dma_start3A_477 = arith.constant 0 : i32
          %dma_start3A_478 = arith.constant 0 : i32
          %dma_start3A_479 = tpu.memref_slice %arg3[%dma_start3A_477, %dma_start3A_478] : memref<20000x128xf32, #tpu.memory_space<hbm>> -> memref<20000x128xf32, #tpu.memory_space<hbm>>
          tpu.enqueue_indirect_dma source(%dma_start3A_479 : memref<20000x128xf32, #tpu.memory_space<hbm>>) target(%arg15 : memref<48x128xf32, #tpu.memory_space<vmem>>) offsets(%dma_start3A_476 : memref<48xi32, #tpu.memory_space<vmem>>) semaphore(%arg23 : memref<!tpu.dma_semaphore, #tpu.memory_space<semaphore_mem>>)
        } else {
        }
      } else {
      }
      %mul3A_420 = arith.constant 5 : i32
      %mul3A_421 = arith.muli %while3A_386, %mul3A_420 : i32
      %add3A_422 = arith.constant 4 : i32
      %add3A_423 = arith.addi %mul3A_421, %add3A_422 : i32
      %lt3A_424 = arith.cmpi slt, %add3A_423, %select_n3A_310 : i32
      %convert_element_type3A_425 = arith.extui %lt3A_424 : i1 to i32
      %cond3A_426 = arith.constant 0 : i32
      %cond3A_427 = arith.cmpi ne, %convert_element_type3A_425, %cond3A_426 : i32
      scf.if %cond3A_427 {
        %mul3A_429 = arith.constant 48 : i32
        %mul3A_430 = arith.muli %add3A_423, %mul3A_429 : i32
        %dma_wait3A = tpu.memref_slice %arg7[%mul3A_430] : memref<20032xi32, #tpu.memory_space<vmem>> -> memref<48xi32, #tpu.memory_space<vmem>>
        %dma_wait3A_431 = arith.constant 0 : i32
        %dma_wait3A_432 = arith.constant 0 : i32
        %dma_wait3A_433 = tpu.memref_slice %arg3[%dma_wait3A_431, %dma_wait3A_432] : memref<20000x128xf32, #tpu.memory_space<hbm>> -> memref<20000x128xf32, #tpu.memory_space<hbm>>
        tpu.wait_indirect_dma semaphore(%arg24 : memref<!tpu.dma_semaphore, #tpu.memory_space<semaphore_mem>>) src(%dma_wait3A_433 : memref<20000x128xf32, #tpu.memory_space<hbm>>) dst(%arg16 : memref<48x128xf32, #tpu.memory_space<vmem>>)
        %mul3A_434 = arith.constant 48 : i32
        %mul3A_435 = arith.muli %add3A_423, %mul3A_434 : i32
        %add3A_436 = arith.addi %add3A_286, %mul3A_435 : i32
        %add3A_437 = arith.constant 0 : i32
        %add3A_438 = arith.addi %add3A_436, %add3A_437 : i32
        %add3A_439 = vector.broadcast %add3A_438 : i32 to vector<16xi32>
        %add3A_440 = arith.addi %add3A_439, %iota3A : vector<16xi32>
        %swap3A_441 = arith.constant 0 : index
        %swap3A_442 = tpu.vector_load %arg18[%swap3A_441] {strides = array<i32>} : memref<48xi32, #tpu.memory_space<vmem>>, vector<16xi32>,
        tpu.vector_store %arg18[%swap3A_441], %add3A_440 {strides = array<i32>} : memref<48xi32, #tpu.memory_space<vmem>>, vector<16xi32>,
        %mul3A_443 = arith.constant 48 : i32
        %mul3A_444 = arith.muli %add3A_423, %mul3A_443 : i32
        %add3A_445 = arith.addi %add3A_286, %mul3A_444 : i32
        %add3A_446 = arith.constant 16 : i32
        %add3A_447 = arith.addi %add3A_445, %add3A_446 : i32
        %add3A_448 = vector.broadcast %add3A_447 : i32 to vector<16xi32>
        %add3A_449 = arith.addi %add3A_448, %iota3A : vector<16xi32>
        %swap3A_450 = arith.constant 16 : index
        %swap3A_451 = tpu.vector_load %arg18[%swap3A_450] {strides = array<i32>} : memref<48xi32, #tpu.memory_space<vmem>>, vector<16xi32>,
        tpu.vector_store %arg18[%swap3A_450], %add3A_449 {strides = array<i32>} : memref<48xi32, #tpu.memory_space<vmem>>, vector<16xi32>,
        %mul3A_452 = arith.constant 48 : i32
        %mul3A_453 = arith.muli %add3A_423, %mul3A_452 : i32
        %add3A_454 = arith.addi %add3A_286, %mul3A_453 : i32
        %add3A_455 = arith.constant 32 : i32
        %add3A_456 = arith.addi %add3A_454, %add3A_455 : i32
        %add3A_457 = vector.broadcast %add3A_456 : i32 to vector<16xi32>
        %add3A_458 = arith.addi %add3A_457, %iota3A : vector<16xi32>
        %swap3A_459 = arith.constant 32 : index
        %swap3A_460 = tpu.vector_load %arg18[%swap3A_459] {strides = array<i32>} : memref<48xi32, #tpu.memory_space<vmem>>, vector<16xi32>,
        tpu.vector_store %arg18[%swap3A_459], %add3A_458 {strides = array<i32>} : memref<48xi32, #tpu.memory_space<vmem>>, vector<16xi32>,
        %dma_start3A = arith.constant 0 : i32
        %dma_start3A_461 = arith.constant 0 : i32
        %dma_start3A_462 = tpu.memref_slice %arg4[%dma_start3A, %dma_start3A_461] : memref<160000x128xf32, #tpu.memory_space<hbm>> -> memref<160000x128xf32, #tpu.memory_space<hbm>>
        tpu.enqueue_indirect_dma source(%arg16 : memref<48x128xf32, #tpu.memory_space<vmem>>) target(%dma_start3A_462 : memref<160000x128xf32, #tpu.memory_space<hbm>>) offsets(%arg18 : memref<48xi32, #tpu.memory_space<vmem>>) semaphore(%arg29 : memref<!tpu.dma_semaphore, #tpu.memory_space<semaphore_mem>>)
        %dma_wait3A_463 = arith.constant 0 : i32
        %dma_wait3A_464 = arith.constant 0 : i32
        %dma_wait3A_465 = tpu.memref_slice %arg4[%dma_wait3A_463, %dma_wait3A_464] : memref<160000x128xf32, #tpu.memory_space<hbm>> -> memref<160000x128xf32, #tpu.memory_space<hbm>>
        tpu.wait_indirect_dma semaphore(%arg29 : memref<!tpu.dma_semaphore, #tpu.memory_space<semaphore_mem>>) src(%arg16 : memref<48x128xf32, #tpu.memory_space<vmem>>) dst(%dma_wait3A_465 : memref<160000x128xf32, #tpu.memory_space<hbm>>)
        %add3A_466 = arith.constant 5 : i32
        %add3A_467 = arith.addi %add3A_423, %add3A_466 : i32
        %lt3A_468 = arith.cmpi slt, %add3A_467, %select_n3A_310 : i32
        %convert_element_type3A_469 = arith.extui %lt3A_468 : i1 to i32
        %cond3A_470 = arith.constant 0 : i32
        %cond3A_471 = arith.cmpi ne, %convert_element_type3A_469, %cond3A_470 : i32
        scf.if %cond3A_471 {
          %add3A_472 = arith.constant 5 : i32
          %add3A_473 = arith.addi %add3A_423, %add3A_472 : i32
          %mul3A_474 = arith.constant 48 : i32
          %mul3A_475 = arith.muli %add3A_473, %mul3A_474 : i32
          %dma_start3A_476 = tpu.memref_slice %arg7[%mul3A_475] : memref<20032xi32, #tpu.memory_space<vmem>> -> memref<48xi32, #tpu.memory_space<vmem>>
          %dma_start3A_477 = arith.constant 0 : i32
          %dma_start3A_478 = arith.constant 0 : i32
          %dma_start3A_479 = tpu.memref_slice %arg3[%dma_start3A_477, %dma_start3A_478] : memref<20000x128xf32, #tpu.memory_space<hbm>> -> memref<20000x128xf32, #tpu.memory_space<hbm>>
          tpu.enqueue_indirect_dma source(%dma_start3A_479 : memref<20000x128xf32, #tpu.memory_space<hbm>>) target(%arg16 : memref<48x128xf32, #tpu.memory_space<vmem>>) offsets(%dma_start3A_476 : memref<48xi32, #tpu.memory_space<vmem>>) semaphore(%arg24 : memref<!tpu.dma_semaphore, #tpu.memory_space<semaphore_mem>>)
        } else {
        }
      } else {
      }
      %while3A_428 = arith.constant 0 : i32
      scf.yield %while3A_428 : i32
    }
    %while3A_371 = arith.constant 1 : i32
    %while3A_372 = scf.for %while3A_386 = %while3A_368 to %while3A_364 step %while3A_371 iter_args(%while3A_387 = %while3A_370) -> (i32)  : i32 {
      %mul3A_388 = arith.constant 5 : i32
      %mul3A_389 = arith.muli %while3A_386, %mul3A_388 : i32
      %add3A_390 = arith.constant 0 : i32
      %add3A_391 = arith.addi %mul3A_389, %add3A_390 : i32
      %lt3A_392 = arith.cmpi slt, %add3A_391, %select_n3A_310 : i32
      %convert_element_type3A_393 = arith.extui %lt3A_392 : i1 to i32
      %cond3A_394 = arith.constant 0 : i32
      %cond3A_395 = arith.cmpi ne, %convert_element_type3A_393, %cond3A_394 : i32
      scf.if %cond3A_395 {
        %mul3A_429 = arith.constant 48 : i32
        %mul3A_430 = arith.muli %add3A_391, %mul3A_429 : i32
        %dma_wait3A = tpu.memref_slice %arg7[%mul3A_430] : memref<20032xi32, #tpu.memory_space<vmem>> -> memref<48xi32, #tpu.memory_space<vmem>>
        %dma_wait3A_431 = arith.constant 0 : i32
        %dma_wait3A_432 = arith.constant 0 : i32
        %dma_wait3A_433 = tpu.memref_slice %arg3[%dma_wait3A_431, %dma_wait3A_432] : memref<20000x128xf32, #tpu.memory_space<hbm>> -> memref<20000x128xf32, #tpu.memory_space<hbm>>
        tpu.wait_indirect_dma semaphore(%arg20 : memref<!tpu.dma_semaphore, #tpu.memory_space<semaphore_mem>>) src(%dma_wait3A_433 : memref<20000x128xf32, #tpu.memory_space<hbm>>) dst(%arg12 : memref<48x128xf32, #tpu.memory_space<vmem>>)
        %mul3A_434 = arith.constant 48 : i32
        %mul3A_435 = arith.muli %add3A_391, %mul3A_434 : i32
        %add3A_436 = arith.addi %add3A_286, %mul3A_435 : i32
        %add3A_437 = arith.constant 0 : i32
        %add3A_438 = arith.addi %add3A_436, %add3A_437 : i32
        %add3A_439 = vector.broadcast %add3A_438 : i32 to vector<16xi32>
        %add3A_440 = arith.addi %add3A_439, %iota3A : vector<16xi32>
        %swap3A_441 = arith.constant 0 : index
        %swap3A_442 = tpu.vector_load %arg18[%swap3A_441] {strides = array<i32>} : memref<48xi32, #tpu.memory_space<vmem>>, vector<16xi32>,
        tpu.vector_store %arg18[%swap3A_441], %add3A_440 {strides = array<i32>} : memref<48xi32, #tpu.memory_space<vmem>>, vector<16xi32>,
        %mul3A_443 = arith.constant 48 : i32
        %mul3A_444 = arith.muli %add3A_391, %mul3A_443 : i32
        %add3A_445 = arith.addi %add3A_286, %mul3A_444 : i32
        %add3A_446 = arith.constant 16 : i32
        %add3A_447 = arith.addi %add3A_445, %add3A_446 : i32
        %add3A_448 = vector.broadcast %add3A_447 : i32 to vector<16xi32>
        %add3A_449 = arith.addi %add3A_448, %iota3A : vector<16xi32>
        %swap3A_450 = arith.constant 16 : index
        %swap3A_451 = tpu.vector_load %arg18[%swap3A_450] {strides = array<i32>} : memref<48xi32, #tpu.memory_space<vmem>>, vector<16xi32>,
        tpu.vector_store %arg18[%swap3A_450], %add3A_449 {strides = array<i32>} : memref<48xi32, #tpu.memory_space<vmem>>, vector<16xi32>,
        %mul3A_452 = arith.constant 48 : i32
        %mul3A_453 = arith.muli %add3A_391, %mul3A_452 : i32
        %add3A_454 = arith.addi %add3A_286, %mul3A_453 : i32
        %add3A_455 = arith.constant 32 : i32
        %add3A_456 = arith.addi %add3A_454, %add3A_455 : i32
        %add3A_457 = vector.broadcast %add3A_456 : i32 to vector<16xi32>
        %add3A_458 = arith.addi %add3A_457, %iota3A : vector<16xi32>
        %swap3A_459 = arith.constant 32 : index
        %swap3A_460 = tpu.vector_load %arg18[%swap3A_459] {strides = array<i32>} : memref<48xi32, #tpu.memory_space<vmem>>, vector<16xi32>,
        tpu.vector_store %arg18[%swap3A_459], %add3A_458 {strides = array<i32>} : memref<48xi32, #tpu.memory_space<vmem>>, vector<16xi32>,
        %dma_start3A = arith.constant 0 : i32
        %dma_start3A_461 = arith.constant 0 : i32
        %dma_start3A_462 = tpu.memref_slice %arg4[%dma_start3A, %dma_start3A_461] : memref<160000x128xf32, #tpu.memory_space<hbm>> -> memref<160000x128xf32, #tpu.memory_space<hbm>>
        tpu.enqueue_indirect_dma source(%arg12 : memref<48x128xf32, #tpu.memory_space<vmem>>) target(%dma_start3A_462 : memref<160000x128xf32, #tpu.memory_space<hbm>>) offsets(%arg18 : memref<48xi32, #tpu.memory_space<vmem>>) semaphore(%arg25 : memref<!tpu.dma_semaphore, #tpu.memory_space<semaphore_mem>>)
        %dma_wait3A_463 = arith.constant 0 : i32
        %dma_wait3A_464 = arith.constant 0 : i32
        %dma_wait3A_465 = tpu.memref_slice %arg4[%dma_wait3A_463, %dma_wait3A_464] : memref<160000x128xf32, #tpu.memory_space<hbm>> -> memref<160000x128xf32, #tpu.memory_space<hbm>>
        tpu.wait_indirect_dma semaphore(%arg25 : memref<!tpu.dma_semaphore, #tpu.memory_space<semaphore_mem>>) src(%arg12 : memref<48x128xf32, #tpu.memory_space<vmem>>) dst(%dma_wait3A_465 : memref<160000x128xf32, #tpu.memory_space<hbm>>)
        %add3A_466 = arith.constant 5 : i32
        %add3A_467 = arith.addi %add3A_391, %add3A_466 : i32
        %lt3A_468 = arith.cmpi slt, %add3A_467, %select_n3A_310 : i32
        %convert_element_type3A_469 = arith.extui %lt3A_468 : i1 to i32
        %cond3A_470 = arith.constant 0 : i32
        %cond3A_471 = arith.cmpi ne, %convert_element_type3A_469, %cond3A_470 : i32
        scf.if %cond3A_471 {
          %add3A_472 = arith.constant 5 : i32
          %add3A_473 = arith.addi %add3A_391, %add3A_472 : i32
          %mul3A_474 = arith.constant 48 : i32
          %mul3A_475 = arith.muli %add3A_473, %mul3A_474 : i32
          %dma_start3A_476 = tpu.memref_slice %arg7[%mul3A_475] : memref<20032xi32, #tpu.memory_space<vmem>> -> memref<48xi32, #tpu.memory_space<vmem>>
          %dma_start3A_477 = arith.constant 0 : i32
          %dma_start3A_478 = arith.constant 0 : i32
          %dma_start3A_479 = tpu.memref_slice %arg3[%dma_start3A_477, %dma_start3A_478] : memref<20000x128xf32, #tpu.memory_space<hbm>> -> memref<20000x128xf32, #tpu.memory_space<hbm>>
          tpu.enqueue_indirect_dma source(%dma_start3A_479 : memref<20000x128xf32, #tpu.memory_space<hbm>>) target(%arg12 : memref<48x128xf32, #tpu.memory_space<vmem>>) offsets(%dma_start3A_476 : memref<48xi32, #tpu.memory_space<vmem>>) semaphore(%arg20 : memref<!tpu.dma_semaphore, #tpu.memory_space<semaphore_mem>>)
        } else {
        }
      } else {
      }
      %mul3A_396 = arith.constant 5 : i32
      %mul3A_397 = arith.muli %while3A_386, %mul3A_396 : i32
      %add3A_398 = arith.constant 1 : i32
      %add3A_399 = arith.addi %mul3A_397, %add3A_398 : i32
      %lt3A_400 = arith.cmpi slt, %add3A_399, %select_n3A_310 : i32
      %convert_element_type3A_401 = arith.extui %lt3A_400 : i1 to i32
      %cond3A_402 = arith.constant 0 : i32
      %cond3A_403 = arith.cmpi ne, %convert_element_type3A_401, %cond3A_402 : i32
      scf.if %cond3A_403 {
        %mul3A_429 = arith.constant 48 : i32
        %mul3A_430 = arith.muli %add3A_399, %mul3A_429 : i32
        %dma_wait3A = tpu.memref_slice %arg7[%mul3A_430] : memref<20032xi32, #tpu.memory_space<vmem>> -> memref<48xi32, #tpu.memory_space<vmem>>
        %dma_wait3A_431 = arith.constant 0 : i32
        %dma_wait3A_432 = arith.constant 0 : i32
        %dma_wait3A_433 = tpu.memref_slice %arg3[%dma_wait3A_431, %dma_wait3A_432] : memref<20000x128xf32, #tpu.memory_space<hbm>> -> memref<20000x128xf32, #tpu.memory_space<hbm>>
        tpu.wait_indirect_dma semaphore(%arg21 : memref<!tpu.dma_semaphore, #tpu.memory_space<semaphore_mem>>) src(%dma_wait3A_433 : memref<20000x128xf32, #tpu.memory_space<hbm>>) dst(%arg13 : memref<48x128xf32, #tpu.memory_space<vmem>>)
        %mul3A_434 = arith.constant 48 : i32
        %mul3A_435 = arith.muli %add3A_399, %mul3A_434 : i32
        %add3A_436 = arith.addi %add3A_286, %mul3A_435 : i32
        %add3A_437 = arith.constant 0 : i32
        %add3A_438 = arith.addi %add3A_436, %add3A_437 : i32
        %add3A_439 = vector.broadcast %add3A_438 : i32 to vector<16xi32>
        %add3A_440 = arith.addi %add3A_439, %iota3A : vector<16xi32>
        %swap3A_441 = arith.constant 0 : index
        %swap3A_442 = tpu.vector_load %arg18[%swap3A_441] {strides = array<i32>} : memref<48xi32, #tpu.memory_space<vmem>>, vector<16xi32>,
        tpu.vector_store %arg18[%swap3A_441], %add3A_440 {strides = array<i32>} : memref<48xi32, #tpu.memory_space<vmem>>, vector<16xi32>,
        %mul3A_443 = arith.constant 48 : i32
        %mul3A_444 = arith.muli %add3A_399, %mul3A_443 : i32
        %add3A_445 = arith.addi %add3A_286, %mul3A_444 : i32
        %add3A_446 = arith.constant 16 : i32
        %add3A_447 = arith.addi %add3A_445, %add3A_446 : i32
        %add3A_448 = vector.broadcast %add3A_447 : i32 to vector<16xi32>
        %add3A_449 = arith.addi %add3A_448, %iota3A : vector<16xi32>
        %swap3A_450 = arith.constant 16 : index
        %swap3A_451 = tpu.vector_load %arg18[%swap3A_450] {strides = array<i32>} : memref<48xi32, #tpu.memory_space<vmem>>, vector<16xi32>,
        tpu.vector_store %arg18[%swap3A_450], %add3A_449 {strides = array<i32>} : memref<48xi32, #tpu.memory_space<vmem>>, vector<16xi32>,
        %mul3A_452 = arith.constant 48 : i32
        %mul3A_453 = arith.muli %add3A_399, %mul3A_452 : i32
        %add3A_454 = arith.addi %add3A_286, %mul3A_453 : i32
        %add3A_455 = arith.constant 32 : i32
        %add3A_456 = arith.addi %add3A_454, %add3A_455 : i32
        %add3A_457 = vector.broadcast %add3A_456 : i32 to vector<16xi32>
        %add3A_458 = arith.addi %add3A_457, %iota3A : vector<16xi32>
        %swap3A_459 = arith.constant 32 : index
        %swap3A_460 = tpu.vector_load %arg18[%swap3A_459] {strides = array<i32>} : memref<48xi32, #tpu.memory_space<vmem>>, vector<16xi32>,
        tpu.vector_store %arg18[%swap3A_459], %add3A_458 {strides = array<i32>} : memref<48xi32, #tpu.memory_space<vmem>>, vector<16xi32>,
        %dma_start3A = arith.constant 0 : i32
        %dma_start3A_461 = arith.constant 0 : i32
        %dma_start3A_462 = tpu.memref_slice %arg4[%dma_start3A, %dma_start3A_461] : memref<160000x128xf32, #tpu.memory_space<hbm>> -> memref<160000x128xf32, #tpu.memory_space<hbm>>
        tpu.enqueue_indirect_dma source(%arg13 : memref<48x128xf32, #tpu.memory_space<vmem>>) target(%dma_start3A_462 : memref<160000x128xf32, #tpu.memory_space<hbm>>) offsets(%arg18 : memref<48xi32, #tpu.memory_space<vmem>>) semaphore(%arg26 : memref<!tpu.dma_semaphore, #tpu.memory_space<semaphore_mem>>)
        %dma_wait3A_463 = arith.constant 0 : i32
        %dma_wait3A_464 = arith.constant 0 : i32
        %dma_wait3A_465 = tpu.memref_slice %arg4[%dma_wait3A_463, %dma_wait3A_464] : memref<160000x128xf32, #tpu.memory_space<hbm>> -> memref<160000x128xf32, #tpu.memory_space<hbm>>
        tpu.wait_indirect_dma semaphore(%arg26 : memref<!tpu.dma_semaphore, #tpu.memory_space<semaphore_mem>>) src(%arg13 : memref<48x128xf32, #tpu.memory_space<vmem>>) dst(%dma_wait3A_465 : memref<160000x128xf32, #tpu.memory_space<hbm>>)
        %add3A_466 = arith.constant 5 : i32
        %add3A_467 = arith.addi %add3A_399, %add3A_466 : i32
        %lt3A_468 = arith.cmpi slt, %add3A_467, %select_n3A_310 : i32
        %convert_element_type3A_469 = arith.extui %lt3A_468 : i1 to i32
        %cond3A_470 = arith.constant 0 : i32
        %cond3A_471 = arith.cmpi ne, %convert_element_type3A_469, %cond3A_470 : i32
        scf.if %cond3A_471 {
          %add3A_472 = arith.constant 5 : i32
          %add3A_473 = arith.addi %add3A_399, %add3A_472 : i32
          %mul3A_474 = arith.constant 48 : i32
          %mul3A_475 = arith.muli %add3A_473, %mul3A_474 : i32
          %dma_start3A_476 = tpu.memref_slice %arg7[%mul3A_475] : memref<20032xi32, #tpu.memory_space<vmem>> -> memref<48xi32, #tpu.memory_space<vmem>>
          %dma_start3A_477 = arith.constant 0 : i32
          %dma_start3A_478 = arith.constant 0 : i32
          %dma_start3A_479 = tpu.memref_slice %arg3[%dma_start3A_477, %dma_start3A_478] : memref<20000x128xf32, #tpu.memory_space<hbm>> -> memref<20000x128xf32, #tpu.memory_space<hbm>>
          tpu.enqueue_indirect_dma source(%dma_start3A_479 : memref<20000x128xf32, #tpu.memory_space<hbm>>) target(%arg13 : memref<48x128xf32, #tpu.memory_space<vmem>>) offsets(%dma_start3A_476 : memref<48xi32, #tpu.memory_space<vmem>>) semaphore(%arg21 : memref<!tpu.dma_semaphore, #tpu.memory_space<semaphore_mem>>)
        } else {
        }
      } else {
      }
      %mul3A_404 = arith.constant 5 : i32
      %mul3A_405 = arith.muli %while3A_386, %mul3A_404 : i32
      %add3A_406 = arith.constant 2 : i32
      %add3A_407 = arith.addi %mul3A_405, %add3A_406 : i32
      %lt3A_408 = arith.cmpi slt, %add3A_407, %select_n3A_310 : i32
      %convert_element_type3A_409 = arith.extui %lt3A_408 : i1 to i32
      %cond3A_410 = arith.constant 0 : i32
      %cond3A_411 = arith.cmpi ne, %convert_element_type3A_409, %cond3A_410 : i32
      scf.if %cond3A_411 {
        %mul3A_429 = arith.constant 48 : i32
        %mul3A_430 = arith.muli %add3A_407, %mul3A_429 : i32
        %dma_wait3A = tpu.memref_slice %arg7[%mul3A_430] : memref<20032xi32, #tpu.memory_space<vmem>> -> memref<48xi32, #tpu.memory_space<vmem>>
        %dma_wait3A_431 = arith.constant 0 : i32
        %dma_wait3A_432 = arith.constant 0 : i32
        %dma_wait3A_433 = tpu.memref_slice %arg3[%dma_wait3A_431, %dma_wait3A_432] : memref<20000x128xf32, #tpu.memory_space<hbm>> -> memref<20000x128xf32, #tpu.memory_space<hbm>>
        tpu.wait_indirect_dma semaphore(%arg22 : memref<!tpu.dma_semaphore, #tpu.memory_space<semaphore_mem>>) src(%dma_wait3A_433 : memref<20000x128xf32, #tpu.memory_space<hbm>>) dst(%arg14 : memref<48x128xf32, #tpu.memory_space<vmem>>)
        %mul3A_434 = arith.constant 48 : i32
        %mul3A_435 = arith.muli %add3A_407, %mul3A_434 : i32
        %add3A_436 = arith.addi %add3A_286, %mul3A_435 : i32
        %add3A_437 = arith.constant 0 : i32
        %add3A_438 = arith.addi %add3A_436, %add3A_437 : i32
        %add3A_439 = vector.broadcast %add3A_438 : i32 to vector<16xi32>
        %add3A_440 = arith.addi %add3A_439, %iota3A : vector<16xi32>
        %swap3A_441 = arith.constant 0 : index
        %swap3A_442 = tpu.vector_load %arg18[%swap3A_441] {strides = array<i32>} : memref<48xi32, #tpu.memory_space<vmem>>, vector<16xi32>,
        tpu.vector_store %arg18[%swap3A_441], %add3A_440 {strides = array<i32>} : memref<48xi32, #tpu.memory_space<vmem>>, vector<16xi32>,
        %mul3A_443 = arith.constant 48 : i32
        %mul3A_444 = arith.muli %add3A_407, %mul3A_443 : i32
        %add3A_445 = arith.addi %add3A_286, %mul3A_444 : i32
        %add3A_446 = arith.constant 16 : i32
        %add3A_447 = arith.addi %add3A_445, %add3A_446 : i32
        %add3A_448 = vector.broadcast %add3A_447 : i32 to vector<16xi32>
        %add3A_449 = arith.addi %add3A_448, %iota3A : vector<16xi32>
        %swap3A_450 = arith.constant 16 : index
        %swap3A_451 = tpu.vector_load %arg18[%swap3A_450] {strides = array<i32>} : memref<48xi32, #tpu.memory_space<vmem>>, vector<16xi32>,
        tpu.vector_store %arg18[%swap3A_450], %add3A_449 {strides = array<i32>} : memref<48xi32, #tpu.memory_space<vmem>>, vector<16xi32>,
        %mul3A_452 = arith.constant 48 : i32
        %mul3A_453 = arith.muli %add3A_407, %mul3A_452 : i32
        %add3A_454 = arith.addi %add3A_286, %mul3A_453 : i32
        %add3A_455 = arith.constant 32 : i32
        %add3A_456 = arith.addi %add3A_454, %add3A_455 : i32
        %add3A_457 = vector.broadcast %add3A_456 : i32 to vector<16xi32>
        %add3A_458 = arith.addi %add3A_457, %iota3A : vector<16xi32>
        %swap3A_459 = arith.constant 32 : index
        %swap3A_460 = tpu.vector_load %arg18[%swap3A_459] {strides = array<i32>} : memref<48xi32, #tpu.memory_space<vmem>>, vector<16xi32>,
        tpu.vector_store %arg18[%swap3A_459], %add3A_458 {strides = array<i32>} : memref<48xi32, #tpu.memory_space<vmem>>, vector<16xi32>,
        %dma_start3A = arith.constant 0 : i32
        %dma_start3A_461 = arith.constant 0 : i32
        %dma_start3A_462 = tpu.memref_slice %arg4[%dma_start3A, %dma_start3A_461] : memref<160000x128xf32, #tpu.memory_space<hbm>> -> memref<160000x128xf32, #tpu.memory_space<hbm>>
        tpu.enqueue_indirect_dma source(%arg14 : memref<48x128xf32, #tpu.memory_space<vmem>>) target(%dma_start3A_462 : memref<160000x128xf32, #tpu.memory_space<hbm>>) offsets(%arg18 : memref<48xi32, #tpu.memory_space<vmem>>) semaphore(%arg27 : memref<!tpu.dma_semaphore, #tpu.memory_space<semaphore_mem>>)
        %dma_wait3A_463 = arith.constant 0 : i32
        %dma_wait3A_464 = arith.constant 0 : i32
        %dma_wait3A_465 = tpu.memref_slice %arg4[%dma_wait3A_463, %dma_wait3A_464] : memref<160000x128xf32, #tpu.memory_space<hbm>> -> memref<160000x128xf32, #tpu.memory_space<hbm>>
        tpu.wait_indirect_dma semaphore(%arg27 : memref<!tpu.dma_semaphore, #tpu.memory_space<semaphore_mem>>) src(%arg14 : memref<48x128xf32, #tpu.memory_space<vmem>>) dst(%dma_wait3A_465 : memref<160000x128xf32, #tpu.memory_space<hbm>>)
        %add3A_466 = arith.constant 5 : i32
        %add3A_467 = arith.addi %add3A_407, %add3A_466 : i32
        %lt3A_468 = arith.cmpi slt, %add3A_467, %select_n3A_310 : i32
        %convert_element_type3A_469 = arith.extui %lt3A_468 : i1 to i32
        %cond3A_470 = arith.constant 0 : i32
        %cond3A_471 = arith.cmpi ne, %convert_element_type3A_469, %cond3A_470 : i32
        scf.if %cond3A_471 {
          %add3A_472 = arith.constant 5 : i32
          %add3A_473 = arith.addi %add3A_407, %add3A_472 : i32
          %mul3A_474 = arith.constant 48 : i32
          %mul3A_475 = arith.muli %add3A_473, %mul3A_474 : i32
          %dma_start3A_476 = tpu.memref_slice %arg7[%mul3A_475] : memref<20032xi32, #tpu.memory_space<vmem>> -> memref<48xi32, #tpu.memory_space<vmem>>
          %dma_start3A_477 = arith.constant 0 : i32
          %dma_start3A_478 = arith.constant 0 : i32
          %dma_start3A_479 = tpu.memref_slice %arg3[%dma_start3A_477, %dma_start3A_478] : memref<20000x128xf32, #tpu.memory_space<hbm>> -> memref<20000x128xf32, #tpu.memory_space<hbm>>
          tpu.enqueue_indirect_dma source(%dma_start3A_479 : memref<20000x128xf32, #tpu.memory_space<hbm>>) target(%arg14 : memref<48x128xf32, #tpu.memory_space<vmem>>) offsets(%dma_start3A_476 : memref<48xi32, #tpu.memory_space<vmem>>) semaphore(%arg22 : memref<!tpu.dma_semaphore, #tpu.memory_space<semaphore_mem>>)
        } else {
        }
      } else {
      }
      %mul3A_412 = arith.constant 5 : i32
      %mul3A_413 = arith.muli %while3A_386, %mul3A_412 : i32
      %add3A_414 = arith.constant 3 : i32
      %add3A_415 = arith.addi %mul3A_413, %add3A_414 : i32
      %lt3A_416 = arith.cmpi slt, %add3A_415, %select_n3A_310 : i32
      %convert_element_type3A_417 = arith.extui %lt3A_416 : i1 to i32
      %cond3A_418 = arith.constant 0 : i32
      %cond3A_419 = arith.cmpi ne, %convert_element_type3A_417, %cond3A_418 : i32
      scf.if %cond3A_419 {
        %mul3A_429 = arith.constant 48 : i32
        %mul3A_430 = arith.muli %add3A_415, %mul3A_429 : i32
        %dma_wait3A = tpu.memref_slice %arg7[%mul3A_430] : memref<20032xi32, #tpu.memory_space<vmem>> -> memref<48xi32, #tpu.memory_space<vmem>>
        %dma_wait3A_431 = arith.constant 0 : i32
        %dma_wait3A_432 = arith.constant 0 : i32
        %dma_wait3A_433 = tpu.memref_slice %arg3[%dma_wait3A_431, %dma_wait3A_432] : memref<20000x128xf32, #tpu.memory_space<hbm>> -> memref<20000x128xf32, #tpu.memory_space<hbm>>
        tpu.wait_indirect_dma semaphore(%arg23 : memref<!tpu.dma_semaphore, #tpu.memory_space<semaphore_mem>>) src(%dma_wait3A_433 : memref<20000x128xf32, #tpu.memory_space<hbm>>) dst(%arg15 : memref<48x128xf32, #tpu.memory_space<vmem>>)
        %mul3A_434 = arith.constant 48 : i32
        %mul3A_435 = arith.muli %add3A_415, %mul3A_434 : i32
        %add3A_436 = arith.addi %add3A_286, %mul3A_435 : i32
        %add3A_437 = arith.constant 0 : i32
        %add3A_438 = arith.addi %add3A_436, %add3A_437 : i32
        %add3A_439 = vector.broadcast %add3A_438 : i32 to vector<16xi32>
        %add3A_440 = arith.addi %add3A_439, %iota3A : vector<16xi32>
        %swap3A_441 = arith.constant 0 : index
        %swap3A_442 = tpu.vector_load %arg18[%swap3A_441] {strides = array<i32>} : memref<48xi32, #tpu.memory_space<vmem>>, vector<16xi32>,
        tpu.vector_store %arg18[%swap3A_441], %add3A_440 {strides = array<i32>} : memref<48xi32, #tpu.memory_space<vmem>>, vector<16xi32>,
        %mul3A_443 = arith.constant 48 : i32
        %mul3A_444 = arith.muli %add3A_415, %mul3A_443 : i32
        %add3A_445 = arith.addi %add3A_286, %mul3A_444 : i32
        %add3A_446 = arith.constant 16 : i32
        %add3A_447 = arith.addi %add3A_445, %add3A_446 : i32
        %add3A_448 = vector.broadcast %add3A_447 : i32 to vector<16xi32>
        %add3A_449 = arith.addi %add3A_448, %iota3A : vector<16xi32>
        %swap3A_450 = arith.constant 16 : index
        %swap3A_451 = tpu.vector_load %arg18[%swap3A_450] {strides = array<i32>} : memref<48xi32, #tpu.memory_space<vmem>>, vector<16xi32>,
        tpu.vector_store %arg18[%swap3A_450], %add3A_449 {strides = array<i32>} : memref<48xi32, #tpu.memory_space<vmem>>, vector<16xi32>,
        %mul3A_452 = arith.constant 48 : i32
        %mul3A_453 = arith.muli %add3A_415, %mul3A_452 : i32
        %add3A_454 = arith.addi %add3A_286, %mul3A_453 : i32
        %add3A_455 = arith.constant 32 : i32
        %add3A_456 = arith.addi %add3A_454, %add3A_455 : i32
        %add3A_457 = vector.broadcast %add3A_456 : i32 to vector<16xi32>
        %add3A_458 = arith.addi %add3A_457, %iota3A : vector<16xi32>
        %swap3A_459 = arith.constant 32 : index
        %swap3A_460 = tpu.vector_load %arg18[%swap3A_459] {strides = array<i32>} : memref<48xi32, #tpu.memory_space<vmem>>, vector<16xi32>,
        tpu.vector_store %arg18[%swap3A_459], %add3A_458 {strides = array<i32>} : memref<48xi32, #tpu.memory_space<vmem>>, vector<16xi32>,
        %dma_start3A = arith.constant 0 : i32
        %dma_start3A_461 = arith.constant 0 : i32
        %dma_start3A_462 = tpu.memref_slice %arg4[%dma_start3A, %dma_start3A_461] : memref<160000x128xf32, #tpu.memory_space<hbm>> -> memref<160000x128xf32, #tpu.memory_space<hbm>>
        tpu.enqueue_indirect_dma source(%arg15 : memref<48x128xf32, #tpu.memory_space<vmem>>) target(%dma_start3A_462 : memref<160000x128xf32, #tpu.memory_space<hbm>>) offsets(%arg18 : memref<48xi32, #tpu.memory_space<vmem>>) semaphore(%arg28 : memref<!tpu.dma_semaphore, #tpu.memory_space<semaphore_mem>>)
        %dma_wait3A_463 = arith.constant 0 : i32
        %dma_wait3A_464 = arith.constant 0 : i32
        %dma_wait3A_465 = tpu.memref_slice %arg4[%dma_wait3A_463, %dma_wait3A_464] : memref<160000x128xf32, #tpu.memory_space<hbm>> -> memref<160000x128xf32, #tpu.memory_space<hbm>>
        tpu.wait_indirect_dma semaphore(%arg28 : memref<!tpu.dma_semaphore, #tpu.memory_space<semaphore_mem>>) src(%arg15 : memref<48x128xf32, #tpu.memory_space<vmem>>) dst(%dma_wait3A_465 : memref<160000x128xf32, #tpu.memory_space<hbm>>)
        %add3A_466 = arith.constant 5 : i32
        %add3A_467 = arith.addi %add3A_415, %add3A_466 : i32
        %lt3A_468 = arith.cmpi slt, %add3A_467, %select_n3A_310 : i32
        %convert_element_type3A_469 = arith.extui %lt3A_468 : i1 to i32
        %cond3A_470 = arith.constant 0 : i32
        %cond3A_471 = arith.cmpi ne, %convert_element_type3A_469, %cond3A_470 : i32
        scf.if %cond3A_471 {
          %add3A_472 = arith.constant 5 : i32
          %add3A_473 = arith.addi %add3A_415, %add3A_472 : i32
          %mul3A_474 = arith.constant 48 : i32
          %mul3A_475 = arith.muli %add3A_473, %mul3A_474 : i32
          %dma_start3A_476 = tpu.memref_slice %arg7[%mul3A_475] : memref<20032xi32, #tpu.memory_space<vmem>> -> memref<48xi32, #tpu.memory_space<vmem>>
          %dma_start3A_477 = arith.constant 0 : i32
          %dma_start3A_478 = arith.constant 0 : i32
          %dma_start3A_479 = tpu.memref_slice %arg3[%dma_start3A_477, %dma_start3A_478] : memref<20000x128xf32, #tpu.memory_space<hbm>> -> memref<20000x128xf32, #tpu.memory_space<hbm>>
          tpu.enqueue_indirect_dma source(%dma_start3A_479 : memref<20000x128xf32, #tpu.memory_space<hbm>>) target(%arg15 : memref<48x128xf32, #tpu.memory_space<vmem>>) offsets(%dma_start3A_476 : memref<48xi32, #tpu.memory_space<vmem>>) semaphore(%arg23 : memref<!tpu.dma_semaphore, #tpu.memory_space<semaphore_mem>>)
        } else {
        }
      } else {
      }
      %mul3A_420 = arith.constant 5 : i32
      %mul3A_421 = arith.muli %while3A_386, %mul3A_420 : i32
      %add3A_422 = arith.constant 4 : i32
      %add3A_423 = arith.addi %mul3A_421, %add3A_422 : i32
      %lt3A_424 = arith.cmpi slt, %add3A_423, %select_n3A_310 : i32
      %convert_element_type3A_425 = arith.extui %lt3A_424 : i1 to i32
      %cond3A_426 = arith.constant 0 : i32
      %cond3A_427 = arith.cmpi ne, %convert_element_type3A_425, %cond3A_426 : i32
      scf.if %cond3A_427 {
        %mul3A_429 = arith.constant 48 : i32
        %mul3A_430 = arith.muli %add3A_423, %mul3A_429 : i32
        %dma_wait3A = tpu.memref_slice %arg7[%mul3A_430] : memref<20032xi32, #tpu.memory_space<vmem>> -> memref<48xi32, #tpu.memory_space<vmem>>
        %dma_wait3A_431 = arith.constant 0 : i32
        %dma_wait3A_432 = arith.constant 0 : i32
        %dma_wait3A_433 = tpu.memref_slice %arg3[%dma_wait3A_431, %dma_wait3A_432] : memref<20000x128xf32, #tpu.memory_space<hbm>> -> memref<20000x128xf32, #tpu.memory_space<hbm>>
        tpu.wait_indirect_dma semaphore(%arg24 : memref<!tpu.dma_semaphore, #tpu.memory_space<semaphore_mem>>) src(%dma_wait3A_433 : memref<20000x128xf32, #tpu.memory_space<hbm>>) dst(%arg16 : memref<48x128xf32, #tpu.memory_space<vmem>>)
        %mul3A_434 = arith.constant 48 : i32
        %mul3A_435 = arith.muli %add3A_423, %mul3A_434 : i32
        %add3A_436 = arith.addi %add3A_286, %mul3A_435 : i32
        %add3A_437 = arith.constant 0 : i32
        %add3A_438 = arith.addi %add3A_436, %add3A_437 : i32
        %add3A_439 = vector.broadcast %add3A_438 : i32 to vector<16xi32>
        %add3A_440 = arith.addi %add3A_439, %iota3A : vector<16xi32>
        %swap3A_441 = arith.constant 0 : index
        %swap3A_442 = tpu.vector_load %arg18[%swap3A_441] {strides = array<i32>} : memref<48xi32, #tpu.memory_space<vmem>>, vector<16xi32>,
        tpu.vector_store %arg18[%swap3A_441], %add3A_440 {strides = array<i32>} : memref<48xi32, #tpu.memory_space<vmem>>, vector<16xi32>,
        %mul3A_443 = arith.constant 48 : i32
        %mul3A_444 = arith.muli %add3A_423, %mul3A_443 : i32
        %add3A_445 = arith.addi %add3A_286, %mul3A_444 : i32
        %add3A_446 = arith.constant 16 : i32
        %add3A_447 = arith.addi %add3A_445, %add3A_446 : i32
        %add3A_448 = vector.broadcast %add3A_447 : i32 to vector<16xi32>
        %add3A_449 = arith.addi %add3A_448, %iota3A : vector<16xi32>
        %swap3A_450 = arith.constant 16 : index
        %swap3A_451 = tpu.vector_load %arg18[%swap3A_450] {strides = array<i32>} : memref<48xi32, #tpu.memory_space<vmem>>, vector<16xi32>,
        tpu.vector_store %arg18[%swap3A_450], %add3A_449 {strides = array<i32>} : memref<48xi32, #tpu.memory_space<vmem>>, vector<16xi32>,
        %mul3A_452 = arith.constant 48 : i32
        %mul3A_453 = arith.muli %add3A_423, %mul3A_452 : i32
        %add3A_454 = arith.addi %add3A_286, %mul3A_453 : i32
        %add3A_455 = arith.constant 32 : i32
        %add3A_456 = arith.addi %add3A_454, %add3A_455 : i32
        %add3A_457 = vector.broadcast %add3A_456 : i32 to vector<16xi32>
        %add3A_458 = arith.addi %add3A_457, %iota3A : vector<16xi32>
        %swap3A_459 = arith.constant 32 : index
        %swap3A_460 = tpu.vector_load %arg18[%swap3A_459] {strides = array<i32>} : memref<48xi32, #tpu.memory_space<vmem>>, vector<16xi32>,
        tpu.vector_store %arg18[%swap3A_459], %add3A_458 {strides = array<i32>} : memref<48xi32, #tpu.memory_space<vmem>>, vector<16xi32>,
        %dma_start3A = arith.constant 0 : i32
        %dma_start3A_461 = arith.constant 0 : i32
        %dma_start3A_462 = tpu.memref_slice %arg4[%dma_start3A, %dma_start3A_461] : memref<160000x128xf32, #tpu.memory_space<hbm>> -> memref<160000x128xf32, #tpu.memory_space<hbm>>
        tpu.enqueue_indirect_dma source(%arg16 : memref<48x128xf32, #tpu.memory_space<vmem>>) target(%dma_start3A_462 : memref<160000x128xf32, #tpu.memory_space<hbm>>) offsets(%arg18 : memref<48xi32, #tpu.memory_space<vmem>>) semaphore(%arg29 : memref<!tpu.dma_semaphore, #tpu.memory_space<semaphore_mem>>)
        %dma_wait3A_463 = arith.constant 0 : i32
        %dma_wait3A_464 = arith.constant 0 : i32
        %dma_wait3A_465 = tpu.memref_slice %arg4[%dma_wait3A_463, %dma_wait3A_464] : memref<160000x128xf32, #tpu.memory_space<hbm>> -> memref<160000x128xf32, #tpu.memory_space<hbm>>
        tpu.wait_indirect_dma semaphore(%arg29 : memref<!tpu.dma_semaphore, #tpu.memory_space<semaphore_mem>>) src(%arg16 : memref<48x128xf32, #tpu.memory_space<vmem>>) dst(%dma_wait3A_465 : memref<160000x128xf32, #tpu.memory_space<hbm>>)
        %add3A_466 = arith.constant 5 : i32
        %add3A_467 = arith.addi %add3A_423, %add3A_466 : i32
        %lt3A_468 = arith.cmpi slt, %add3A_467, %select_n3A_310 : i32
        %convert_element_type3A_469 = arith.extui %lt3A_468 : i1 to i32
        %cond3A_470 = arith.constant 0 : i32
        %cond3A_471 = arith.cmpi ne, %convert_element_type3A_469, %cond3A_470 : i32
        scf.if %cond3A_471 {
          %add3A_472 = arith.constant 5 : i32
          %add3A_473 = arith.addi %add3A_423, %add3A_472 : i32
          %mul3A_474 = arith.constant 48 : i32
          %mul3A_475 = arith.muli %add3A_473, %mul3A_474 : i32
          %dma_start3A_476 = tpu.memref_slice %arg7[%mul3A_475] : memref<20032xi32, #tpu.memory_space<vmem>> -> memref<48xi32, #tpu.memory_space<vmem>>
          %dma_start3A_477 = arith.constant 0 : i32
          %dma_start3A_478 = arith.constant 0 : i32
          %dma_start3A_479 = tpu.memref_slice %arg3[%dma_start3A_477, %dma_start3A_478] : memref<20000x128xf32, #tpu.memory_space<hbm>> -> memref<20000x128xf32, #tpu.memory_space<hbm>>
          tpu.enqueue_indirect_dma source(%dma_start3A_479 : memref<20000x128xf32, #tpu.memory_space<hbm>>) target(%arg16 : memref<48x128xf32, #tpu.memory_space<vmem>>) offsets(%dma_start3A_476 : memref<48xi32, #tpu.memory_space<vmem>>) semaphore(%arg24 : memref<!tpu.dma_semaphore, #tpu.memory_space<semaphore_mem>>)
        } else {
        }
      } else {
      }
      %while3A_428 = arith.constant 0 : i32
      scf.yield %while3A_428 : i32
    }
    %mul3A_373 = arith.constant 48 : i32
    %mul3A_374 = arith.muli %select_n3A_310, %mul3A_373 : i32
    %while3A_375 = arith.constant 0 : i32
    %while3A_376 = arith.subi %scan3A_72, %mul3A_374 : i32
    %while3A_377 = arith.addi %mul3A_374, %while3A_376 : i32
    %while3A_378 = arith.constant 1 : i32
    %while3A_379 = arith.divsi %while3A_376, %while3A_378 : i32
    %while3A_380 = arith.muli %while3A_379, %while3A_378 : i32
    %while3A_381 = arith.addi %mul3A_374, %while3A_380 : i32
    %while3A_382 = arith.constant 1 : i32
    %while3A_383 = scf.for %while3A_386 = %mul3A_374 to %while3A_381 step %while3A_382 iter_args(%while3A_387 = %while3A_375) -> (i32)  : i32 {
      %broadcast_in_dim3A_388 = vector.broadcast %while3A_386 : i32 to vector<16xi32>
      %gather3A_389 = tpu.vector_load_idx %arg7[%broadcast_in_dim3A_388] : memref<20032xi32, #tpu.memory_space<vmem>>[vector<16xi32>], vector<16xi32>,
      %swap3A_390 = arith.constant 0 : index
      %swap3A_391 = tpu.vector_load %arg18[%swap3A_390] {strides = array<i32>} : memref<48xi32, #tpu.memory_space<vmem>>, vector<16xi32>,
      tpu.vector_store %arg18[%swap3A_390], %gather3A_389 {strides = array<i32>} : memref<48xi32, #tpu.memory_space<vmem>>, vector<16xi32>,
      %add3A_392 = arith.addi %add3A_286, %while3A_386 : i32
      %broadcast_in_dim3A_393 = vector.broadcast %add3A_392 : i32 to vector<16xi32>
      %swap3A_394 = arith.constant 16 : index
      %swap3A_395 = tpu.vector_load %arg18[%swap3A_394] {strides = array<i32>} : memref<48xi32, #tpu.memory_space<vmem>>, vector<16xi32>,
      tpu.vector_store %arg18[%swap3A_394], %broadcast_in_dim3A_393 {strides = array<i32>} : memref<48xi32, #tpu.memory_space<vmem>>, vector<16xi32>,
      %dma_start3A = arith.constant 0 : i32
      %dma_start3A_396 = tpu.memref_slice %arg18[%dma_start3A] : memref<48xi32, #tpu.memory_space<vmem>> -> memref<1xi32, #tpu.memory_space<vmem>>
      %dma_start3A_397 = arith.constant 0 : i32
      %dma_start3A_398 = arith.constant 0 : i32
      %dma_start3A_399 = tpu.memref_slice %arg3[%dma_start3A_397, %dma_start3A_398] : memref<20000x128xf32, #tpu.memory_space<hbm>> -> memref<20000x128xf32, #tpu.memory_space<hbm>>
      tpu.enqueue_indirect_dma source(%dma_start3A_399 : memref<20000x128xf32, #tpu.memory_space<hbm>>) target(%arg17 : memref<1x128xf32, #tpu.memory_space<vmem>>) offsets(%dma_start3A_396 : memref<1xi32, #tpu.memory_space<vmem>>) semaphore(%arg30 : memref<!tpu.dma_semaphore, #tpu.memory_space<semaphore_mem>>)
      %dma_wait3A = arith.constant 0 : i32
      %dma_wait3A_400 = tpu.memref_slice %arg18[%dma_wait3A] : memref<48xi32, #tpu.memory_space<vmem>> -> memref<1xi32, #tpu.memory_space<vmem>>
      %dma_wait3A_401 = arith.constant 0 : i32
      %dma_wait3A_402 = arith.constant 0 : i32
      %dma_wait3A_403 = tpu.memref_slice %arg3[%dma_wait3A_401, %dma_wait3A_402] : memref<20000x128xf32, #tpu.memory_space<hbm>> -> memref<20000x128xf32, #tpu.memory_space<hbm>>
      tpu.wait_indirect_dma semaphore(%arg30 : memref<!tpu.dma_semaphore, #tpu.memory_space<semaphore_mem>>) src(%dma_wait3A_403 : memref<20000x128xf32, #tpu.memory_space<hbm>>) dst(%arg17 : memref<1x128xf32, #tpu.memory_space<vmem>>)
      %dma_start3A_404 = arith.constant 16 : i32
      %dma_start3A_405 = tpu.memref_slice %arg18[%dma_start3A_404] : memref<48xi32, #tpu.memory_space<vmem>> -> memref<1xi32, #tpu.memory_space<vmem>>
      %dma_start3A_406 = arith.constant 0 : i32
      %dma_start3A_407 = arith.constant 0 : i32
      %dma_start3A_408 = tpu.memref_slice %arg4[%dma_start3A_406, %dma_start3A_407] : memref<160000x128xf32, #tpu.memory_space<hbm>> -> memref<160000x128xf32, #tpu.memory_space<hbm>>
      tpu.enqueue_indirect_dma source(%arg17 : memref<1x128xf32, #tpu.memory_space<vmem>>) target(%dma_start3A_408 : memref<160000x128xf32, #tpu.memory_space<hbm>>) offsets(%dma_start3A_405 : memref<1xi32, #tpu.memory_space<vmem>>) semaphore(%arg30 : memref<!tpu.dma_semaphore, #tpu.memory_space<semaphore_mem>>)
      %dma_wait3A_409 = arith.constant 16 : i32
      %dma_wait3A_410 = tpu.memref_slice %arg18[%dma_wait3A_409] : memref<48xi32, #tpu.memory_space<vmem>> -> memref<1xi32, #tpu.memory_space<vmem>>
      %dma_wait3A_411 = arith.constant 0 : i32
      %dma_wait3A_412 = arith.constant 0 : i32
      %dma_wait3A_413 = tpu.memref_slice %arg4[%dma_wait3A_411, %dma_wait3A_412] : memref<160000x128xf32, #tpu.memory_space<hbm>> -> memref<160000x128xf32, #tpu.memory_space<hbm>>
      tpu.wait_indirect_dma semaphore(%arg30 : memref<!tpu.dma_semaphore, #tpu.memory_space<semaphore_mem>>) src(%arg17 : memref<1x128xf32, #tpu.memory_space<vmem>>) dst(%dma_wait3A_413 : memref<160000x128xf32, #tpu.memory_space<hbm>>)
      %while3A_414 = arith.constant 0 : i32
      scf.yield %while3A_414 : i32
    }
    %while3A_384 = arith.constant 1 : i32
    %while3A_385 = scf.for %while3A_386 = %while3A_381 to %while3A_377 step %while3A_384 iter_args(%while3A_387 = %while3A_383) -> (i32)  : i32 {
      %broadcast_in_dim3A_388 = vector.broadcast %while3A_386 : i32 to vector<16xi32>
      %gather3A_389 = tpu.vector_load_idx %arg7[%broadcast_in_dim3A_388] : memref<20032xi32, #tpu.memory_space<vmem>>[vector<16xi32>], vector<16xi32>,
      %swap3A_390 = arith.constant 0 : index
      %swap3A_391 = tpu.vector_load %arg18[%swap3A_390] {strides = array<i32>} : memref<48xi32, #tpu.memory_space<vmem>>, vector<16xi32>,
      tpu.vector_store %arg18[%swap3A_390], %gather3A_389 {strides = array<i32>} : memref<48xi32, #tpu.memory_space<vmem>>, vector<16xi32>,
      %add3A_392 = arith.addi %add3A_286, %while3A_386 : i32
      %broadcast_in_dim3A_393 = vector.broadcast %add3A_392 : i32 to vector<16xi32>
      %swap3A_394 = arith.constant 16 : index
      %swap3A_395 = tpu.vector_load %arg18[%swap3A_394] {strides = array<i32>} : memref<48xi32, #tpu.memory_space<vmem>>, vector<16xi32>,
      tpu.vector_store %arg18[%swap3A_394], %broadcast_in_dim3A_393 {strides = array<i32>} : memref<48xi32, #tpu.memory_space<vmem>>, vector<16xi32>,
      %dma_start3A = arith.constant 0 : i32
      %dma_start3A_396 = tpu.memref_slice %arg18[%dma_start3A] : memref<48xi32, #tpu.memory_space<vmem>> -> memref<1xi32, #tpu.memory_space<vmem>>
      %dma_start3A_397 = arith.constant 0 : i32
      %dma_start3A_398 = arith.constant 0 : i32
      %dma_start3A_399 = tpu.memref_slice %arg3[%dma_start3A_397, %dma_start3A_398] : memref<20000x128xf32, #tpu.memory_space<hbm>> -> memref<20000x128xf32, #tpu.memory_space<hbm>>
      tpu.enqueue_indirect_dma source(%dma_start3A_399 : memref<20000x128xf32, #tpu.memory_space<hbm>>) target(%arg17 : memref<1x128xf32, #tpu.memory_space<vmem>>) offsets(%dma_start3A_396 : memref<1xi32, #tpu.memory_space<vmem>>) semaphore(%arg30 : memref<!tpu.dma_semaphore, #tpu.memory_space<semaphore_mem>>)
      %dma_wait3A = arith.constant 0 : i32
      %dma_wait3A_400 = tpu.memref_slice %arg18[%dma_wait3A] : memref<48xi32, #tpu.memory_space<vmem>> -> memref<1xi32, #tpu.memory_space<vmem>>
      %dma_wait3A_401 = arith.constant 0 : i32
      %dma_wait3A_402 = arith.constant 0 : i32
      %dma_wait3A_403 = tpu.memref_slice %arg3[%dma_wait3A_401, %dma_wait3A_402] : memref<20000x128xf32, #tpu.memory_space<hbm>> -> memref<20000x128xf32, #tpu.memory_space<hbm>>
      tpu.wait_indirect_dma semaphore(%arg30 : memref<!tpu.dma_semaphore, #tpu.memory_space<semaphore_mem>>) src(%dma_wait3A_403 : memref<20000x128xf32, #tpu.memory_space<hbm>>) dst(%arg17 : memref<1x128xf32, #tpu.memory_space<vmem>>)
      %dma_start3A_404 = arith.constant 16 : i32
      %dma_start3A_405 = tpu.memref_slice %arg18[%dma_start3A_404] : memref<48xi32, #tpu.memory_space<vmem>> -> memref<1xi32, #tpu.memory_space<vmem>>
      %dma_start3A_406 = arith.constant 0 : i32
      %dma_start3A_407 = arith.constant 0 : i32
      %dma_start3A_408 = tpu.memref_slice %arg4[%dma_start3A_406, %dma_start3A_407] : memref<160000x128xf32, #tpu.memory_space<hbm>> -> memref<160000x128xf32, #tpu.memory_space<hbm>>
      tpu.enqueue_indirect_dma source(%arg17 : memref<1x128xf32, #tpu.memory_space<vmem>>) target(%dma_start3A_408 : memref<160000x128xf32, #tpu.memory_space<hbm>>) offsets(%dma_start3A_405 : memref<1xi32, #tpu.memory_space<vmem>>) semaphore(%arg30 : memref<!tpu.dma_semaphore, #tpu.memory_space<semaphore_mem>>)
      %dma_wait3A_409 = arith.constant 16 : i32
      %dma_wait3A_410 = tpu.memref_slice %arg18[%dma_wait3A_409] : memref<48xi32, #tpu.memory_space<vmem>> -> memref<1xi32, #tpu.memory_space<vmem>>
      %dma_wait3A_411 = arith.constant 0 : i32
      %dma_wait3A_412 = arith.constant 0 : i32
      %dma_wait3A_413 = tpu.memref_slice %arg4[%dma_wait3A_411, %dma_wait3A_412] : memref<160000x128xf32, #tpu.memory_space<hbm>> -> memref<160000x128xf32, #tpu.memory_space<hbm>>
      tpu.wait_indirect_dma semaphore(%arg30 : memref<!tpu.dma_semaphore, #tpu.memory_space<semaphore_mem>>) src(%arg17 : memref<1x128xf32, #tpu.memory_space<vmem>>) dst(%dma_wait3A_413 : memref<160000x128xf32, #tpu.memory_space<hbm>>)
      %while3A_414 = arith.constant 0 : i32
      scf.yield %while3A_414 : i32
    }
    return
  }
}

</mosaic_0001>

<sc_bundles>
// kernel: kernel.3.cloned.1.call-start
scs
__scs_entry_jumppad:
0x0: {  	(pc) =	sbr.rel $0x88, $3  }
0x1: {  	(tag) =	ssettag $0x0;
	lr =	simm.s32 $0x1  }
0x2: {  	[smem:$0x3F9F] =	sst lr;
	_ =	strace $0xD0000000  }
0x3: {  	_ = 	snop  }
0x4: {  	_ = 	snop  }
0x5: {  	_ = 	snop  }
0x6: {  	_ = 	snop  }
0x7: {  	_ = 	snop  }
__scs_overlays_trampoline_lowered:
0x8: {  	[smem:$0x3FAE] =	sst s0  }
0x9: {  	[smem:$0x3FAF] =	sst s1  }
0xa: {  	[smem:$0x3FB0] =	sst s2  }
0xb: {  	[smem:$0x3FB1] =	sst s3  }
0xc: {  	[smem:$0x3FB2] =	sst s4  }
0xd: {  	[smem:$0x3FB3] =	sst s5  }
0xe: {  	[smem:$0x3FB4] =	sst s6  }
0xf: {  	[smem:$0x3FB5] =	sst s7  }
0x10: {  	[smem:$0x3FB6] =	sst s8  }
0x11: {  	[smem:$0x3FB7] =	sst s9;
	s0 =	simm.s32 @!p0 $0x0  }
0x12: {  	s1 =	sld [smem:$0x3F9D];
	s0 =	simm.s32 @p0 $0x1  }
0x13: {  	[smem:$0x3FB8] =	sst s0;
	s0 =	simm.s32 @!p1 $0x0  }
0x14: {  	s2 =	sld [smem:$0x3F9C];
	s0 =	simm.s32 @p1 $0x1  }
0x15: {  	[smem:$0x3FB9] =	sst s0;
	s0 =	simm.s32 @!p2 $0x0  }
0x16: {  	s3 =	sld [smem:$0x3FDB];
	s0 =	simm.s32 @p2 $0x1  }
0x17: {  	s4 =	simm.s32 $0x1BF5;
	[smem:$0x3FBB] =	sst s0  }
0x18: {  	s0 =	sld [smem:$0x3F9E];
	_ =	swait.ge [sflag:s4], $0x0  }
0x19: {  	s7 =	sld [smem:$0x3F9F]  }
0x1a: {  	s8 =	sadd.s32 $0xFFFFE003, lr  }
0x1b: {  	s9 =	sadd.s32 $0xFFFFFEF7, lr;
	s5 =	simm.s32 $0xFFFFFFFF;
	p2 =	slt.u32 s8, $0xFFFFF086  }
0x1c: {  	p1 =	slt.u32 s9, $0xF7A;
	s5 =	simm.s32 @!p2 $0x0  }
0x1d: {  	s5 =	simm.s32 @p1 $0x1;
	p0 =	seq.s32 s7, s2  }
0x1e: {  	s7 =	smul.u32 @!p0 $0xF7A, s2;
	p2 =	seq.s32 @!p0 s5, $0x0  }
0x1f: {  	s9 =	smul.u32 $0xF7A, s1;
	s8 =	simm.s32 @!p0 $0x1BF5;
	p2 =	por !p2, p0  }
0x20: {  	[sflag:s8] =	ssyncset.s32 @!p0 $0xFFFFF086;
	s6 =	sadd.s32 @!p0 s3, s7;
	s7 =	simm.s32 @!p0 $0x108  }
0x21: {  	s3 =	sadd.s32 s3, s9;
	s6 =	sadd.s32 @!p0 $0x88, s6;
	s7 =	simm.s32 @p2 $0x1082  }
0x22: {  	[simem:s7], [sflag:s8] =	dma.local @!p0 [hbm:s6], $0xF7A  }
0x23: {  	s9 =	sor.u32 $0xD0000000, s2;
	s6 =	simm.s32 $0x108;
	_ =	swait.ge @!p0 [sflag:s8], $0x0  }
0x24: {  	s3 =	sadd.s32 $0x88, s3;
	s6 =	simm.s32 @!p1 $0x1082;
	[sflag:s4] =	ssyncset.s32 $0xFFFFF086  }
0x25: {  	[simem:s6], [sflag:s4] =	dma.local [hbm:s3], $0xF7A  }
0x26: {  	[smem:$0x3F9F] =	sst s1;
	(tag) =	ssettag s2;
	_ =	strace s9  }
0x27: {  	s1 =	sld [smem:$0x3FAF]  }
0x28: {  	s2 =	sld [smem:$0x3FB0]  }
0x29: {  	s4 =	sld [smem:$0x3FB2]  }
0x2a: {  	p0 =	seq.s32 s5, $0x0;
	s5 =	sld [smem:$0x3FB3]  }
0x2b: {  	s6 =	sld [smem:$0x3FB4]  }
0x2c: {  	s7 =	sld [smem:$0x3FB5]  }
0x2d: {  	s3 =	simm.s32 $0x108;
	s8 =	sld [smem:$0x3FB6]  }
0x2e: {  	s3 =	simm.s32 @!p0 $0x1082;
	s9 =	sld [smem:$0x3FB7]  }
0x2f: {  	lr =	sadd.s32 s0, s3;
	s0 =	sld [smem:$0x3FAE]  }
0x30: {  	s3 =	sld [smem:$0x3FB1]  }
0x31: {  	[smem:$0x3FBA] =	sst s10  }
0x32: {  	s10 =	sld [smem:$0x3FB8];
	_ =	sdelay $0x3  }
0x33: {  	p0 =	seq.s32 s10, $0x1;
	s10 =	sld [smem:$0x3FBA];
	_ =	sdelay $0x3  }
0x34: {  	[smem:$0x3FBA] =	sst s10  }
0x35: {  	s10 =	sld [smem:$0x3FB9];
	_ =	sdelay $0x3  }
0x36: {  	p1 =	seq.s32 s10, $0x1;
	s10 =	sld [smem:$0x3FBA];
	_ =	sdelay $0x3  }
0x37: {  	[smem:$0x3FBA] =	sst s10  }
0x38: {  	s10 =	sld [smem:$0x3FBB]  }
0x39: {  	_ = 	snop;
	(pc) =	sbr.ind lr, $3  }
0x3a: {  	_ = 	snop  }
0x3b: {  	_ = 	snop  }
0x3c: {  	p2 =	seq.s32 s10, $0x1;
	s10 =	sld [smem:$0x3FBA]  }
0x3d: {  	_ =	shalt  }
0x3e: {  	_ =	shalt  }
0x3f: {  	_ =	shalt  }
0x40: {  	_ =	shalt  }
0x41: {  	_ =	shalt  }
0x42: {  	_ =	shalt  }
0x43: {  	_ =	shalt  }
0x44: {  	_ =	shalt  }
0x45: {  	_ =	shalt  }
0x46: {  	_ =	shalt  }
0x47: {  	_ =	shalt  }
0x48: {  	_ =	shalt  }
0x49: {  	_ =	shalt  }
0x4a: {  	_ =	shalt  }
0x4b: {  	_ =	shalt  }
0x4c: {  	_ =	shalt  }
0x4d: {  	_ =	shalt  }
0x4e: {  	_ =	shalt  }
0x4f: {  	_ =	shalt  }
0x50: {  	_ =	shalt  }
0x51: {  	_ =	shalt  }
0x52: {  	_ =	shalt  }
0x53: {  	_ =	shalt  }
0x54: {  	_ =	shalt  }
0x55: {  	_ =	shalt  }
0x56: {  	_ =	shalt  }
0x57: {  	_ =	shalt  }
0x58: {  	_ =	shalt  }
0x59: {  	_ =	shalt  }
0x5a: {  	_ =	shalt  }
0x5b: {  	_ =	shalt  }
0x5c: {  	_ =	shalt  }
0x5d: {  	_ =	shalt  }
0x5e: {  	_ =	shalt  }
0x5f: {  	_ =	shalt  }
0x60: {  	_ =	shalt  }
0x61: {  	_ =	shalt  }
0x62: {  	_ =	shalt  }
0x63: {  	_ =	shalt  }
0x64: {  	_ =	shalt  }
0x65: {  	_ =	shalt  }
0x66: {  	_ =	shalt  }
0x67: {  	_ =	shalt  }
0x68: {  	_ =	shalt  }
0x69: {  	_ =	shalt  }
0x6a: {  	_ =	shalt  }
0x6b: {  	_ =	shalt  }
0x6c: {  	_ =	shalt  }
0x6d: {  	_ =	shalt  }
0x6e: {  	_ =	shalt  }
0x6f: {  	_ =	shalt  }
0x70: {  	_ =	shalt  }
0x71: {  	_ =	shalt  }
0x72: {  	_ =	shalt  }
0x73: {  	_ =	shalt  }
0x74: {  	_ =	shalt  }
0x75: {  	_ =	shalt  }
0x76: {  	_ =	shalt  }
0x77: {  	_ =	shalt  }
0x78: {  	_ =	shalt  }
0x79: {  	_ =	shalt  }
0x7a: {  	_ =	shalt  }
0x7b: {  	_ =	shalt  }
0x7c: {  	_ =	shalt  }
0x7d: {  	_ =	shalt  }
0x7e: {  	_ =	shalt  }
0x7f: {  	_ =	shalt  }
0x80: {  	_ =	shalt  }
0x81: {  	_ =	shalt  }
0x82: {  	_ =	shalt  }
0x83: {  	_ =	shalt  }
0x84: {  	_ =	shalt  }
0x85: {  	_ =	shalt  }
0x86: {  	_ =	shalt  }
0x87: {  	_ =	shalt  }
.Lfunc_end0:
.L_simem_size_0:
called_computation_lowered:
.L_overlay_start_0:
0x88: {  	s2 =	sld [smem:$0x3FD9]  }
0x89: {  	s3 =	sld [smem:$0x3FFE];
	_ =	sdelay $0x1  }
0x8a: {  	s1 =	srdreg.scid  }
0x8b: {  	s0 =	sand.u32 $0x1, s1  }
0x8c: {  	s17 =	sshll.u32 s0, $0xA;
	s2 =	sadd.s32 s3, s2  }
0x8d: {  	s2 =	sadd.s32 s2, s17  }
0x8e: {  	[smem:$0x3FC6] =	sst s2  }
0x8f: {  	_ = 	snop  }
0x90: {  	s2 =	sld [smem:$0x3FC8]  }
0x91: {  	s18 =	sld [smem:$0x3FD0];
	(tm) =	ssettm $0x1  }
0x92: {  	s4 =	sld [smem:$0x3FFB];
	_ =	sdelay $0x3  }
0x93: {  	_ =	strace s4  }
0x94: {  	s4 =	sld [smem:$0x3FFC];
	_ =	sdelay $0x3  }
0x95: {  	_ =	strace s4  }
0x96: {  	s4 =	sld [smem:$0x3FFD];
	_ =	sdelay $0x3  }
0x97: {  	_ =	strace s4  }
0x98: {  	_ =	strace $0x8FFFFFFF  }
0x99: {  	s19 =	sld [smem:$0x3FDB];
	_ =	sdelay $0x1  }
0x9a: {  	s5 =	simm.s32 $_scs_section_size  }
0x9b: {  	s6 =	simm.s32 $_size__tile_overlayer_lowered;
	s7 =	simm.s32 $_tile_overlayer_lowered  }
0x9c: {  	s22 =	simm.s32 $0x1BFF;
	s21 =	sshll.u32 s7, $0x1;
	s4 =	sadd.s32 s5, s19  }
0x9d: {  	s8 =	simm.s32 $0x0;
	s20 =	sshll.u32 s6, $0x1;
	s6 =	sadd.s32 s21, s4  }
0x9e: {  	[timem:s8], [sflag:s22] =	dma.local [hbm:s6], s20  }
0x9f: {  	_ =	swait.ge [sflag:s22], s20  }
0xa0: {  	s5 =	ssub.s32 $0x0, s20;
	[sflag:s22] =	ssyncset.done $0x0  }
0xa1: {  	[sflag:s22] =	ssyncadd.s32 s5;
	_ =	sdelay $0x1  }
0xa2: {  	s23 =	simm.s32 $0x1B8B  }
0xa3: {  	_ =	swait.ge [sflag:s23], $0x1  }
0xa4: {  	[sflag:s23] =	ssyncset.done $0x0  }
0xa5: {  	s25 =	simm.s32 $0x1B8E;
	s24 =	sld [smem:$0x3FFE];
	[sflag:s23] =	ssyncadd.s32 $0xFFFFFFFF  }
0xa6: {  	s26 =	simm.s32 $execute0_lowered;
	[smem:$0x3FD2] =	sst s25  }
0xa7: {  	s6 =	sshll.u32 s26, $0x1;
	_ =	strace $0x80000046;
	[dreg:$0x1] =	wrdreg $0xFFFFFFFF  }
0xa8: {  	s28 =	simm.s32 $_size_execute0_lowered;
	s4 =	sadd.s32 s4, s6;
	[dreg:$0x0] =	wrdreg $0x0  }
0xa9: {  	s6 =	sshll.u32 s28, $0x1;
	[dreg:$0x2] =	wrdreg s4  }
0xaa: {  	[dreg:$0x3] =	wrdreg s6  }
0xab: {  	[dreg:$0x4] =	wrdreg $0xC0  }
0xac: {  	_ =	task [dreg:s8], $0x5FFFF  }
0xad: {  	[dreg:$0x1] =	wrdreg $0xFFFFFFFF  }
0xae: {  	[dreg:$0x0] =	wrdreg $0x60  }
0xaf: {  	[dreg:$0x2] =	wrdreg s24  }
0xb0: {  	[dreg:$0x3] =	wrdreg s2  }
0xb1: {  	[dreg:$0x4] =	wrdreg s18  }
0xb2: {  	[dreg:$0x5] =	wrdreg $0x1C4000  }
0xb3: {  	[dreg:$0x6] =	wrdreg $0x9  }
0xb4: {  	_ =	task.clear_ibuf [dreg:s8], $0x7FFFF;
	_ =	strace $0x90000046  }
0xb5: {  	s29 =	simm.s32 $0x9;
	_ =	strace $0x80000048  }
0xb6: {  	_ =	swait.ge [sflag:s29], $0x1  }
0xb7: {  	[sflag:s29] =	ssyncadd.s32 $0xFFFFFFFF  }
0xb8: {  	_ =	strace $0x90000048  }
0xb9: {  	_ =	sfence  }
0xba: {  	s30 =	sld [smem:$0x0];
	_ =	sdelay $0x2  }
0xbb: {  	s31 =	sshll.u32 s1, $0xD;
	s1 =	sshrl.u32 s1, $0x2  }
0xbc: {  	s3 =	sand.u32 $0x4000, s31;
	s1 =	sadd.s32 s1, s30  }
0xbd: {  	s0 =	sor.u32 s3, s0;
	s1 =	sshll.u32 s1, $0x11  }
0xbe: {  	s0 =	sor.u32 s1, s0  }
0xbf: {  	s0 =	sadd.s32 $0x8F2B, s0  }
0xc0: {  	[sflag:s0] =	ssyncadd.remote.s32 $0x1  }
0xc1: {  	_ =	sfence.sel $0xFFFF  }
0xc2: {  	[dreg:$0x0] =	wrdreg $0xFFFFFFFF;
	(pc) =	sbr.abs _section_cstart, $3  }
0xc3: {  	[dreg:$0x1] =	wrdreg $0xFFFFFFFF  }
0xc4: {  	_ =	task.clear_ibuf [dreg:s8], $0x2FFFF;
	_ =	strace $0x9FFFFFFF  }
0xc5: {  	(tm) =	ssettm $0x7FFFFFFF  }
tec
execute0_lowered:
.L_overlay_start_1:
0x0: {  	(tag) =	ssettag $0x1  }
0x1: {  	s0 =	rddreg [dreg:$0x0]  }
0x2: {  	s1 =	rddreg [dreg:$0x1]  }
0x3: {  	s2 =	rddreg [dreg:$0x2]  }
0x4: {  	s9 =	rddreg [dreg:$0x3];
	s5 =	simm.s32 $0x0;
	s3 =	srdreg.scid  }
0x5: {  	s12 =	stileid.u32;
	s10 =	simm.s32 $0x80000000;
	s11 =	simm.s32 $0x7FFFFFFF  }
0x6: {  	s15 =	simm.s32 $0x1;
	s16 =	simm.s32 $0x13A00;
	s17 =	simm.s32 $0x9D00  }
0x7: {  	s18 =	simm.s32 $0x4E80;
	s19 =	simm.s32 $0xEB80;
	s21 =	simm.s32 $0x1C300  }
0x8: {  	s22 =	simm.s32 $0xB;
	s14 =	simm.s32 $0x0;
	[smem:$0x7FF] =	sst s5  }
0x9: {  	s3 =	sand.u32 $0x1, s3;
	s4 =	sshrl.u32 s12, $0x2;
	s8 =	sand.u32 $0x3, s12  }
0xa: {  	s30 =	sshll.u32 s12, $0x3;
	s31 =	sand.u32 $0xC, s12;
	v3 =	vmov s12;
	s12 =	simm.s32 $0x1C390  }
0xb: {  	_ =	strace $0x80000047;
	s6 =	sshll.u32 s4, $0x4;
	s7 =	sshll.u32 s3, $0x6  }
0xc: {  	p0 =	seq.s32 s8, $0x0;
	s25 =	ssub.s32 $0x2, s3;
	p1 =	seq.s32 s8, $0x1  }
0xd: {  	p2 =	seq.s32 s8, $0x2;
	p3 =	seq.s32 s8, $0x3;
	s29 =	smul.u32 $0x13880, s3  }
0xe: {  	s4 =	smul.u32 $0x4E20, s4;
	s3 =	sadd.s32 s30, s9;
	s6 =	sor.u32 s6, s7  }
0xf: {  	s10 =	simm.s32 @!p0 $0x0;
	s26 =	sshrl.u32 s25, $0x1;
	s11 =	simm.s32 @!p3 $0x0  }
0x10: {  	[dreg:$0x6] =	wrdreg s3;
	s0 =	sadd.s32 s6, s0;
	s10 =	simm.s32 @p1 $0xC0D354A3  }
.Ltmp0:
0x11: {  	s28 =	ssub.s32 s25, s26;
	s11 =	simm.s32 @p0 $0xC0D354A3;
	(pc) =	sbr.rel .LBB2_1-.Ltmp0, $4  }
0x12: {  	v0 =	vlaneseq.u32;
	v4 =	vimm.s32 $0x0;
	s10 =	simm.s32 @p2 $0xFFFFFFFF;
	s0 =	sadd.s32 $0x400, s0;
	s11 =	simm.s32 @p1 $0xFFFFFFFF  }
0x13: {  	v5 =	vimm.s32 $0x1;
	v2 =	vadd.s32 $0x1, v0;
	v1 =	vmov s31;
	s6 =	smax.u32 s28, $0x1;
	[dreg:$0x5] =	wrdreg s0;
	s10 =	simm.s32 @p3 $0x3F2CAB5C  }
0x14: {  	vm1 =	vgt.u32 v3, v0;
	v3 =	vmul.u32 $0x8, v0;
	vm0 =	vlt.u32 v1, v2;
	s11 =	simm.s32 @p2 $0x3F2CAB5C;
	[dreg:$0x7] =	wrdreg s6;
	s0 =	sadd.s32 s4, s29  }
0x15: {  	s8 =	simm.s32 $0xC;
	s9 =	simm.s32 $0x1C380;
	vm0 =	vmand vm1, vm0;
	[dreg:$0x8] =	wrdreg s0;
	v1 =	vmov s10;
	v2 =	vmov s11  }
.LBB2_46:
0x16: {  	s4 =	smov.u32 s0  }
.LBB2_61:
0x17: {  	_ =	sdelay $0x2  }
0x18: {  	[sflag:s22] =	ssyncadd.s32 @p0 $0xFFFFFF80  }
0x19: {  	v6 =	vld.idx.msk [tilespmem:v6+s17+$0x0], $0xffff;
	_ =	sdelay $0x1  }
0x1a: {  	s0 =	sadd.s32 s4, s13  }
0x1b: {  	v7 =	vmov s0  }
0x1c: {  	[tilespmem:$0x1C390] =	vst v7  }
0x1d: {  	[tilespmem:$0x1C380] =	vst v6  }
0x1e: {  	[tilespmem:s21], [sflag:$0xB] =	stream.indirect.gather [hbm4b:s1+s15], $0x80, s9, s15, $0xb8;
	[tilespmem:$0x1C408] =	vst v63  }
0x1f: {  	_ =	swait.ge [sflag:s22], $0x80  }
0x20: {  	[sflag:s22] =	ssyncset.done $0x0  }
0x21: {  	[sflag:s22] =	ssyncadd.s32 $0xFFFFFF80  }
0x22: {  	[hbm4b:s2+s15] =	stream.indirect.scatter [tilespmem:s21], [sflag:$0xB], $0x80, s12, s15, $0xb8;
	[tilespmem:$0x1C408] =	vst v63  }
0x23: {  	_ =	swait.ge [sflag:s22], $0x80  }
0x24: {  	[sflag:s22] =	ssyncset.done $0x0  }
0x25: {  	[sflag:s22] =	ssyncadd.s32 $0xFFFFFF80  }
.LBB2_62:
0x26: {  	s14 =	sadd.s32 $0x1, s14;
	s0 =	rddreg [dreg:$0x7]  }
0x27: {  	p0 =	sne.s32 s14, s0  }
.Ltmp1:
0x28: {  	_ = 	snop;
	(pc) =	sbr.rel @!p0 .LBB2_63-.Ltmp1, $1  }
0x29: {  	_ =	sdelay $0x3  }
.LBB2_1:
0x2a: {  	s0 =	rddreg [dreg:$0x5];
	s3 =	simm.s32 $0x80;
	s4 =	simm.s32 $0x400  }
0x2b: {  	[tilespmem:s19], [sflag:$0xC] =	stream.strided.gather [hbm4b:s0+s3], $0x4E80, s4, s3, $0x38;
	[tilespmem:$0x1C408] =	vst v63  }
0x2c: {  	_ =	swait.ge [sflag:s8], $0x4E80  }
0x2d: {  	[sflag:s8] =	ssyncset.done $0x0  }
0x2e: {  	[sflag:s8] =	ssyncadd.s32 $0xFFFFB180  }
0x2f: {  	v6 =	vld [tilespmem:s19+$0x0];
	_ =	sdelay $0x4  }
0x30: {  	vm1 =	veq.s32 v6, $0x80000000  }
0x31: {  	v6 =	vsel vm1, $0x0, v6  }
0x32: {  	vm1 =	vlt.s32 v6, $0x0;
	v7 =	vxor.u32 $0x7FFFFFFF, v6  }
0x33: {  	v6 =	vsel vm1, v6, v7  }
0x34: {  	v7 =	vxor.u32 $0x80000000, v6  }
0x35: {  	vm1 =	vge.s32 v7, v1;
	vm2 =	vlt.s32 v7, v2  }
0x36: {  	vm1 =	vmand vm1, vm2  }
0x37: {  	v7 =	vmpcnt.ones.xlane vm1;
	_ =	sdelay $0x1  }
0x38: {  	(v2sf) =	vpush v7, $0x0  }
0x39: {  	[tilespmem:s5+$0x0] =	vst.msk vm1, v6;
	v6 =	vor.u32 s5, v0  }
0x3a: {  	s4 =	simm.s32 $0xEB90;
	[tilespmem:s5+$0x9D00] =	vst.msk vm1, v6  }
0x3b: {  	s10 =	simm.s32 $0x20;
	s0 =	simm.s32 $0x10;
	s3 =	simm.s32 $0x0;
	v6 =	vld [tilespmem:s4+$0x0]  }
.LBB2_2:
0x3c: {  	p0 =	sne.s32 s10, $0x4E10;
	_ =	sdelay $0x3  }
0x3d: {  	vm1 =	veq.s32 v6, $0x80000000  }
0x3e: {  	v6 =	vsel vm1, $0x0, v6  }
0x3f: {  	vm1 =	vlt.s32 v6, $0x0;
	v7 =	vxor.u32 $0x7FFFFFFF, v6  }
0x40: {  	v6 =	vsel vm1, v6, v7  }
0x41: {  	v7 =	vxor.u32 $0x80000000, v6  }
0x42: {  	vm1 =	vge.s32 v7, v1;
	vm2 =	vlt.s32 v7, v2  }
0x43: {  	vm1 =	vmand vm1, vm2  }
0x44: {  	v7 =	vmpcnt.ones.xlane vm1;
	s11 =	spop (v2sf)  }
.Ltmp2:
0x45: {  	s3 =	sadd.s32 s3, s11;
	(pc) =	sbr.rel @p0 .LBB2_2-.Ltmp2, $4  }
0x46: {  	[tilespmem:s3+$0x0] =	vst.msk vm1, v6;
	v6 =	vor.u32 s0, v0;
	(v2sf) =	vpush v7, $0x0;
	s0 =	smov.u32 s10  }
0x47: {  	[tilespmem:s3+$0x9D00] =	vst.msk vm1, v6  }
0x48: {  	s4 =	sadd.s32 $0x10, s4  }
0x49: {  	s10 =	sadd.s32 $0x10, s10;
	v6 =	vld [tilespmem:s4+$0x0]  }
0x4a: {  	_ =	sdelay $0x3  }
0x4b: {  	vm1 =	veq.s32 v6, $0x80000000  }
0x4c: {  	v6 =	vsel vm1, $0x0, v6  }
0x4d: {  	vm1 =	vlt.s32 v6, $0x0;
	v7 =	vxor.u32 $0x7FFFFFFF, v6  }
0x4e: {  	v6 =	vsel vm1, v6, v7  }
0x4f: {  	v7 =	vxor.u32 $0x80000000, v6  }
0x50: {  	vm1 =	vge.s32 v7, v1;
	vm2 =	vlt.s32 v7, v2  }
0x51: {  	vm1 =	vmand vm1, vm2  }
0x52: {  	v7 =	vmpcnt.ones.xlane vm1;
	_ =	sdelay $0x1  }
0x53: {  	(v2sf) =	vpush v7, $0x0;
	_ =	sdelay $0xd  }
0x54: {  	s4 =	spop (v2sf)  }
0x55: {  	s6 =	sadd.s32 s3, s4;
	s7 =	spop (v2sf)  }
0x56: {  	[tilespmem:s6+$0x0] =	vst.msk vm1, v6;
	v6 =	vor.u32 s0, v0;
	s20 =	sadd.s32 s6, s7  }
0x57: {  	[tilespmem:s6+$0x9D00] =	vst.msk vm1, v6;
	v6 =	vmov s20  }
0x58: {  	s28 =	rddreg [dreg:$0x6];
	s29 =	simm.s32 $0x14A00;
	[tilespmem:$0x14A00] =	vst v6  }
0x59: {  	[spmem:s28] =	stream.linear.scatter [tilespmem:s29], [sflag:$0xC], $0x8, $0x38;
	[tilespmem:$0x1C408] =	vst v63  }
0x5a: {  	_ =	swait.ge [sflag:s8], $0x8  }
0x5b: {  	[sflag:s8] =	ssyncset.done $0x0  }
0x5c: {  	[sflag:s8] =	ssyncadd.s32 $0xFFFFFFF8  }
0x5d: {  	[bflag:$0x0] =	sbarrier.arrive $0xFFFF  }
0x5e: {  	s31 =	simm.s32 $0x14A80;
	s30 =	rddreg [dreg:$0x3]  }
0x5f: {  	[tilespmem:s31], [sflag:$0xC] =	stream.linear.gather [spmem:s30], $0x80, $0x38;
	[tilespmem:$0x1C408] =	vst v63  }
0x60: {  	_ =	swait.ge [sflag:s8], $0x80  }
0x61: {  	[sflag:s8] =	ssyncset.done $0x0  }
0x62: {  	[sflag:s8] =	ssyncadd.s32 $0xFFFFFF80  }
0x63: {  	s3 =	simm.s32 $0x0;
	s0 =	simm.s32 $0x40;
	v7 =	vld.idx.msk [tilespmem:v3+s31+$0x0], $0xffff  }
.LBB2_4:
0x64: {  	p0 =	seq.s32 s0, $0x3FC0;
	[tilespmem:s3+$0x13A00] =	vst v4;
	s3 =	smov.u32 s0;
	s0 =	sadd.s32 $0x40, s0  }
.Ltmp3:
0x65: {  	(pc) =	sbr.rel @!p0 .LBB2_4-.Ltmp3, $2  }
0x66: {  	_ =	sdelay $0x2  }
0x67: {  	s3 =	sshra.s32 s3, $0x2  }
0x68: {  	v7 =	vnsel vm0, $0x0, v7  }
0x69: {  	(xrf0) =	vadd.scan.msk.s32 $0xffff, v7;
	_ =	sdelay $0x5  }
0x6a: {  	v7, _, _ =	vpop (xrf0)  }
0x6b: {  	(v2sf) =	vpush v7, $0xF;
	_ =	sdelay $0x2  }
0x6c: {  	s0 =	sadd.s32 $0xF, s20  }
0x6d: {  	s26 =	sand.u32 $0xF, s0  }
0x6e: {  	s4 =	sshra.s32 s0, $0x1F;
	p0 =	slt.s32 s0, $0x1;
	p1 =	sne.s32 s26, $0x0  }
0x6f: {  	s28 =	sshrl.u32 s4, $0x1C;
	p0 =	por !p0, !p1  }
0x70: {  	[tilespmem:s3+$0x13A00] =	vst v4;
	s3 =	simm.s32 $0x1;
	s0 =	sadd.s32 s28, s0;
	p0 =	por !p0, !p0  }
0x71: {  	s0 =	sshra.s32 s0, $0x4;
	s3 =	simm.s32 @!p0 $0x0  }
0x72: {  	s31 =	ssub.s32 s0, s3  }
0x73: {  	p0 =	sgt.s32 s31, $0xFFFFFFFF  }
.Ltmp4:
0x74: {  	_ = 	snop;
	(pc) =	sbr.rel @!p0 .LBB2_6-.Ltmp4, $4  }
0x75: {  	_ = 	snop  }
0x76: {  	s30 =	sor.u32 $0x1, s31  }
0x77: {  	v7 =	vmul.u32 s30, v0  }
0x78: {  	s29 =	spop (v2sf)  }
0x79: {  	s0 =	simm.s32 $0x0  }
0x7a: {  	v8 =	vadd.s32 s0, v7  }
0x7b: {  	vm1 =	vlt.s32 v8, v6;
	_ =	sdelay $0x5  }
0x7c: {  	p1 =	seq.s32 s30, $0x1;
	v8 =	vld.idx.msk [tilespmem:v8+s5+$0x0], vm1  }
.Ltmp5:
0x7d: {  	_ = 	snop;
	(pc) =	sbr.rel @p1 .LBB2_49-.Ltmp5, $2  }
0x7e: {  	_ =	sdelay $0x2  }
0x7f: {  	s0 =	simm.s32 $0x1;
	vm1 =	vmmov vm1;
	v8 =	vshll.u32 v8, $0x4  }
.LBB2_48:
0x80: {  	v9 =	vadd.s32 s0, v7;
	s0 =	sadd.s32 $0x1, s0;
	v8 =	vor.u32 v0, v8  }
0x81: {  	vm2 =	vlt.s32 v9, v6;
	p1 =	seq.s32 s30, s0;
	v8 =	vand.u32 $0xFFF, v8;
	_ =	sdelay $0x4  }
0x82: {  	[tilespmem:v8+s16+$0x0] =	vst.idx.add.s32.msk vm1, v5;
	vm1 =	vmmov vm2  }
0x83: {  	v8 =	vld.idx.msk [tilespmem:v9+s5+$0x0], vm2;
	_ =	sdelay $0x1  }
.Ltmp6:
0x84: {  	(pc) =	sbr.rel @!p1 .LBB2_48-.Ltmp6, $2  }
0x85: {  	_ =	sdelay $0x2  }
0x86: {  	v8 =	vshll.u32 v8, $0x4  }
.LBB2_49:
0x87: {  	v8 =	vor.u32 v0, v8  }
0x88: {  	v8 =	vand.u32 $0xFFF, v8;
	_ =	sdelay $0x4  }
0x89: {  	[tilespmem:v8+s16+$0x0] =	vst.idx.add.s32.msk vm1, v5  }
.LBB2_6:
0x8a: {  	s10 =	simm.s32 $0x0  }
0x8b: {  	v8 =	vld [tilespmem:s10+$0x13A00];
	_ =	sdelay $0x4  }
0x8c: {  	(xrf0) =	vadd.scan.msk.s32 $0xffff, v8;
	_ =	sdelay $0x5  }
0x8d: {  	v9, _, _ =	vpop (xrf0)  }
0x8e: {  	s0 =	simm.s32 $0x0;
	(v2sf) =	vpush v9, $0xF  }
0x8f: {  	v8 =	vsub.s32 s0, v8  }
0x90: {  	v8 =	vadd.s32 v9, v8  }
0x91: {  	s3 =	simm.s32 $0x10;
	s4 =	simm.s32 $0x80;
	[tilespmem:s10+$0x13A00] =	vst v8  }
.LBB2_7:
0x92: {  	p1 =	seq.s32 s4, $0x3FC0;
	v8 =	vld [tilespmem:s3+$0x13A00];
	_ =	sdelay $0x4  }
0x93: {  	(xrf0) =	vadd.scan.msk.s32 $0xffff, v8;
	_ =	sdelay $0x5  }
.Ltmp7:
0x94: {  	v9, _, _ =	vpop (xrf0);
	s10 =	spop (v2sf);
	(pc) =	sbr.rel @!p1 .LBB2_7-.Ltmp7, $4  }
0x95: {  	(v2sf) =	vpush v9, $0xF;
	s0 =	sadd.s32 s0, s10  }
0x96: {  	v8 =	vsub.s32 s0, v8  }
0x97: {  	v8 =	vadd.s32 v9, v8  }
0x98: {  	[tilespmem:s3+$0x13A00] =	vst v8;
	s3 =	sshra.s32 s4, $0x2;
	s4 =	sadd.s32 $0x40, s4  }
0x99: {  	v8 =	vld [tilespmem:s3+$0x13A00];
	_ =	sdelay $0x4  }
0x9a: {  	(xrf0) =	vadd.scan.msk.s32 $0xffff, v8;
	_ =	sdelay $0x5  }
0x9b: {  	v9, _, _ =	vpop (xrf0)  }
0x9c: {  	(v2sf) =	vpush v9, $0xF;
	_ =	sdelay $0xa  }
.Ltmp8:
0x9d: {  	s4 =	spop (v2sf);
	(pc) =	sbr.rel @!p0 .LBB2_12-.Ltmp8, $4  }
0x9e: {  	s0 =	sadd.s32 s0, s4  }
0x9f: {  	v8 =	vsub.s32 s0, v8  }
0xa0: {  	v8 =	vadd.s32 v9, v8  }
0xa1: {  	[tilespmem:s3+$0x13A00] =	vst v8;
	s28 =	spop (v2sf)  }
0xa2: {  	s0 =	simm.s32 $0x0  }
0xa3: {  	v9 =	vadd.s32 s0, v7  }
0xa4: {  	vm1 =	vlt.s32 v9, v6;
	_ =	sdelay $0x5  }
0xa5: {  	v8 =	vld.idx.msk [tilespmem:v9+s5+$0x0], vm1;
	_ =	sdelay $0x4  }
0xa6: {  	v10 =	vshll.u32 v8, $0x4  }
0xa7: {  	v10 =	vor.u32 v0, v10  }
0xa8: {  	p1 =	seq.s32 s30, $0x1;
	v10 =	vand.u32 $0xFFF, v10  }
.Ltmp9:
0xa9: {  	_ = 	snop;
	(pc) =	sbr.rel @p1 .LBB2_11-.Ltmp9, $3  }
0xaa: {  	_ =	sdelay $0x1  }
0xab: {  	v9 =	vld.idx.msk [tilespmem:v9+s17+$0x0], vm1  }
0xac: {  	s0 =	simm.s32 $0x1;
	vm1 =	vmmov vm1;
	v11 =	vld.idx.msk [tilespmem:v10+s16+$0x0], $0xffff  }
.LBB2_10:
0xad: {  	_ =	sdelay $0x2  }
0xae: {  	v12 =	vadd.s32 s0, v7  }
0xaf: {  	vm2 =	vlt.s32 v12, v6  }
0xb0: {  	s0 =	sadd.s32 $0x1, s0  }
0xb1: {  	p1 =	seq.s32 s30, s0  }
0xb2: {  	[tilespmem:v11+s18+$0x0] =	vst.idx.msk vm1, v8  }
0xb3: {  	[tilespmem:v11+s19+$0x0] =	vst.idx.msk vm1, v9  }
0xb4: {  	[tilespmem:v10+s16+$0x0] =	vst.idx.add.s32.msk vm1, v5;
	vm1 =	vmmov vm2  }
0xb5: {  	v8 =	vld.idx.msk [tilespmem:v12+s5+$0x0], vm2  }
0xb6: {  	v9 =	vld.idx.msk [tilespmem:v12+s17+$0x0], vm2;
	_ =	sdelay $0x4  }
0xb7: {  	v10 =	vshll.u32 v8, $0x4  }
0xb8: {  	v10 =	vor.u32 v0, v10  }
0xb9: {  	v10 =	vand.u32 $0xFFF, v10  }
.Ltmp10:
0xba: {  	(pc) =	sbr.rel @!p1 .LBB2_10-.Ltmp10, $2  }
0xbb: {  	_ =	sdelay $0x2  }
0xbc: {  	v11 =	vld.idx.msk [tilespmem:v10+s16+$0x0], $0xffff  }
.LBB2_11:
0xbd: {  	_ =	sdelay $0x7  }
0xbe: {  	[tilespmem:v11+s18+$0x0] =	vst.idx.msk vm1, v8  }
0xbf: {  	[tilespmem:v11+s19+$0x0] =	vst.idx.msk vm1, v9  }
0xc0: {  	[tilespmem:v10+s16+$0x0] =	vst.idx.add.s32.msk vm1, v5  }
.LBB2_12:
0xc1: {  	s0 =	simm.s32 $0x40;
	s3 =	simm.s32 $0x0  }
.LBB2_13:
0xc2: {  	p1 =	seq.s32 s0, $0x3FC0;
	[tilespmem:s3+$0x13A00] =	vst v4;
	s3 =	smov.u32 s0;
	s0 =	sadd.s32 $0x40, s0  }
.Ltmp11:
0xc3: {  	(pc) =	sbr.rel @!p1 .LBB2_13-.Ltmp11, $2  }
0xc4: {  	_ =	sdelay $0x2  }
0xc5: {  	s3 =	sshra.s32 s3, $0x2  }
.Ltmp12:
0xc6: {  	(pc) =	sbr.rel @!p0 .LBB2_15-.Ltmp12, $2  }
0xc7: {  	_ =	sdelay $0x2  }
0xc8: {  	[tilespmem:s3+$0x13A00] =	vst v4  }
0xc9: {  	s0 =	simm.s32 $0x0  }
0xca: {  	v8 =	vadd.s32 s0, v7  }
0xcb: {  	vm1 =	vlt.s32 v8, v6;
	_ =	sdelay $0x5  }
0xcc: {  	p1 =	seq.s32 s30, $0x1;
	v8 =	vld.idx.msk [tilespmem:v8+s18+$0x0], vm1  }
.Ltmp13:
0xcd: {  	_ = 	snop;
	(pc) =	sbr.rel @p1 .LBB2_52-.Ltmp13, $2  }
0xce: {  	_ =	sdelay $0x2  }
0xcf: {  	s0 =	simm.s32 $0x1;
	vm1 =	vmmov vm1;
	v8 =	vshrl.u32 v8, $0x4  }
.LBB2_51:
0xd0: {  	v9 =	vadd.s32 s0, v7;
	s0 =	sadd.s32 $0x1, s0;
	v8 =	vand.u32 $0xFF0, v8  }
0xd1: {  	vm2 =	vlt.s32 v9, v6;
	p1 =	seq.s32 s30, s0;
	v8 =	vor.u32 v0, v8;
	_ =	sdelay $0x4  }
0xd2: {  	[tilespmem:v8+s16+$0x0] =	vst.idx.add.s32.msk vm1, v5;
	vm1 =	vmmov vm2  }
0xd3: {  	v8 =	vld.idx.msk [tilespmem:v9+s18+$0x0], vm2;
	_ =	sdelay $0x1  }
.Ltmp14:
0xd4: {  	(pc) =	sbr.rel @!p1 .LBB2_51-.Ltmp14, $2  }
0xd5: {  	_ =	sdelay $0x2  }
0xd6: {  	v8 =	vshrl.u32 v8, $0x4  }
.LBB2_52:
0xd7: {  	v8 =	vand.u32 $0xFF0, v8  }
0xd8: {  	v8 =	vor.u32 v0, v8;
	_ =	sdelay $0x4  }
0xd9: {  	[tilespmem:v8+s16+$0x0] =	vst.idx.add.s32.msk vm1, v5  }
.LBB2_15:
0xda: {  	s10 =	simm.s32 $0x0  }
0xdb: {  	v8 =	vld [tilespmem:s10+$0x13A00];
	_ =	sdelay $0x4  }
0xdc: {  	(xrf0) =	vadd.scan.msk.s32 $0xffff, v8;
	_ =	sdelay $0x5  }
0xdd: {  	v9, _, _ =	vpop (xrf0)  }
0xde: {  	s0 =	simm.s32 $0x0;
	(v2sf) =	vpush v9, $0xF  }
0xdf: {  	v8 =	vsub.s32 s0, v8  }
0xe0: {  	v8 =	vadd.s32 v9, v8  }
0xe1: {  	s3 =	simm.s32 $0x10;
	s4 =	simm.s32 $0x80;
	[tilespmem:s10+$0x13A00] =	vst v8  }
.LBB2_16:
0xe2: {  	p1 =	seq.s32 s4, $0x3FC0;
	v8 =	vld [tilespmem:s3+$0x13A00];
	_ =	sdelay $0x4  }
0xe3: {  	(xrf0) =	vadd.scan.msk.s32 $0xffff, v8;
	_ =	sdelay $0x5  }
.Ltmp15:
0xe4: {  	v9, _, _ =	vpop (xrf0);
	s10 =	spop (v2sf);
	(pc) =	sbr.rel @!p1 .LBB2_16-.Ltmp15, $4  }
0xe5: {  	(v2sf) =	vpush v9, $0xF;
	s0 =	sadd.s32 s0, s10  }
0xe6: {  	v8 =	vsub.s32 s0, v8  }
0xe7: {  	v8 =	vadd.s32 v9, v8  }
0xe8: {  	[tilespmem:s3+$0x13A00] =	vst v8;
	s3 =	sshra.s32 s4, $0x2;
	s4 =	sadd.s32 $0x40, s4  }
0xe9: {  	v8 =	vld [tilespmem:s3+$0x13A00];
	_ =	sdelay $0x4  }
0xea: {  	(xrf0) =	vadd.scan.msk.s32 $0xffff, v8;
	_ =	sdelay $0x5  }
0xeb: {  	v9, _, _ =	vpop (xrf0)  }
0xec: {  	(v2sf) =	vpush v9, $0xF;
	_ =	sdelay $0xa  }
.Ltmp16:
0xed: {  	s4 =	spop (v2sf);
	(pc) =	sbr.rel @!p0 .LBB2_21-.Ltmp16, $4  }
0xee: {  	s0 =	sadd.s32 s0, s4  }
0xef: {  	v8 =	vsub.s32 s0, v8  }
0xf0: {  	v8 =	vadd.s32 v9, v8  }
0xf1: {  	[tilespmem:s3+$0x13A00] =	vst v8;
	s28 =	spop (v2sf)  }
0xf2: {  	s0 =	simm.s32 $0x0  }
0xf3: {  	v11 =	vadd.s32 s0, v7  }
0xf4: {  	vm1 =	vlt.s32 v11, v6;
	_ =	sdelay $0x5  }
0xf5: {  	v8 =	vld.idx.msk [tilespmem:v11+s18+$0x0], vm1;
	_ =	sdelay $0x4  }
0xf6: {  	v9 =	vshrl.u32 v8, $0x4  }
0xf7: {  	v9 =	vand.u32 $0xFF0, v9  }
0xf8: {  	vm1 =	vmmov vm1;
	v9 =	vor.u32 v0, v9  }
0xf9: {  	p1 =	seq.s32 s30, $0x1  }
.Ltmp17:
0xfa: {  	_ = 	snop;
	(pc) =	sbr.rel @p1 .LBB2_20-.Ltmp17, $3  }
0xfb: {  	_ =	sdelay $0x1  }
0xfc: {  	v10 =	vld.idx.msk [tilespmem:v9+s16+$0x0], $0xffff  }
0xfd: {  	s0 =	simm.s32 $0x1;
	v11 =	vld.idx.msk [tilespmem:v11+s19+$0x0], vm1  }
.LBB2_19:
0xfe: {  	_ = 	snop  }
0xff: {  	v12 =	vadd.s32 s0, v7  }
0x100: {  	s0 =	sadd.s32 $0x1, s0;
	vm2 =	vlt.s32 v12, v6  }
0x101: {  	p1 =	seq.s32 s30, s0  }
0x102: {  	v8 =	vand.u32 $0xFFFF0000, v8  }
0x103: {  	v8 =	vor.u32 v8, v11  }
0x104: {  	[tilespmem:v10+s5+$0x0] =	vst.idx.msk vm1, v8  }
0x105: {  	[tilespmem:v9+s16+$0x0] =	vst.idx.add.s32.msk vm1, v5;
	vm1 =	vmmov vm2  }
0x106: {  	v8 =	vld.idx.msk [tilespmem:v12+s18+$0x0], vm2;
	_ =	sdelay $0x5  }
0x107: {  	v9 =	vshrl.u32 v8, $0x4  }
0x108: {  	v9 =	vand.u32 $0xFF0, v9  }
0x109: {  	v9 =	vor.u32 v0, v9;
	_ =	sdelay $0x1  }
.Ltmp18:
0x10a: {  	(pc) =	sbr.rel @!p1 .LBB2_19-.Ltmp18, $3  }
0x10b: {  	_ =	sdelay $0x1  }
0x10c: {  	v10 =	vld.idx.msk [tilespmem:v9+s16+$0x0], $0xffff  }
0x10d: {  	v11 =	vld.idx.msk [tilespmem:v12+s19+$0x0], vm2  }
.LBB2_20:
0x10e: {  	_ =	sdelay $0x4  }
0x10f: {  	v8 =	vand.u32 $0xFFFF0000, v8  }
0x110: {  	v8 =	vor.u32 v8, v11  }
0x111: {  	[tilespmem:v10+s5+$0x0] =	vst.idx.msk vm1, v8  }
0x112: {  	[tilespmem:v9+s16+$0x0] =	vst.idx.add.s32.msk vm1, v5  }
.LBB2_21:
0x113: {  	s0 =	simm.s32 $0x40;
	s3 =	simm.s32 $0x0  }
.LBB2_22:
0x114: {  	p1 =	seq.s32 s0, $0x3FC0;
	[tilespmem:s3+$0x13A00] =	vst v4;
	s3 =	smov.u32 s0;
	s0 =	sadd.s32 $0x40, s0  }
.Ltmp19:
0x115: {  	(pc) =	sbr.rel @!p1 .LBB2_22-.Ltmp19, $2  }
0x116: {  	_ =	sdelay $0x2  }
0x117: {  	s3 =	sshra.s32 s3, $0x2  }
.Ltmp20:
0x118: {  	(pc) =	sbr.rel @!p0 .LBB2_24-.Ltmp20, $2  }
0x119: {  	_ =	sdelay $0x2  }
0x11a: {  	[tilespmem:s3+$0x13A00] =	vst v4  }
0x11b: {  	s0 =	simm.s32 $0x0  }
0x11c: {  	v8 =	vadd.s32 s0, v7  }
0x11d: {  	vm1 =	vlt.s32 v8, v6;
	_ =	sdelay $0x5  }
0x11e: {  	p1 =	seq.s32 s30, $0x1;
	v8 =	vld.idx.msk [tilespmem:v8+s5+$0x0], vm1  }
.Ltmp21:
0x11f: {  	_ = 	snop;
	(pc) =	sbr.rel @p1 .LBB2_55-.Ltmp21, $2  }
0x120: {  	_ =	sdelay $0x2  }
0x121: {  	s0 =	simm.s32 $0x1;
	vm1 =	vmmov vm1;
	v8 =	vshrl.u32 v8, $0xC  }
.LBB2_54:
0x122: {  	v9 =	vadd.s32 s0, v7;
	s0 =	sadd.s32 $0x1, s0;
	v8 =	vand.u32 $0xFF0, v8  }
0x123: {  	vm2 =	vlt.s32 v9, v6;
	p1 =	seq.s32 s30, s0;
	v8 =	vor.u32 v0, v8;
	_ =	sdelay $0x4  }
0x124: {  	[tilespmem:v8+s16+$0x0] =	vst.idx.add.s32.msk vm1, v5;
	vm1 =	vmmov vm2  }
0x125: {  	v8 =	vld.idx.msk [tilespmem:v9+s5+$0x0], vm2;
	_ =	sdelay $0x1  }
.Ltmp22:
0x126: {  	(pc) =	sbr.rel @!p1 .LBB2_54-.Ltmp22, $2  }
0x127: {  	_ =	sdelay $0x2  }
0x128: {  	v8 =	vshrl.u32 v8, $0xC  }
.LBB2_55:
0x129: {  	v8 =	vand.u32 $0xFF0, v8  }
0x12a: {  	v8 =	vor.u32 v0, v8;
	_ =	sdelay $0x4  }
0x12b: {  	[tilespmem:v8+s16+$0x0] =	vst.idx.add.s32.msk vm1, v5  }
.LBB2_24:
0x12c: {  	s10 =	simm.s32 $0x0  }
0x12d: {  	v8 =	vld [tilespmem:s10+$0x13A00];
	_ =	sdelay $0x4  }
0x12e: {  	(xrf0) =	vadd.scan.msk.s32 $0xffff, v8;
	_ =	sdelay $0x5  }
0x12f: {  	v9, _, _ =	vpop (xrf0)  }
0x130: {  	s0 =	simm.s32 $0x0;
	(v2sf) =	vpush v9, $0xF  }
0x131: {  	v8 =	vsub.s32 s0, v8  }
0x132: {  	v8 =	vadd.s32 v9, v8  }
0x133: {  	s3 =	simm.s32 $0x10;
	s4 =	simm.s32 $0x80;
	[tilespmem:s10+$0x13A00] =	vst v8  }
.LBB2_25:
0x134: {  	p1 =	seq.s32 s4, $0x3FC0;
	v8 =	vld [tilespmem:s3+$0x13A00];
	_ =	sdelay $0x4  }
0x135: {  	(xrf0) =	vadd.scan.msk.s32 $0xffff, v8;
	_ =	sdelay $0x5  }
.Ltmp23:
0x136: {  	v9, _, _ =	vpop (xrf0);
	s10 =	spop (v2sf);
	(pc) =	sbr.rel @!p1 .LBB2_25-.Ltmp23, $4  }
0x137: {  	(v2sf) =	vpush v9, $0xF;
	s0 =	sadd.s32 s0, s10  }
0x138: {  	v8 =	vsub.s32 s0, v8  }
0x139: {  	v8 =	vadd.s32 v9, v8  }
0x13a: {  	[tilespmem:s3+$0x13A00] =	vst v8;
	s3 =	sshra.s32 s4, $0x2;
	s4 =	sadd.s32 $0x40, s4  }
0x13b: {  	v8 =	vld [tilespmem:s3+$0x13A00];
	_ =	sdelay $0x4  }
0x13c: {  	(xrf0) =	vadd.scan.msk.s32 $0xffff, v8;
	_ =	sdelay $0x5  }
0x13d: {  	v9, _, _ =	vpop (xrf0)  }
0x13e: {  	(v2sf) =	vpush v9, $0xF;
	_ =	sdelay $0xa  }
.Ltmp24:
0x13f: {  	s4 =	spop (v2sf);
	(pc) =	sbr.rel @!p0 .LBB2_30-.Ltmp24, $4  }
0x140: {  	s0 =	sadd.s32 s0, s4  }
0x141: {  	v8 =	vsub.s32 s0, v8  }
0x142: {  	v8 =	vadd.s32 v9, v8  }
0x143: {  	[tilespmem:s3+$0x13A00] =	vst v8;
	s28 =	spop (v2sf)  }
0x144: {  	s0 =	simm.s32 $0x0  }
0x145: {  	v8 =	vadd.s32 s0, v7  }
0x146: {  	vm1 =	vlt.s32 v8, v6;
	_ =	sdelay $0x5  }
0x147: {  	v8 =	vld.idx.msk [tilespmem:v8+s5+$0x0], vm1;
	_ =	sdelay $0x4  }
0x148: {  	v9 =	vshrl.u32 v8, $0xC  }
0x149: {  	v9 =	vand.u32 $0xFF0, v9  }
0x14a: {  	p1 =	seq.s32 s30, $0x1;
	v9 =	vor.u32 v0, v9  }
.Ltmp25:
0x14b: {  	_ = 	snop;
	(pc) =	sbr.rel @p1 .LBB2_29-.Ltmp25, $2  }
0x14c: {  	_ =	sdelay $0x2  }
0x14d: {  	s0 =	simm.s32 $0x1;
	vm1 =	vmmov vm1;
	v10 =	vld.idx.msk [tilespmem:v9+s16+$0x0], $0xffff  }
.LBB2_28:
0x14e: {  	_ =	sdelay $0x1  }
0x14f: {  	v11 =	vadd.s32 s0, v7  }
0x150: {  	s0 =	sadd.s32 $0x1, s0;
	vm2 =	vlt.s32 v11, v6  }
0x151: {  	p1 =	seq.s32 s30, s0;
	_ =	sdelay $0x2  }
0x152: {  	[tilespmem:v10+s18+$0x0] =	vst.idx.msk vm1, v8  }
0x153: {  	[tilespmem:v9+s16+$0x0] =	vst.idx.add.s32.msk vm1, v5;
	vm1 =	vmmov vm2  }
0x154: {  	v8 =	vld.idx.msk [tilespmem:v11+s5+$0x0], vm2;
	_ =	sdelay $0x5  }
0x155: {  	v9 =	vshrl.u32 v8, $0xC  }
0x156: {  	v9 =	vand.u32 $0xFF0, v9  }
0x157: {  	v9 =	vor.u32 v0, v9  }
.Ltmp26:
0x158: {  	(pc) =	sbr.rel @!p1 .LBB2_28-.Ltmp26, $2  }
0x159: {  	_ =	sdelay $0x2  }
0x15a: {  	v10 =	vld.idx.msk [tilespmem:v9+s16+$0x0], $0xffff  }
.LBB2_29:
0x15b: {  	_ =	sdelay $0x7  }
0x15c: {  	[tilespmem:v10+s18+$0x0] =	vst.idx.msk vm1, v8  }
0x15d: {  	[tilespmem:v9+s16+$0x0] =	vst.idx.add.s32.msk vm1, v5  }
.LBB2_30:
0x15e: {  	s0 =	simm.s32 $0x40;
	s3 =	simm.s32 $0x0  }
.LBB2_31:
0x15f: {  	p1 =	seq.s32 s0, $0x3FC0;
	[tilespmem:s3+$0x13A00] =	vst v4;
	s3 =	smov.u32 s0;
	s0 =	sadd.s32 $0x40, s0  }
.Ltmp27:
0x160: {  	(pc) =	sbr.rel @!p1 .LBB2_31-.Ltmp27, $2  }
0x161: {  	_ =	sdelay $0x2  }
0x162: {  	s3 =	sshra.s32 s3, $0x2  }
.Ltmp28:
0x163: {  	(pc) =	sbr.rel @!p0 .LBB2_33-.Ltmp28, $2  }
0x164: {  	_ =	sdelay $0x2  }
0x165: {  	[tilespmem:s3+$0x13A00] =	vst v4  }
0x166: {  	s0 =	simm.s32 $0x0  }
0x167: {  	v8 =	vadd.s32 s0, v7  }
0x168: {  	vm1 =	vlt.s32 v8, v6;
	_ =	sdelay $0x5  }
0x169: {  	p0 =	seq.s32 s30, $0x1;
	v8 =	vld.idx.msk [tilespmem:v8+s18+$0x0], vm1  }
.Ltmp29:
0x16a: {  	_ = 	snop;
	(pc) =	sbr.rel @p0 .LBB2_58-.Ltmp29, $2  }
0x16b: {  	_ =	sdelay $0x2  }
0x16c: {  	s0 =	simm.s32 $0x1;
	vm1 =	vmmov vm1;
	v8 =	vshrl.u32 v8, $0x14  }
.LBB2_57:
0x16d: {  	v9 =	vadd.s32 s0, v7;
	s0 =	sadd.s32 $0x1, s0;
	v8 =	vand.u32 $0xFF0, v8  }
0x16e: {  	vm2 =	vlt.s32 v9, v6;
	p0 =	seq.s32 s30, s0;
	v8 =	vor.u32 v0, v8;
	_ =	sdelay $0x4  }
0x16f: {  	[tilespmem:v8+s16+$0x0] =	vst.idx.add.s32.msk vm1, v5;
	vm1 =	vmmov vm2  }
0x170: {  	v8 =	vld.idx.msk [tilespmem:v9+s18+$0x0], vm2;
	_ =	sdelay $0x1  }
.Ltmp30:
0x171: {  	(pc) =	sbr.rel @!p0 .LBB2_57-.Ltmp30, $2  }
0x172: {  	_ =	sdelay $0x2  }
0x173: {  	v8 =	vshrl.u32 v8, $0x14  }
.LBB2_58:
0x174: {  	v8 =	vand.u32 $0xFF0, v8  }
0x175: {  	v8 =	vor.u32 v0, v8;
	_ =	sdelay $0x4  }
0x176: {  	[tilespmem:v8+s16+$0x0] =	vst.idx.add.s32.msk vm1, v5  }
.LBB2_33:
0x177: {  	s10 =	simm.s32 $0x0  }
0x178: {  	v8 =	vld [tilespmem:s10+$0x13A00];
	_ =	sdelay $0x4  }
0x179: {  	(xrf0) =	vadd.scan.msk.s32 $0xffff, v8;
	_ =	sdelay $0x5  }
0x17a: {  	v9, _, _ =	vpop (xrf0)  }
0x17b: {  	s0 =	simm.s32 $0x0;
	(v2sf) =	vpush v9, $0xF  }
0x17c: {  	v8 =	vsub.s32 s0, v8  }
0x17d: {  	v8 =	vadd.s32 v9, v8  }
0x17e: {  	s3 =	simm.s32 $0x10;
	s4 =	simm.s32 $0x80;
	[tilespmem:s10+$0x13A00] =	vst v8  }
.LBB2_34:
0x17f: {  	p0 =	seq.s32 s4, $0x3FC0;
	v8 =	vld [tilespmem:s3+$0x13A00];
	_ =	sdelay $0x4  }
0x180: {  	(xrf0) =	vadd.scan.msk.s32 $0xffff, v8;
	_ =	sdelay $0x5  }
.Ltmp31:
0x181: {  	v9, _, _ =	vpop (xrf0);
	s10 =	spop (v2sf);
	(pc) =	sbr.rel @!p0 .LBB2_34-.Ltmp31, $4  }
0x182: {  	(v2sf) =	vpush v9, $0xF;
	s0 =	sadd.s32 s0, s10  }
0x183: {  	v8 =	vsub.s32 s0, v8  }
0x184: {  	v8 =	vadd.s32 v9, v8  }
0x185: {  	[tilespmem:s3+$0x13A00] =	vst v8;
	s3 =	sshra.s32 s4, $0x2;
	s4 =	sadd.s32 $0x40, s4  }
0x186: {  	v8 =	vld [tilespmem:s3+$0x13A00];
	_ =	sdelay $0x4  }
0x187: {  	(xrf0) =	vadd.scan.msk.s32 $0xffff, v8;
	_ =	sdelay $0x5  }
0x188: {  	v9, _, _ =	vpop (xrf0)  }
0x189: {  	(v2sf) =	vpush v9, $0xF;
	_ =	sdelay $0x9  }
0x18a: {  	p0 =	slt.s32 s31, $0x0  }
.Ltmp32:
0x18b: {  	s4 =	spop (v2sf);
	(pc) =	sbr.rel @p0 .LBB2_39-.Ltmp32, $4  }
0x18c: {  	s0 =	sadd.s32 s0, s4  }
0x18d: {  	v8 =	vsub.s32 s0, v8  }
0x18e: {  	v8 =	vadd.s32 v9, v8  }
0x18f: {  	[tilespmem:s3+$0x13A00] =	vst v8;
	s28 =	spop (v2sf)  }
0x190: {  	s0 =	simm.s32 $0x0  }
0x191: {  	v8 =	vadd.s32 s0, v7  }
0x192: {  	vm1 =	vlt.s32 v8, v6;
	_ =	sdelay $0x5  }
0x193: {  	v8 =	vld.idx.msk [tilespmem:v8+s18+$0x0], vm1;
	_ =	sdelay $0x4  }
0x194: {  	v9 =	vshrl.u32 v8, $0x14  }
0x195: {  	v9 =	vand.u32 $0xFF0, v9  }
0x196: {  	p0 =	sne.s32 s30, $0x1;
	v9 =	vor.u32 v0, v9  }
.Ltmp33:
0x197: {  	_ = 	snop;
	(pc) =	sbr.rel @!p0 .LBB2_38-.Ltmp33, $2  }
0x198: {  	_ =	sdelay $0x2  }
0x199: {  	s0 =	simm.s32 $0x1;
	vm1 =	vmmov vm1;
	v10 =	vld.idx.msk [tilespmem:v9+s16+$0x0], $0xffff  }
.LBB2_37:
0x19a: {  	_ =	sdelay $0x1  }
0x19b: {  	v11 =	vadd.s32 s0, v7  }
0x19c: {  	s0 =	sadd.s32 $0x1, s0;
	vm2 =	vlt.s32 v11, v6  }
0x19d: {  	p0 =	sne.s32 s30, s0;
	_ =	sdelay $0x1  }
0x19e: {  	v8 =	vand.u32 $0xFFFF, v8  }
0x19f: {  	[tilespmem:v10+s17+$0x0] =	vst.idx.msk vm1, v8  }
0x1a0: {  	[tilespmem:v9+s16+$0x0] =	vst.idx.add.s32.msk vm1, v5;
	vm1 =	vmmov vm2  }
0x1a1: {  	v8 =	vld.idx.msk [tilespmem:v11+s18+$0x0], vm2;
	_ =	sdelay $0x5  }
0x1a2: {  	v9 =	vshrl.u32 v8, $0x14  }
0x1a3: {  	v9 =	vand.u32 $0xFF0, v9  }
0x1a4: {  	v9 =	vor.u32 v0, v9  }
.Ltmp34:
0x1a5: {  	(pc) =	sbr.rel @p0 .LBB2_37-.Ltmp34, $2  }
0x1a6: {  	_ =	sdelay $0x2  }
0x1a7: {  	v10 =	vld.idx.msk [tilespmem:v9+s16+$0x0], $0xffff  }
.LBB2_38:
0x1a8: {  	_ =	sdelay $0x6  }
0x1a9: {  	v6 =	vand.u32 $0xFFFF, v8  }
0x1aa: {  	[tilespmem:v10+s17+$0x0] =	vst.idx.msk vm1, v6  }
0x1ab: {  	[tilespmem:v9+s16+$0x0] =	vst.idx.add.s32.msk vm1, v5  }
.LBB2_39:
0x1ac: {  	s0 =	smulhi.u32 $0x2AAAAAAB, s20;
	s3 =	sshra.s32 s20, $0x1F  }
0x1ad: {  	s3 =	smul.u32 $0x2AAAAAAB, s3;
	_ =	sdelay $0x1  }
0x1ae: {  	s0 =	sadd.s32 s3, s0  }
0x1af: {  	s3 =	sshrl.u32 s0, $0x1F;
	s0 =	sshra.s32 s0, $0x3  }
0x1b0: {  	s0 =	sadd.s32 s3, s0  }
0x1b1: {  	s3 =	smul.u32 $0xFFFFFFD0, s0  }
0x1b2: {  	s4 =	ssub.s32 $0x0, s20  }
0x1b3: {  	p0 =	slt.s32 s20, $0x1;
	p1 =	sne.s32 s3, s4  }
0x1b4: {  	p0 =	por !p0, !p1  }
0x1b5: {  	s3 =	simm.s32 $0x1;
	p0 =	por !p0, !p0  }
0x1b6: {  	s3 =	simm.s32 @!p0 $0x0  }
0x1b7: {  	s30 =	ssub.s32 s0, s3  }
0x1b8: {  	p0 =	slt.s32 s30, $0x1  }
0x1b9: {  	s0 =	simm.s32 @!p0 $0x30  }
0x1ba: {  	s3 =	simm.s32 @!p0 $0x9D00;
	s4 =	simm.s32 @!p0 $0x14B00;
	p1 =	seq.s32 @!p0 s30, $0x1  }
0x1bb: {  	[tilespmem:s4], [sflag:$0x1] =	stream.indirect.gather @!p0 [hbm4b:s1+s0], $0x80, s3, s0, $0xb8;
	[tilespmem:$0x1C408] =	vst v63  }
0x1bc: {  	p2 =	por p1, p0  }
0x1bd: {  	s0 =	simm.s32 @!p2 $0x30  }
0x1be: {  	s3 =	simm.s32 @!p2 $0x9D30;
	s4 =	simm.s32 @!p2 $0x16300;
	p3 =	slt.u32 @!p2 s30, $0x3  }
0x1bf: {  	[tilespmem:s4], [sflag:$0x2] =	stream.indirect.gather @!p2 [hbm4b:s1+s0], $0x80, s3, s0, $0xb8;
	[tilespmem:$0x1C408] =	vst v63  }
0x1c0: {  	p4 =	por @!p0 p3, p1  }
0x1c1: {  	p4 =	por p4, p0  }
0x1c2: {  	s0 =	simm.s32 @!p4 $0x30  }
0x1c3: {  	s3 =	simm.s32 @!p4 $0x9D60;
	s4 =	simm.s32 @!p4 $0x17B00;
	p5 =	seq.s32 @!p4 s30, $0x3  }
0x1c4: {  	[tilespmem:s4], [sflag:$0x3] =	stream.indirect.gather @!p4 [hbm4b:s1+s0], $0x80, s3, s0, $0xb8;
	[tilespmem:$0x1C408] =	vst v63  }
0x1c5: {  	p6 =	por @!p2 p5, p3  }
0x1c6: {  	p6 =	por @!p0 p6, p1  }
0x1c7: {  	p6 =	por p6, p0  }
0x1c8: {  	s0 =	simm.s32 @!p6 $0x30;
	s3 =	simm.s32 @!p6 $0x9D90;
	s4 =	simm.s32 @!p6 $0x19300  }
0x1c9: {  	[tilespmem:s4], [sflag:$0x4] =	stream.indirect.gather @!p6 [hbm4b:s1+s0], $0x80, s3, s0, $0xb8;
	[tilespmem:$0x1C408] =	vst v63  }
0x1ca: {  	s24 =	sadd.s32 $0x4, s30;
	p6 =	slt.u32 @!p6 s30, $0x5  }
0x1cb: {  	s25 =	smulhi.u32 $0x66666667, s24;
	s0 =	sshra.s32 s24, $0x1F;
	p4 =	por @!p4 p6, p5  }
0x1cc: {  	s0 =	smul.u32 $0x66666667, s0;
	p2 =	por @!p2 p4, p3  }
0x1cd: {  	p1 =	por @!p0 p2, p1  }
0x1ce: {  	s0 =	sadd.s32 s0, s25;
	p0 =	por p1, p0  }
0x1cf: {  	s26 =	sshrl.u32 s0, $0x1F;
	s0 =	sshra.s32 s0, $0x1;
	s3 =	simm.s32 @!p0 $0x30  }
0x1d0: {  	s10 =	simm.s32 @!p0 $0x9DC0;
	s11 =	simm.s32 @!p0 $0x1AB00;
	s0 =	sadd.s32 s26, s0  }
0x1d1: {  	[tilespmem:s11], [sflag:$0x5] =	stream.indirect.gather @!p0 [hbm4b:s1+s3], $0x80, s10, s3, $0xb8;
	[tilespmem:$0x1C408] =	vst v63  }
0x1d2: {  	s3 =	smul.u32 $0xFFFFFFFB, s0  }
0x1d3: {  	s28 =	ssub.s32 $0xFFFFFFFC, s30  }
0x1d4: {  	p5 =	slt.s32 s30, $0xFFFFFFFD;
	p6 =	sne.s32 s3, s28  }
0x1d5: {  	p0 =	por !p5, !p6  }
0x1d6: {  	s3 =	simm.s32 $0x1;
	p0 =	por !p0, !p0  }
0x1d7: {  	s3 =	simm.s32 @!p0 $0x0  }
0x1d8: {  	s0 =	ssub.s32 s0, s3  }
0x1d9: {  	p0 =	slt.s32 s0, $0x1  }
.Ltmp35:
0x1da: {  	_ = 	snop;
	(pc) =	sbr.rel @p0 .LBB2_43-.Ltmp35, $3  }
0x1db: {  	_ =	sdelay $0x1  }
0x1dc: {  	s31 =	rddreg [dreg:$0x8]  }
0x1dd: {  	s13 =	sadd.s32 s29, s31  }
0x1de: {  	[dreg:$0xc] =	wrdreg s20  }
0x1df: {  	[dreg:$0xb] =	wrdreg s7  }
0x1e0: {  	[dreg:$0xa] =	wrdreg s6;
	p1 =	sle.s32 s30, $0x0  }
0x1e1: {  	[dreg:$0x9] =	wrdreg s14;
	s3 =	simm.s32 @!p1 $0x1  }
0x1e2: {  	_ =	swait.ge @!p1 [sflag:s3], $0x1800  }
0x1e3: {  	v6 =	vlaneseq.u32 @!p1;
	s4 =	sadd.s32 @!p1 $0x20, s13;
	[sflag:s3] =	ssyncset.done @!p1 $0x0  }
0x1e4: {  	s10 =	sadd.s32 @!p1 $0x10, s13;
	v7 =	vadd.s32 @!p1 s4, v6;
	[sflag:s3] =	ssyncadd.s32 @!p1 $0xFFFFE800  }
0x1e5: {  	v8 =	vadd.s32 @!p1 s10, v6;
	[tilespmem:$0x1C3A0] =	vst @!p1 v7  }
0x1e6: {  	p0 =	sle.u32 @!p1 s30, $0x5;
	s11 =	simm.s32 @!p1 $0x30;
	v6 =	vadd.s32 @!p1 s13, v6;
	[tilespmem:$0x1C390] =	vst @!p1 v8  }
0x1e7: {  	s4 =	simm.s32 @!p1 $0x14B00;
	s10 =	simm.s32 @!p1 $0x1C380;
	s3 =	simm.s32 @!p1 $0x6;
	[tilespmem:$0x1C380] =	vst @!p1 v6  }
0x1e8: {  	[hbm4b:s2+s11] =	stream.indirect.scatter @!p1 [tilespmem:s4], [sflag:$0x6], $0x80, s10, s11, $0xb8;
	[tilespmem:$0x1C408] =	vst v63  }
0x1e9: {  	s31 =	simm.s32 $0x9DF0;
	p2 =	por p0, p1;
	_ =	swait.ge @!p1 [sflag:s3], $0x1800  }
0x1ea: {  	p0 =	sle.s32 s30, $0x1;
	s4 =	simm.s32 @!p2 $0x14B00;
	[sflag:s3] =	ssyncset.done @!p1 $0x0  }
0x1eb: {  	s10 =	simm.s32 @!p2 $0x30;
	[sflag:s3] =	ssyncadd.s32 @!p1 $0xFFFFE800;
	s3 =	simm.s32 @!p0 $0x2  }
0x1ec: {  	[tilespmem:s4], [sflag:$0x1] =	stream.indirect.gather @!p2 [hbm4b:s1+s10], $0x80, s31, s10, $0xb8;
	[tilespmem:$0x1C408] =	vst v63  }
0x1ed: {  	_ =	swait.ge @!p0 [sflag:s3], $0x1800  }
0x1ee: {  	v6 =	vlaneseq.u32 @!p0;
	s4 =	sadd.s32 @!p0 $0x30, s13;
	[sflag:s3] =	ssyncset.done @!p0 $0x0  }
0x1ef: {  	s10 =	sadd.s32 @!p0 $0x40, s13;
	v7 =	vadd.s32 @!p0 s4, v6;
	[sflag:s3] =	ssyncadd.s32 @!p0 $0xFFFFE800  }
0x1f0: {  	p1 =	sle.s32 @!p0 s30, $0x6;
	v8 =	vadd.s32 @!p0 s10, v6;
	s3 =	sadd.s32 @!p0 $0x50, s13;
	[tilespmem:$0x1C380] =	vst @!p0 v7  }
0x1f1: {  	s11 =	simm.s32 @!p0 $0x7;
	p1 =	por p1, p0;
	v6 =	vadd.s32 @!p0 s3, v6;
	[tilespmem:$0x1C390] =	vst @!p0 v8  }
0x1f2: {  	s4 =	simm.s32 @!p0 $0x1C380;
	s10 =	simm.s32 @!p0 $0x16300;
	s3 =	simm.s32 @!p0 $0x30;
	[tilespmem:$0x1C3A0] =	vst @!p0 v6  }
0x1f3: {  	[hbm4b:s2+s3] =	stream.indirect.scatter @!p0 [tilespmem:s10], [sflag:$0x7], $0x80, s4, s3, $0xb8;
	[tilespmem:$0x1C408] =	vst v63  }
0x1f4: {  	p2 =	sle.s32 s30, $0x2;
	s10 =	sadd.s32 $0xFFFFFFFF, s0;
	_ =	swait.ge @!p0 [sflag:s11], $0x1800  }
0x1f5: {  	s0 =	simm.s32 @!p1 $0x30;
	s3 =	simm.s32 @!p1 $0x9E20;
	[sflag:s11] =	ssyncset.done @!p0 $0x0  }
0x1f6: {  	s4 =	simm.s32 @!p1 $0x16300;
	[sflag:s11] =	ssyncadd.s32 @!p0 $0xFFFFE800;
	p0 =	sne.s32 s10, $0x0  }
0x1f7: {  	[tilespmem:s4], [sflag:$0x2] =	stream.indirect.gather @!p1 [hbm4b:s1+s0], $0x80, s3, s0, $0xb8;
	[tilespmem:$0x1C408] =	vst v63  }
.Ltmp36:
0x1f8: {  	s29 =	simm.s32 @!p2 $0x3;
	s11 =	sadd.s32 @!p2 $0x70, s13;
	(pc) =	sbr.rel @!p0 .LBB2_42-.Ltmp36, $4  }
0x1f9: {  	s4 =	simm.s32 $0x9;
	s0 =	sadd.s32 @!p2 $0x80, s13;
	_ =	swait.ge @!p2 [sflag:s29], $0x1800  }
0x1fa: {  	v6 =	vlaneseq.u32 @!p2;
	s3 =	sadd.s32 @!p2 $0x60, s13;
	p1 =	sle.s32 @!p2 s30, $0x7;
	[sflag:s29] =	ssyncset.done @!p2 $0x0  }
0x1fb: {  	v7 =	vadd.s32 @!p2 s11, v6;
	s11 =	simm.s32 $0x9EE0;
	v8 =	vadd.s32 @!p2 s3, v6;
	p1 =	por p1, p2;
	[sflag:s29] =	ssyncadd.s32 @!p2 $0xFFFFE800  }
0x1fc: {  	v6 =	vadd.s32 @!p2 s0, v6;
	s3 =	simm.s32 $0xE;
	s0 =	smov.u32 s13;
	s29 =	smov.u32 s13;
	[tilespmem:$0x1C380] =	vst @!p2 v8  }
.LBB2_41:
0x1fd: {  	s10 =	sadd.s32 $0xFFFFFFFF, s10;
	[tilespmem:$0x1C390] =	vst @!p2 v7;
	s14 =	simm.s32 @!p2 $0x8;
	s0 =	sadd.s32 $0xF0, s0  }
0x1fe: {  	s6 =	simm.s32 @!p2 $0x30;
	s7 =	simm.s32 @!p2 $0x1C380;
	s8 =	simm.s32 @!p2 $0x17B00;
	[tilespmem:$0x1C3A0] =	vst @!p2 v6  }
0x1ff: {  	[hbm4b:s2+s6] =	stream.indirect.scatter @!p2 [tilespmem:s8], [sflag:$0x8], $0x80, s7, s6, $0xb8;
	[tilespmem:$0x1C408] =	vst v63  }
0x200: {  	p0 =	sne.s32 s10, $0x0;
	_ =	swait.ge @!p2 [sflag:s14], $0x1800  }
0x201: {  	s6 =	simm.s32 @!p1 $0x17B00;
	s7 =	sadd.s32 $0xFFFFFFFA, s4;
	[sflag:s14] =	ssyncset.done @!p2 $0x0  }
0x202: {  	s8 =	sadd.s32 @!p1 $0x60, s31;
	[sflag:s14] =	ssyncadd.s32 @!p2 $0xFFFFE800;
	p2 =	sge.s32 s7, s30  }
0x203: {  	s7 =	simm.s32 @!p2 $0x4;
	s14 =	sadd.s32 @!p2 $0x90, s29;
	s9 =	sadd.s32 @!p2 $0xB0, s29  }
0x204: {  	s26 =	simm.s32 @!p1 $0x30;
	v6 =	vlaneseq.u32 @!p2;
	s12 =	sadd.s32 @!p2 $0xA0, s29;
	s25 =	sadd.s32 @!p2 $0xFFFFFFFF, s4  }
0x205: {  	v7 =	vadd.s32 @!p2 s14, v6;
	v8 =	vadd.s32 @!p2 s12, v6;
	[tilespmem:s6], [sflag:$0x3] =	stream.indirect.gather @!p1 [hbm4b:s1+s26], $0x80, s8, s26, $0xb8;
	[tilespmem:$0x1C408] =	vst v63  }
0x206: {  	v6 =	vadd.s32 @!p2 s9, v6;
	p1 =	sge.s32 @!p2 s25, s30;
	_ =	swait.ge @!p2 [sflag:s7], $0x1800  }
0x207: {  	p4 =	por p1, p2;
	[sflag:s7] =	ssyncset.done @!p2 $0x0  }
0x208: {  	s6 =	sadd.s32 $0xFFFFFFF7, s3;
	[sflag:s7] =	ssyncadd.s32 @!p2 $0xFFFFE800;
	s7 =	simm.s32 @!p4 $0x19300  }
0x209: {  	s9 =	simm.s32 @!p2 $0x9;
	s8 =	simm.s32 @!p2 $0x19300;
	s12 =	simm.s32 @!p4 $0x30;
	[tilespmem:$0x1C380] =	vst @!p2 v7  }
0x20a: {  	s14 =	simm.s32 @!p2 $0x1C380;
	p1 =	sge.s32 s6, s30;
	s6 =	simm.s32 @!p2 $0x30;
	[tilespmem:$0x1C390] =	vst @!p2 v8  }
0x20b: {  	s25 =	sadd.s32 @!p1 $0x10, s0;
	s26 =	sadd.s32 @!p1 $0x20, s0;
	s24 =	sadd.s32 @!p1 $0xFFFFFFFC, s3;
	v7 =	vlaneseq.u32 @!p1;
	[tilespmem:$0x1C3A0] =	vst @!p2 v6  }
0x20c: {  	v8 =	vadd.s32 @!p1 s25, v7;
	v6 =	vadd.s32 @!p1 s0, v7;
	[hbm4b:s2+s6] =	stream.indirect.scatter @!p2 [tilespmem:s8], [sflag:$0x9], $0x80, s14, s6, $0xb8;
	[tilespmem:$0x1C408] =	vst v63  }
0x20d: {  	p3 =	sge.u32 @!p1 s24, s30;
	v7 =	vadd.s32 @!p1 s26, v7;
	s6 =	sadd.s32 $0xFFFFFFFB, s4;
	_ =	swait.ge @!p2 [sflag:s9], $0x1800  }
0x20e: {  	p3 =	por p3, p1;
	p5 =	sge.s32 s6, s30;
	[sflag:s9] =	ssyncset.done @!p2 $0x0  }
0x20f: {  	s6 =	sadd.s32 @!p4 $0x90, s31;
	s8 =	simm.s32 @!p5 $0x5;
	v9 =	vlaneseq.u32 @!p5;
	[sflag:s9] =	ssyncadd.s32 @!p2 $0xFFFFE800  }
0x210: {  	[tilespmem:s7], [sflag:$0x4] =	stream.indirect.gather @!p4 [hbm4b:s1+s12], $0x80, s6, s12, $0xb8;
	[tilespmem:$0x1C408] =	vst v63  }
0x211: {  	s6 =	sadd.s32 @!p5 $0xC0, s29;
	s7 =	sadd.s32 @!p5 $0xD0, s29;
	_ =	swait.ge @!p5 [sflag:s8], $0x1800  }
0x212: {  	s9 =	simm.s32 @!p1 $0x1;
	v10 =	vadd.s32 @!p5 s6, v9;
	v11 =	vadd.s32 @!p5 s7, v9;
	s6 =	sadd.s32 @!p5 $0xE0, s29;
	[sflag:s8] =	ssyncset.done @!p5 $0x0  }
0x213: {  	p2 =	sge.s32 @!p5 s4, s30;
	s29 =	smov.u32 s0;
	v9 =	vadd.s32 @!p5 s6, v9;
	[sflag:s8] =	ssyncadd.s32 @!p5 $0xFFFFE800  }
0x214: {  	s4 =	sadd.s32 $0xFFFFFFF8, s3;
	p2 =	por p2, p5;
	s6 =	simm.s32 @!p5 $0xA;
	[tilespmem:$0x1C380] =	vst @!p5 v10  }
0x215: {  	p4 =	sge.s32 s4, s30;
	s4 =	simm.s32 @!p5 $0x1C380;
	s7 =	simm.s32 @!p5 $0x1AB00;
	[tilespmem:$0x1C390] =	vst @!p5 v11  }
0x216: {  	s14 =	simm.s32 @!p5 $0x30;
	s12 =	sadd.s32 @!p4 $0x40, s0;
	s8 =	sadd.s32 @!p4 $0x30, s0;
	[tilespmem:$0x1C3A0] =	vst @!p5 v9  }
0x217: {  	v9 =	vlaneseq.u32 @!p4;
	[hbm4b:s2+s14] =	stream.indirect.scatter @!p5 [tilespmem:s7], [sflag:$0xA], $0x80, s4, s14, $0xb8;
	[tilespmem:$0x1C408] =	vst v63  }
0x218: {  	v10 =	vadd.s32 @!p4 s8, v9;
	v11 =	vadd.s32 @!p4 s12, v9;
	s4 =	sadd.s32 @!p4 $0x50, s0;
	s7 =	sadd.s32 @!p4 $0xFFFFFFFD, s3;
	_ =	swait.ge @!p5 [sflag:s6], $0x1800  }
0x219: {  	v9 =	vadd.s32 @!p4 s4, v9;
	p6 =	sge.s32 @!p4 s7, s30;
	s4 =	simm.s32 @!p2 $0x1AB00;
	[sflag:s6] =	ssyncset.done @!p5 $0x0  }
0x21a: {  	s7 =	simm.s32 @!p2 $0x30;
	[sflag:s6] =	ssyncadd.s32 @!p5 $0xFFFFE800;
	s6 =	sadd.s32 @!p2 $0xC0, s31  }
0x21b: {  	[tilespmem:s4], [sflag:$0x5] =	stream.indirect.gather @!p2 [hbm4b:s1+s7], $0x80, s6, s7, $0xb8;
	[tilespmem:$0x1C408] =	vst v63  }
0x21c: {  	s31 =	smov.u32 s11;
	s4 =	smov.u32 s3;
	_ =	swait.ge @!p1 [sflag:s9], $0x1800  }
0x21d: {  	s6 =	simm.s32 @!p4 $0x30;
	s7 =	simm.s32 @!p4 $0x1C380;
	[sflag:s9] =	ssyncset.done @!p1 $0x0  }
0x21e: {  	p5 =	por p6, p4;
	[sflag:s9] =	ssyncadd.s32 @!p1 $0xFFFFE800  }
0x21f: {  	s8 =	simm.s32 @!p5 $0x30;
	[tilespmem:$0x1C3A0] =	vst @!p1 v7  }
0x220: {  	s12 =	sadd.s32 $0xFFFFFFF9, s3;
	s9 =	simm.s32 @!p1 $0x6;
	[tilespmem:$0x1C390] =	vst @!p1 v8  }
0x221: {  	s14 =	simm.s32 @!p1 $0x14B00;
	s24 =	sadd.s32 @!p5 $0x30, s11;
	p2 =	sge.s32 s12, s30;
	[tilespmem:$0x1C380] =	vst @!p1 v6  }
0x222: {  	s12 =	simm.s32 @!p1 $0x1C380;
	s25 =	simm.s32 @!p2 $0x3;
	s26 =	sadd.s32 @!p2 $0x80, s0  }
0x223: {  	s28 =	simm.s32 @!p1 $0x30;
	s20 =	sadd.s32 @!p2 $0x60, s0;
	s23 =	sadd.s32 @!p2 $0x70, s0;
	v6 =	vlaneseq.u32 @!p2  }
0x224: {  	v8 =	vadd.s32 @!p2 s20, v6;
	v7 =	vadd.s32 @!p2 s23, v6;
	[hbm4b:s2+s28] =	stream.indirect.scatter @!p1 [tilespmem:s14], [sflag:$0x6], $0x80, s12, s28, $0xb8;
	[tilespmem:$0x1C408] =	vst v63  }
0x225: {  	v6 =	vadd.s32 @!p2 s26, v6;
	s12 =	simm.s32 @!p3 $0x14B00;
	s14 =	sadd.s32 @!p2 $0xFFFFFFFE, s3;
	_ =	swait.ge @!p1 [sflag:s9], $0x1800  }
0x226: {  	s20 =	simm.s32 @!p3 $0x30;
	p6 =	sge.s32 @!p2 s14, s30;
	[sflag:s9] =	ssyncset.done @!p1 $0x0  }
0x227: {  	[sflag:s9] =	ssyncadd.s32 @!p1 $0xFFFFE800;
	s9 =	simm.s32 @!p4 $0x2;
	p1 =	por p6, p2  }
0x228: {  	[tilespmem:s12], [sflag:$0x1] =	stream.indirect.gather @!p3 [hbm4b:s1+s20], $0x80, s11, s20, $0xb8;
	[tilespmem:$0x1C408] =	vst v63  }
0x229: {  	_ =	swait.ge @!p4 [sflag:s9], $0x1800  }
0x22a: {  	[sflag:s9] =	ssyncset.done @!p4 $0x0  }
0x22b: {  	[sflag:s9] =	ssyncadd.s32 @!p4 $0xFFFFE800  }
0x22c: {  	[tilespmem:$0x1C380] =	vst @!p4 v10  }
0x22d: {  	[tilespmem:$0x1C390] =	vst @!p4 v11  }
0x22e: {  	s12 =	simm.s32 @!p4 $0x7;
	s9 =	simm.s32 @!p4 $0x16300;
	[tilespmem:$0x1C3A0] =	vst @!p4 v9  }
0x22f: {  	[hbm4b:s2+s6] =	stream.indirect.scatter @!p4 [tilespmem:s9], [sflag:$0x7], $0x80, s7, s6, $0xb8;
	[tilespmem:$0x1C408] =	vst v63  }
0x230: {  	_ =	swait.ge @!p4 [sflag:s12], $0x1800  }
0x231: {  	[sflag:s12] =	ssyncset.done @!p4 $0x0  }
0x232: {  	s6 =	simm.s32 @!p5 $0x16300;
	[sflag:s12] =	ssyncadd.s32 @!p4 $0xFFFFE800  }
0x233: {  	[tilespmem:s6], [sflag:$0x2] =	stream.indirect.gather @!p5 [hbm4b:s1+s8], $0x80, s24, s8, $0xb8;
	[tilespmem:$0x1C408] =	vst v63  }
.Ltmp37:
0x234: {  	_ = 	snop;
	(pc) =	sbr.rel @p0 .LBB2_41-.Ltmp37, $4  }
0x235: {  	_ =	swait.ge @!p2 [sflag:s25], $0x1800  }
0x236: {  	[sflag:s25] =	ssyncset.done @!p2 $0x0  }
0x237: {  	[sflag:s25] =	ssyncadd.s32 @!p2 $0xFFFFE800  }
0x238: {  	s3 =	sadd.s32 $0x5, s3;
	s11 =	sadd.s32 $0xF0, s11;
	[tilespmem:$0x1C380] =	vst @!p2 v8  }
.LBB2_42:
0x239: {  	[tilespmem:$0x1C390] =	vst @!p2 v7;
	s0 =	simm.s32 @!p2 $0x8  }
0x23a: {  	[tilespmem:$0x1C3A0] =	vst @!p2 v6;
	s3 =	simm.s32 @!p2 $0x30;
	s6 =	simm.s32 @!p2 $0x1C380;
	s7 =	simm.s32 @!p2 $0x17B00  }
0x23b: {  	[hbm4b:s2+s3] =	stream.indirect.scatter @!p2 [tilespmem:s7], [sflag:$0x8], $0x80, s6, s3, $0xb8;
	[tilespmem:$0x1C408] =	vst v63  }
0x23c: {  	s26 =	sadd.s32 $0xFFFFFFFA, s4;
	s6 =	simm.s32 @!p1 $0x17B00;
	_ =	swait.ge @!p2 [sflag:s0], $0x1800  }
0x23d: {  	p0 =	sge.s32 s26, s30;
	s7 =	simm.s32 @!p1 $0x30;
	[sflag:s0] =	ssyncset.done @!p2 $0x0  }
0x23e: {  	s3 =	simm.s32 @!p0 $0x4;
	[sflag:s0] =	ssyncadd.s32 @!p2 $0xFFFFE800;
	s0 =	sadd.s32 @!p1 $0x60, s31  }
0x23f: {  	[tilespmem:s6], [sflag:$0x3] =	stream.indirect.gather @!p1 [hbm4b:s1+s7], $0x80, s0, s7, $0xb8;
	[tilespmem:$0x1C408] =	vst v63  }
0x240: {  	_ =	swait.ge @!p0 [sflag:s3], $0x1800  }
0x241: {  	v6 =	vlaneseq.u32 @!p0;
	s0 =	sadd.s32 @!p0 $0x90, s29;
	[sflag:s3] =	ssyncset.done @!p0 $0x0  }
0x242: {  	s6 =	sadd.s32 @!p0 $0xA0, s29;
	v7 =	vadd.s32 @!p0 s0, v6;
	[sflag:s3] =	ssyncadd.s32 @!p0 $0xFFFFE800  }
0x243: {  	s7 =	sadd.s32 @!p0 $0xFFFFFFFF, s4;
	s0 =	sadd.s32 @!p0 $0xB0, s29;
	v8 =	vadd.s32 @!p0 s6, v6;
	[tilespmem:$0x1C380] =	vst @!p0 v7  }
0x244: {  	s28 =	sadd.s32 $0xFFFFFFFB, s4;
	p1 =	sge.s32 @!p0 s7, s30;
	s6 =	simm.s32 @!p0 $0x30;
	v6 =	vadd.s32 @!p0 s0, v6;
	[tilespmem:$0x1C390] =	vst @!p0 v8  }
0x245: {  	s7 =	simm.s32 @!p0 $0x1C380;
	s0 =	simm.s32 @!p0 $0x19300;
	s3 =	simm.s32 @!p0 $0x9;
	[tilespmem:$0x1C3A0] =	vst @!p0 v6  }
0x246: {  	[hbm4b:s2+s6] =	stream.indirect.scatter @!p0 [tilespmem:s0], [sflag:$0x9], $0x80, s7, s6, $0xb8;
	[tilespmem:$0x1C408] =	vst v63  }
0x247: {  	p2 =	por p1, p0;
	p1 =	sge.s32 s28, s30;
	_ =	swait.ge @!p0 [sflag:s3], $0x1800  }
0x248: {  	s0 =	simm.s32 @!p2 $0x19300;
	s7 =	simm.s32 @!p2 $0x30;
	[sflag:s3] =	ssyncset.done @!p0 $0x0  }
0x249: {  	s6 =	simm.s32 @!p1 $0x5;
	[sflag:s3] =	ssyncadd.s32 @!p0 $0xFFFFE800;
	s3 =	sadd.s32 @!p2 $0x90, s31  }
0x24a: {  	[tilespmem:s0], [sflag:$0x4] =	stream.indirect.gather @!p2 [hbm4b:s1+s7], $0x80, s3, s7, $0xb8;
	[tilespmem:$0x1C408] =	vst v63  }
0x24b: {  	_ =	swait.ge @!p1 [sflag:s6], $0x1800  }
0x24c: {  	v6 =	vlaneseq.u32 @!p1;
	s0 =	sadd.s32 @!p1 $0xC0, s29;
	[sflag:s6] =	ssyncset.done @!p1 $0x0  }
0x24d: {  	s3 =	sadd.s32 @!p1 $0xD0, s29;
	v7 =	vadd.s32 @!p1 s0, v6;
	[sflag:s6] =	ssyncadd.s32 @!p1 $0xFFFFE800  }
0x24e: {  	v8 =	vadd.s32 @!p1 s3, v6;
	s0 =	sadd.s32 @!p1 $0xE0, s29;
	[tilespmem:$0x1C380] =	vst @!p1 v7  }
0x24f: {  	p0 =	sge.s32 @!p1 s4, s30;
	s4 =	simm.s32 @!p1 $0x1AB00;
	v6 =	vadd.s32 @!p1 s0, v6;
	[tilespmem:$0x1C390] =	vst @!p1 v8  }
0x250: {  	s3 =	simm.s32 @!p1 $0x1C380;
	s0 =	simm.s32 @!p1 $0xA;
	s6 =	simm.s32 @!p1 $0x30;
	[tilespmem:$0x1C3A0] =	vst @!p1 v6  }
0x251: {  	[hbm4b:s2+s6] =	stream.indirect.scatter @!p1 [tilespmem:s4], [sflag:$0xA], $0x80, s3, s6, $0xb8;
	[tilespmem:$0x1C408] =	vst v63  }
0x252: {  	s8 =	simm.s32 $0xC;
	_ =	swait.ge @!p1 [sflag:s0], $0x1800  }
0x253: {  	s9 =	simm.s32 $0x1C380;
	p0 =	por p0, p1;
	s14 =	rddreg [dreg:$0x9]  }
0x254: {  	s12 =	simm.s32 $0x1C390;
	s3 =	simm.s32 @!p0 $0x1AB00;
	s6 =	rddreg [dreg:$0xa]  }
0x255: {  	s4 =	simm.s32 @!p0 $0x30;
	[sflag:s0] =	ssyncset.done @!p1 $0x0;
	s7 =	rddreg [dreg:$0xb]  }
0x256: {  	s20 =	rddreg [dreg:$0xc];
	[sflag:s0] =	ssyncadd.s32 @!p1 $0xFFFFE800;
	s0 =	sadd.s32 @!p0 $0xC0, s31  }
0x257: {  	[tilespmem:s3], [sflag:$0x5] =	stream.indirect.gather @!p0 [hbm4b:s1+s4], $0x80, s0, s4, $0xb8;
	[tilespmem:$0x1C408] =	vst v63  }
.LBB2_43:
0x258: {  	s4 =	smul.u32 $0x30, s30;
	_ =	sdelay $0x1  }
0x259: {  	p0 =	sge.s32 s4, s20  }
.Ltmp38:
0x25a: {  	_ = 	snop;
	(pc) =	sbr.rel @p0 .LBB2_62-.Ltmp38, $1  }
0x25b: {  	_ =	sdelay $0x3  }
0x25c: {  	s3 =	sadd.s32 s6, s7;
	s0 =	sadd.s32 $0x1, s4  }
0x25d: {  	p1 =	sne.s32 s3, s0  }
.Ltmp39:
0x25e: {  	_ = 	snop;
	(pc) =	sbr.rel @!p1 .LBB2_61-.Ltmp39, $2  }
0x25f: {  	_ =	sdelay $0x2  }
0x260: {  	v6 =	vmov s4;
	p0 =	por $0x0, $0x0  }
0x261: {  	_ =	sdelay $0x3  }
0x262: {  	v6 =	vld.idx.msk [tilespmem:v6+s17+$0x0], $0xffff;
	_ =	sdelay $0x1  }
0x263: {  	s4 =	sadd.s32 s4, s13  }
0x264: {  	v7 =	vmov s4  }
0x265: {  	[tilespmem:$0x1C390] =	vst v7  }
0x266: {  	s4 =	sadd.s32 $0x1, s0;
	[tilespmem:$0x1C380] =	vst v6  }
0x267: {  	[tilespmem:s21], [sflag:$0xB] =	stream.indirect.gather [hbm4b:s1+s15], $0x80, s9, s15, $0xb8;
	[tilespmem:$0x1C408] =	vst v63  }
0x268: {  	p1 =	sne.s32 s3, s4;
	_ =	swait.ge [sflag:s22], $0x80  }
.Ltmp40:
0x269: {  	[sflag:s22] =	ssyncset.done $0x0;
	(pc) =	sbr.rel @!p1 .LBB2_46-.Ltmp40, $4  }
0x26a: {  	v6 =	vmov s0;
	[sflag:s22] =	ssyncadd.s32 $0xFFFFFF80  }
0x26b: {  	[hbm4b:s2+s15] =	stream.indirect.scatter [tilespmem:s21], [sflag:$0xB], $0x80, s12, s15, $0xb8;
	[tilespmem:$0x1C408] =	vst v63  }
0x26c: {  	_ =	swait.ge [sflag:s22], $0x80  }
0x26d: {  	p0 =	por $0x1, $0x1;
	[sflag:s22] =	ssyncset.done $0x0  }
.LBB2_59:
0x26e: {  	[sflag:s22] =	ssyncadd.s32 $0xFFFFFF80;
	s6 =	smov.u32 s4;
	s4 =	sadd.s32 $0x1, s4  }
0x26f: {  	p1 =	sne.s32 s3, s4;
	v6 =	vld.idx.msk [tilespmem:v6+s17+$0x0], $0xffff;
	_ =	sdelay $0x2  }
0x270: {  	s7 =	sadd.s32 s0, s13;
	s0 =	smov.u32 s6  }
0x271: {  	v7 =	vmov s7  }
0x272: {  	[tilespmem:$0x1C390] =	vst v7  }
0x273: {  	[tilespmem:$0x1C380] =	vst v6  }
0x274: {  	[tilespmem:s21], [sflag:$0xB] =	stream.indirect.gather [hbm4b:s1+s15], $0x80, s9, s15, $0xb8;
	[tilespmem:$0x1C408] =	vst v63  }
0x275: {  	_ =	swait.ge [sflag:s22], $0x80  }
.Ltmp41:
0x276: {  	[sflag:s22] =	ssyncset.done $0x0;
	(pc) =	sbr.rel @p1 .LBB2_59-.Ltmp41, $4  }
0x277: {  	v6 =	vmov s0;
	[sflag:s22] =	ssyncadd.s32 $0xFFFFFF80  }
0x278: {  	[hbm4b:s2+s15] =	stream.indirect.scatter [tilespmem:s21], [sflag:$0xB], $0x80, s12, s15, $0xb8;
	[tilespmem:$0x1C408] =	vst v63  }
0x279: {  	_ =	swait.ge [sflag:s22], $0x80  }
0x27a: {  	[sflag:s22] =	ssyncset.done $0x0  }
.Ltmp42:
0x27b: {  	(pc) =	sbr.rel .LBB2_61-.Ltmp42, $2  }
0x27c: {  	_ =	sdelay $0x2  }
0x27d: {  	s4 =	smov.u32 s0  }
.LBB2_63:
0x27e: {  	_ =	sfence.sel $0x180000  }
0x27f: {  	[bflag:$0x0] =	sbarrier.arrive $0xFFFF  }
0x280: {  	_ =	strace $0x90000047  }
0x281: {  	s0 =	stileid.u32;
	[bflag:$0x2] =	sbarrier.arrive $0xFFFF  }
0x282: {  	p0 =	sne.s32 s0, $0x0;
	s0 =	rddreg [dreg:$0x4]  }
0x283: {  	s0 =	sadd.s32 @!p0 $0x100000, s0  }
0x284: {  	[sflag:s0] =	ssyncadd.tile.s32 @!p0 $0x1;
	_ =	shalt  }
.Lfunc_end2:
_tile_overlayer_lowered:
.L_overlay_start_2:
0x285: {  	(tag) =	ssettag $0x2  }
0x286: {  	s0 =	rddreg [dreg:$0x0];
	s2 =	stileid.u32  }
0x287: {  	s1 =	rddreg [dreg:$0x1];
	p0 =	sne.s32 s2, $0x0  }
0x288: {  	s3 =	rddreg [dreg:$0x2];
	[bflag:$0x3] =	sbarrier.arrive $0xFFFF;
	s2 =	simm.s32 @!p0 $0x1C0C  }
0x289: {  	[timem:s3], [sflag:s2] =	dma.local @!p0 [hbm:s0], s1  }
0x28a: {  	s0 =	simm.s32 @!p0 $0xC  }
0x28b: {  	_ =	swait.ge @!p0 [sflag:s0], s1  }
0x28c: {  	s1 =	ssub.s32 @!p0 $0x0, s1;
	[sflag:s0] =	ssyncset.done @!p0 $0x0  }
0x28d: {  	[sflag:s0] =	ssyncadd.s32 @!p0 s1  }
0x28e: {  	[bflag:$0x3] =	sbarrier.arrive $0xFFFF  }
0x28f: {  	_ =	shalt  }

</sc_bundles>
